<compile_context>
chip_gen: v7x
topology: tpu7x:2x2x1
jax: 0.10.2.dev20260603
libtpu: 0.0.44.dev20260713+nightly
codegen_flags: <defaults>
</compile_context>

<pallas_src>
import functools

import jax
import jax.numpy as jnp
from jax import lax
from jax.experimental import pallas as pl
from jax.experimental.pallas import tpu as pltpu
from jax.experimental.pallas import tpu_sc as plsc

B, N, K, D = 8, 10000, 5000, 256
NWPB = 4
RNG = N // NWPB
CH = 64
NCHMAX = (RNG + CH - 1) // CH
NKCH = (K + 15) // 16
NRCH = (RNG + 15) // 16


def _make_unpool():
  mesh = plsc.VectorSubcoreMesh(core_axis_name="c", subcore_axis_name="s")

  @functools.partial(
      pl.kernel,
      mesh=mesh,
      compiler_params=pltpu.CompilerParams(needs_layout_passes=False),
      out_type=jax.ShapeDtypeStruct((B, N, D), jnp.float32),
      scratch_types=[
          pltpu.VMEM((K,), jnp.int32),
          pltpu.VMEM((N,), jnp.int32),
          pltpu.VMEM((NCHMAX, CH), jnp.int32),
          pltpu.VMEM((NCHMAX, CH), jnp.int32),
          pltpu.VMEM((NCHMAX, CH), jnp.int32),
          pltpu.VMEM((CH, D), jnp.float32),
          pltpu.VMEM((3 * CH, D), jnp.float32),
          pltpu.SemaphoreType.DMA,
          pltpu.SemaphoreType.DMA,
          pltpu.SemaphoreType.DMA,
      ],
  )
  def unpool(h_hbm, idx_hbm, out_hbm, idx_v, winmap, src2d, dst2d, zdst2d,
             zerobuf, rowbufs, sem_g, sem_s, sem_z):
    wid = lax.axis_index("c") * 16 + lax.axis_index("s")
    b = wid // NWPB
    n0 = (wid % NWPB) * RNG
    iota = lax.iota(jnp.int32, 16)

    pltpu.make_async_copy(idx_hbm.at[b], idx_v, sem_g).start()

    z16 = jnp.zeros((16,), jnp.float32)
    neg1 = jnp.full((16,), -1, jnp.int32)

    def initbuf(r, _):
      for j in range(D // 16):
        zerobuf[r, pl.ds(j * 16, 16)] = z16
      return 0
    lax.fori_loop(0, CH, initbuf, 0)

    def initmap(i, _):
      for j in range(8):
        base = n0 + jnp.minimum(i * 128 + j * 16, RNG - 16)
        winmap[pl.ds(base, 16)] = neg1
      return 0
    lax.fori_loop(0, (RNG + 127) // 128, initmap, 0)

    pltpu.make_async_copy(idx_hbm.at[b], idx_v, sem_g).wait()

    def p1(i, _):
      for j in range(4):
        base = jnp.minimum(i * 64 + j * 16, K - 16)
        v16 = idx_v[pl.ds(base, 16)]
        k16 = base + iota
        plsc.store_scatter(winmap, [v16], k16, mask=k16 >= 0)
      return 0
    lax.fori_loop(0, (K + 63) // 64, p1, 0)

    h_b = h_hbm.at[b]
    out_b = out_hbm.at[b]

    def buf(c):
      return rowbufs.at[pl.ds((c % 3) * CH, CH)]

    def p2unit(u, cur):
      wcv, zf, gf = cur
      for j in range(CH // 16):
        total = u * CH + j * 16
        base = n0 + jnp.minimum(total, RNG - 16)
        w16 = winmap[pl.ds(base, 16)]
        n16 = base + iota
        m = w16 >= 0
        mi = m.astype(jnp.int32)
        cums = jnp.cumsum(mi)
        cnt = plsc.all_reduce_population_count(m)
        pos = wcv + cums - mi
        plsc.store_scatter(src2d, [pos >> 6, pos & 63], w16, mask=m)
        plsc.store_scatter(dst2d, [pos >> 6, pos & 63], n16, mask=m)
        zpos = (total - wcv) + (iota + 1 - cums) - (1 - mi)
        plsc.store_scatter(zdst2d, [zpos >> 6, zpos & 63], n16,
                           mask=jnp.logical_not(m))
        wcv = wcv + cnt
      wcs = wcv[0]
      zcs = (u + 1) * CH - wcs
      zready = zf < (zcs // CH)
      @pl.when(zready)
      def _():
        pltpu.make_async_copy(zerobuf, out_b.at[zdst2d.at[zf]], sem_z).start()
      gready = gf < jnp.minimum(wcs // CH, 3)
      @pl.when(gready)
      def _():
        pltpu.make_async_copy(h_b.at[src2d.at[gf]], buf(gf), sem_g).start()
      return (wcv, zf + zready.astype(jnp.int32),
              gf + gready.astype(jnp.int32))
    zscal = jnp.zeros((), jnp.int32)
    wcv, zf, gf = lax.fori_loop(
        0, NCHMAX, p2unit, (jnp.zeros((16,), jnp.int32), zscal, zscal))
    wc = wcv[0]
    zc = NCHMAX * CH - wc

    nwch = wc // CH
    nzch = zc // CH

    def zfire(c, _):
      @pl.when((c >= zf) & (c < nzch))
      def _():
        pltpu.make_async_copy(zerobuf, out_b.at[zdst2d.at[c]], sem_z).start()
      return 0
    lax.fori_loop(0, NCHMAX, zfire, 0)

    @pl.when((nwch > 0) & (gf < 1))
    def _():
      pltpu.make_async_copy(h_b.at[src2d.at[0]], buf(0), sem_g).start()
    @pl.when((nwch > 1) & (gf < 2))
    def _():
      pltpu.make_async_copy(h_b.at[src2d.at[1]], buf(1), sem_g).start()

    def wloop(c, _):
      @pl.when(c < nwch)
      def _():
        bc = buf(c)
        pltpu.make_async_copy(h_b.at[src2d.at[c]], bc, sem_g).wait()
        pltpu.make_async_copy(bc, out_b.at[dst2d.at[c]], sem_s).start()
        @pl.when((c + 2 < nwch) & (c + 2 >= gf))
        def _():
          @pl.when(c >= 1)
          def _():
            pltpu.make_async_copy(buf(c + 2), out_b.at[dst2d.at[c]],
                                  sem_s).wait()
          pltpu.make_async_copy(h_b.at[src2d.at[c + 2]], buf(c + 2),
                                sem_g).start()
      return 0
    lax.fori_loop(0, NCHMAX, wloop, 0)

    for j in range(3):
      @pl.when(nwch > j)
      def _(j=j):
        pltpu.make_async_copy(buf(j), out_b.at[dst2d.at[j]], sem_s).wait()

    def zdrain(c, _):
      @pl.when(c < nzch)
      def _():
        pltpu.make_async_copy(zerobuf, out_b.at[zdst2d.at[c]], sem_z).wait()
      return 0
    lax.fori_loop(0, NCHMAX, zdrain, 0)

    def tail_idx(list2d, row, t, g):
      cmin = jnp.maximum(jnp.minimum(g * 16, t - 16), 0)
      raw = list2d[row, pl.ds(cmin, 16)]
      sel = (cmin + iota) < t
      return jnp.where(sel, raw, jnp.full((16,), 0, jnp.int32) + raw[0])

    wrow, wt = wc // CH, wc % CH
    rb16 = rowbufs.at[pl.ds(0, 16)]
    for g in range(CH // 16):
      @pl.when(g * 16 < wt)
      def _(g=g):
        sv = tail_idx(src2d, wrow, wt, g)
        dv = tail_idx(dst2d, wrow, wt, g)
        pltpu.async_copy(h_b.at[sv], rb16, sem_g).wait()
        pltpu.async_copy(rb16, out_b.at[dv], sem_s).wait()

    zrow, zt = zc // CH, zc % CH
    zb16 = zerobuf.at[pl.ds(0, 16)]
    for g in range(CH // 16):
      @pl.when(g * 16 < zt)
      def _(g=g):
        zv = tail_idx(zdst2d, zrow, zt, g)
        pltpu.async_copy(zb16, out_b.at[zv], sem_s).wait()

  return unpool


_unpool = _make_unpool()


def kernel(g, h, pre_h, idx):
  del pre_h
  new_h = _unpool(h, idx.astype(jnp.int32))
  return (g, new_h)

# --- scband reference (transcript-rebuilt; emitter-appended) ---
"""Pipeline reference for scband-unpool-85452669321472 (READ-ONLY COPY).

The authoritative reference and input builder live on the scoring server;
editing this copy changes nothing except your own understanding.
"""

import jax, jax.numpy as jnp
import numpy as np

B, N, K, D = 8, 10000, 5000, 256

def setup_inputs(seed: int = 0) -> dict:
    key = jax.random.key(seed)
    k1, k2, k3, k4 = jax.random.split(key, 4)
    g = jax.random.normal(k1, (B, N), dtype=jnp.float32)
    h = jax.random.normal(k2, (B, K, D), dtype=jnp.float32)
    pre_h = jax.random.normal(k3, (B, N, D), dtype=jnp.float32)
    idx = jax.random.randint(k4, (B, K), 0, N, dtype=jnp.int64)
    return {"g": g, "h": h, "pre_h": pre_h, "idx": idx}

def reference(g, h, pre_h, idx):
    # torch: new_h = zeros_like(pre_h); new_h.scatter_(dim=1, index=idx.unsqueeze(2).expand(B,K,D), src=h)
    new_h = jnp.zeros_like(pre_h)
    batch_idx = jnp.arange(idx.shape[0])[:, None]  # [B,1]
    # scatter-overwrite along dim 1: new_h[b, idx[b,k], :] = h[b,k,:]
    new_h = new_h.at[batch_idx, idx].set(h)
    return (g, new_h)

if __name__ == "__main__":
    import jax
    _d = setup_inputs()
    print(jax.jit(kernel)(*tuple(_d.values())))

</pallas_src>

<mosaic_0001>
#map = affine_map<(d0, d1) -> (0, 0, 0)>
#map1 = affine_map<(d0, d1) -> (0, 0)>
module attributes {stable_mosaic.version = 14 : i64} {
  func.func @unpool(%arg0: i32, %arg1: i32, %arg2: memref<8x5000x256xf32, #tpu.memory_space<hbm>>, %arg3: memref<8x5000xi32, #tpu.memory_space<hbm>>, %arg4: memref<8x10000x256xf32, #tpu.memory_space<hbm>>, %arg5: memref<5000xi32, #tpu.memory_space<vmem>>, %arg6: memref<10000xi32, #tpu.memory_space<vmem>>, %arg7: memref<40x64xi32, #tpu.memory_space<vmem>>, %arg8: memref<40x64xi32, #tpu.memory_space<vmem>>, %arg9: memref<40x64xi32, #tpu.memory_space<vmem>>, %arg10: memref<64x256xf32, #tpu.memory_space<vmem>>, %arg11: memref<192x256xf32, #tpu.memory_space<vmem>>, %arg12: memref<!tpu.dma_semaphore, #tpu.memory_space<semaphore_mem>>, %arg13: memref<!tpu.dma_semaphore, #tpu.memory_space<semaphore_mem>>, %arg14: memref<!tpu.dma_semaphore, #tpu.memory_space<semaphore_mem>>) attributes {dimension_semantics = [#tpu.dimension_semantics<core_parallel>, #tpu.dimension_semantics<subcore_parallel>], iteration_bounds = array<i64: 2, 16>, scalar_prefetch = 0 : i64, scratch_operands = 10 : i64, tpu.core_type = #tpu.core_type<sc_vector_subcore>, window_params = [{transform_indices = #map}, {transform_indices = #map1}, {transform_indices = #map}]} {
    %mul3A = arith.constant 16 : i32
    %mul3A_0 = arith.muli %arg0, %mul3A : i32
    %add3A = arith.addi %mul3A_0, %arg1 : i32
    %jit3A = arith.constant 4 : i32
    %div3A = arith.divsi %add3A, %jit3A : i32
    %sign3A = arith.constant 0 : i32
    %sign3A_1 = arith.cmpi sgt, %add3A, %sign3A : i32
    %sign3A_2 = arith.extui %sign3A_1 : i1 to i32
    %sign3A_3 = arith.constant 0 : i32
    %sign3A_4 = arith.cmpi slt, %add3A, %sign3A_3 : i32
    %sign3A_5 = arith.extui %sign3A_4 : i1 to i32
    %sign3A_6 = arith.subi %sign3A_2, %sign3A_5 : i32
    %sign3A_7 = arith.constant 0 : i32
    %sign3A_8 = arith.cmpi sgt, %jit3A, %sign3A_7 : i32
    %sign3A_9 = arith.extui %sign3A_8 : i1 to i32
    %sign3A_10 = arith.constant 0 : i32
    %sign3A_11 = arith.cmpi slt, %jit3A, %sign3A_10 : i32
    %sign3A_12 = arith.extui %sign3A_11 : i1 to i32
    %sign3A_13 = arith.subi %sign3A_9, %sign3A_12 : i32
    %ne3A = arith.cmpi ne, %sign3A_6, %sign3A_13 : i32
    %rem3A = arith.remsi %add3A, %jit3A : i32
    %ne3A_14 = arith.constant 0 : i32
    %ne3A_15 = arith.cmpi ne, %rem3A, %ne3A_14 : i32
    %and3A = arith.andi %ne3A, %ne3A_15 : i1
    %sub3A = arith.constant 1 : i32
    %sub3A_16 = arith.subi %div3A, %sub3A : i32
    %select_n3A = arith.select %and3A, %sub3A_16, %div3A : i32
    %jit3A_17 = arith.constant 4 : i32
    %eq3A = arith.constant 0 : i32
    %eq3A_18 = arith.cmpi eq, %jit3A_17, %eq3A : i32
    %jit3A_19 = arith.constant 1 : i32
    %select_n3A_20 = arith.select %eq3A_18, %jit3A_19, %jit3A_17 : i32
    %rem3A_21 = arith.remsi %add3A, %select_n3A_20 : i32
    %ne3A_22 = arith.constant 0 : i32
    %ne3A_23 = arith.cmpi ne, %rem3A_21, %ne3A_22 : i32
    %lt3A = arith.constant 0 : i32
    %lt3A_24 = arith.cmpi slt, %rem3A_21, %lt3A : i32
    %lt3A_25 = arith.constant 0 : i32
    %lt3A_26 = arith.cmpi slt, %select_n3A_20, %lt3A_25 : i32
    %ne3A_27 = arith.xori %lt3A_24, %lt3A_26 : i1
    %and3A_28 = arith.andi %ne3A_27, %ne3A_23 : i1
    %add3A_29 = arith.addi %rem3A_21, %select_n3A_20 : i32
    %select_n3A_30 = arith.select %and3A_28, %add3A_29, %rem3A_21 : i32
    %mul3A_31 = arith.constant 2500 : i32
    %mul3A_32 = arith.muli %select_n3A_30, %mul3A_31 : i32
    %iota3A = tpu.iota {dimensions = array<i32: 0>} : vector<16xi32>
    %dma_start3A = arith.constant 0 : i32
    %dma_start3A_33 = tpu.memref_slice %arg3[%select_n3A, %dma_start3A] : memref<8x5000xi32, #tpu.memory_space<hbm>> -> memref<1x5000xi32, #tpu.memory_space<hbm>>
    %dma_start3A_34 = tpu.memref_squeeze %dma_start3A_33 : memref<1x5000xi32, #tpu.memory_space<hbm>> -> memref<5000xi32, #tpu.memory_space<hbm>>
    %dma_start3A_35 = arith.constant 0 : i32
    %dma_start3A_36 = tpu.memref_slice %arg3[%select_n3A, %dma_start3A_35] : memref<8x5000xi32, #tpu.memory_space<hbm>> -> memref<1x5000xi32, #tpu.memory_space<hbm>>
    %dma_start3A_37 = tpu.memref_squeeze %dma_start3A_36 : memref<1x5000xi32, #tpu.memory_space<hbm>> -> memref<5000xi32, #tpu.memory_space<hbm>>
    tpu.enqueue_dma source(%dma_start3A_37 : memref<5000xi32, #tpu.memory_space<hbm>>) target(%arg5 : memref<5000xi32, #tpu.memory_space<vmem>>) target_semaphore(%arg12 : memref<!tpu.dma_semaphore, #tpu.memory_space<semaphore_mem>>)
    %broadcast_in_dim3A = arith.constant 0.000000e+00 : f32
    %broadcast_in_dim3A_38 = vector.broadcast %broadcast_in_dim3A : f32 to vector<16xf32>
    %broadcast_in_dim3A_39 = arith.constant -1 : i32
    %broadcast_in_dim3A_40 = vector.broadcast %broadcast_in_dim3A_39 : i32 to vector<16xi32>
    %scan3A = arith.constant 0 : i32
    %scan3A_41 = arith.constant 0 : i32
    %scan3A_42 = arith.constant 64 : i32
    %scan3A_43 = arith.addi %scan3A_41, %scan3A_42 : i32
    %scan3A_44 = arith.constant 1 : i32
    %scan3A_45 = scf.for %scan3A_295 = %scan3A_41 to %scan3A_43 step %scan3A_44 iter_args(%scan3A_296 = %scan3A) -> (i32)  : i32 {
      %swap3A = arith.index_cast %scan3A_295 : i32 to index
      %swap3A_297 = arith.constant 0 : index
      %swap3A_298 = tpu.vector_load %arg10[%swap3A, %swap3A_297] {strides = array<i32>} : memref<64x256xf32, #tpu.memory_space<vmem>>, vector<16xf32>,
      tpu.vector_store %arg10[%swap3A, %swap3A_297], %broadcast_in_dim3A_38 {strides = array<i32>} : memref<64x256xf32, #tpu.memory_space<vmem>>, vector<16xf32>,
      %swap3A_299 = arith.index_cast %scan3A_295 : i32 to index
      %swap3A_300 = arith.constant 16 : index
      %swap3A_301 = tpu.vector_load %arg10[%swap3A_299, %swap3A_300] {strides = array<i32>} : memref<64x256xf32, #tpu.memory_space<vmem>>, vector<16xf32>,
      tpu.vector_store %arg10[%swap3A_299, %swap3A_300], %broadcast_in_dim3A_38 {strides = array<i32>} : memref<64x256xf32, #tpu.memory_space<vmem>>, vector<16xf32>,
      %swap3A_302 = arith.index_cast %scan3A_295 : i32 to index
      %swap3A_303 = arith.constant 32 : index
      %swap3A_304 = tpu.vector_load %arg10[%swap3A_302, %swap3A_303] {strides = array<i32>} : memref<64x256xf32, #tpu.memory_space<vmem>>, vector<16xf32>,
      tpu.vector_store %arg10[%swap3A_302, %swap3A_303], %broadcast_in_dim3A_38 {strides = array<i32>} : memref<64x256xf32, #tpu.memory_space<vmem>>, vector<16xf32>,
      %swap3A_305 = arith.index_cast %scan3A_295 : i32 to index
      %swap3A_306 = arith.constant 48 : index
      %swap3A_307 = tpu.vector_load %arg10[%swap3A_305, %swap3A_306] {strides = array<i32>} : memref<64x256xf32, #tpu.memory_space<vmem>>, vector<16xf32>,
      tpu.vector_store %arg10[%swap3A_305, %swap3A_306], %broadcast_in_dim3A_38 {strides = array<i32>} : memref<64x256xf32, #tpu.memory_space<vmem>>, vector<16xf32>,
      %swap3A_308 = arith.index_cast %scan3A_295 : i32 to index
      %swap3A_309 = arith.constant 64 : index
      %swap3A_310 = tpu.vector_load %arg10[%swap3A_308, %swap3A_309] {strides = array<i32>} : memref<64x256xf32, #tpu.memory_space<vmem>>, vector<16xf32>,
      tpu.vector_store %arg10[%swap3A_308, %swap3A_309], %broadcast_in_dim3A_38 {strides = array<i32>} : memref<64x256xf32, #tpu.memory_space<vmem>>, vector<16xf32>,
      %swap3A_311 = arith.index_cast %scan3A_295 : i32 to index
      %swap3A_312 = arith.constant 80 : index
      %swap3A_313 = tpu.vector_load %arg10[%swap3A_311, %swap3A_312] {strides = array<i32>} : memref<64x256xf32, #tpu.memory_space<vmem>>, vector<16xf32>,
      tpu.vector_store %arg10[%swap3A_311, %swap3A_312], %broadcast_in_dim3A_38 {strides = array<i32>} : memref<64x256xf32, #tpu.memory_space<vmem>>, vector<16xf32>,
      %swap3A_314 = arith.index_cast %scan3A_295 : i32 to index
      %swap3A_315 = arith.constant 96 : index
      %swap3A_316 = tpu.vector_load %arg10[%swap3A_314, %swap3A_315] {strides = array<i32>} : memref<64x256xf32, #tpu.memory_space<vmem>>, vector<16xf32>,
      tpu.vector_store %arg10[%swap3A_314, %swap3A_315], %broadcast_in_dim3A_38 {strides = array<i32>} : memref<64x256xf32, #tpu.memory_space<vmem>>, vector<16xf32>,
      %swap3A_317 = arith.index_cast %scan3A_295 : i32 to index
      %swap3A_318 = arith.constant 112 : index
      %swap3A_319 = tpu.vector_load %arg10[%swap3A_317, %swap3A_318] {strides = array<i32>} : memref<64x256xf32, #tpu.memory_space<vmem>>, vector<16xf32>,
      tpu.vector_store %arg10[%swap3A_317, %swap3A_318], %broadcast_in_dim3A_38 {strides = array<i32>} : memref<64x256xf32, #tpu.memory_space<vmem>>, vector<16xf32>,
      %swap3A_320 = arith.index_cast %scan3A_295 : i32 to index
      %swap3A_321 = arith.constant 128 : index
      %swap3A_322 = tpu.vector_load %arg10[%swap3A_320, %swap3A_321] {strides = array<i32>} : memref<64x256xf32, #tpu.memory_space<vmem>>, vector<16xf32>,
      tpu.vector_store %arg10[%swap3A_320, %swap3A_321], %broadcast_in_dim3A_38 {strides = array<i32>} : memref<64x256xf32, #tpu.memory_space<vmem>>, vector<16xf32>,
      %swap3A_323 = arith.index_cast %scan3A_295 : i32 to index
      %swap3A_324 = arith.constant 144 : index
      %swap3A_325 = tpu.vector_load %arg10[%swap3A_323, %swap3A_324] {strides = array<i32>} : memref<64x256xf32, #tpu.memory_space<vmem>>, vector<16xf32>,
      tpu.vector_store %arg10[%swap3A_323, %swap3A_324], %broadcast_in_dim3A_38 {strides = array<i32>} : memref<64x256xf32, #tpu.memory_space<vmem>>, vector<16xf32>,
      %swap3A_326 = arith.index_cast %scan3A_295 : i32 to index
      %swap3A_327 = arith.constant 160 : index
      %swap3A_328 = tpu.vector_load %arg10[%swap3A_326, %swap3A_327] {strides = array<i32>} : memref<64x256xf32, #tpu.memory_space<vmem>>, vector<16xf32>,
      tpu.vector_store %arg10[%swap3A_326, %swap3A_327], %broadcast_in_dim3A_38 {strides = array<i32>} : memref<64x256xf32, #tpu.memory_space<vmem>>, vector<16xf32>,
      %swap3A_329 = arith.index_cast %scan3A_295 : i32 to index
      %swap3A_330 = arith.constant 176 : index
      %swap3A_331 = tpu.vector_load %arg10[%swap3A_329, %swap3A_330] {strides = array<i32>} : memref<64x256xf32, #tpu.memory_space<vmem>>, vector<16xf32>,
      tpu.vector_store %arg10[%swap3A_329, %swap3A_330], %broadcast_in_dim3A_38 {strides = array<i32>} : memref<64x256xf32, #tpu.memory_space<vmem>>, vector<16xf32>,
      %swap3A_332 = arith.index_cast %scan3A_295 : i32 to index
      %swap3A_333 = arith.constant 192 : index
      %swap3A_334 = tpu.vector_load %arg10[%swap3A_332, %swap3A_333] {strides = array<i32>} : memref<64x256xf32, #tpu.memory_space<vmem>>, vector<16xf32>,
      tpu.vector_store %arg10[%swap3A_332, %swap3A_333], %broadcast_in_dim3A_38 {strides = array<i32>} : memref<64x256xf32, #tpu.memory_space<vmem>>, vector<16xf32>,
      %swap3A_335 = arith.index_cast %scan3A_295 : i32 to index
      %swap3A_336 = arith.constant 208 : index
      %swap3A_337 = tpu.vector_load %arg10[%swap3A_335, %swap3A_336] {strides = array<i32>} : memref<64x256xf32, #tpu.memory_space<vmem>>, vector<16xf32>,
      tpu.vector_store %arg10[%swap3A_335, %swap3A_336], %broadcast_in_dim3A_38 {strides = array<i32>} : memref<64x256xf32, #tpu.memory_space<vmem>>, vector<16xf32>,
      %swap3A_338 = arith.index_cast %scan3A_295 : i32 to index
      %swap3A_339 = arith.constant 224 : index
      %swap3A_340 = tpu.vector_load %arg10[%swap3A_338, %swap3A_339] {strides = array<i32>} : memref<64x256xf32, #tpu.memory_space<vmem>>, vector<16xf32>,
      tpu.vector_store %arg10[%swap3A_338, %swap3A_339], %broadcast_in_dim3A_38 {strides = array<i32>} : memref<64x256xf32, #tpu.memory_space<vmem>>, vector<16xf32>,
      %swap3A_341 = arith.index_cast %scan3A_295 : i32 to index
      %swap3A_342 = arith.constant 240 : index
      %swap3A_343 = tpu.vector_load %arg10[%swap3A_341, %swap3A_342] {strides = array<i32>} : memref<64x256xf32, #tpu.memory_space<vmem>>, vector<16xf32>,
      tpu.vector_store %arg10[%swap3A_341, %swap3A_342], %broadcast_in_dim3A_38 {strides = array<i32>} : memref<64x256xf32, #tpu.memory_space<vmem>>, vector<16xf32>,
      %scan3A_344 = arith.constant 0 : i32
      scf.yield %scan3A_344 : i32
    }
    %scan3A_46 = arith.constant 64 : i32
    %scan3A_47 = arith.constant 0 : i32
    %scan3A_48 = arith.constant 0 : i32
    %scan3A_49 = arith.constant 20 : i32
    %scan3A_50 = arith.addi %scan3A_48, %scan3A_49 : i32
    %scan3A_51 = arith.constant 1 : i32
    %scan3A_52 = scf.for %scan3A_295 = %scan3A_48 to %scan3A_50 step %scan3A_51 iter_args(%scan3A_296 = %scan3A_47) -> (i32)  : i32 {
      %mul3A_297 = arith.constant 128 : i32
      %mul3A_298 = arith.muli %scan3A_295, %mul3A_297 : i32
      %add3A_299 = arith.constant 0 : i32
      %add3A_300 = arith.addi %mul3A_298, %add3A_299 : i32
      %min3A = arith.constant 2484 : i32
      %min3A_301 = arith.minsi %add3A_300, %min3A : i32
      %add3A_302 = arith.addi %mul3A_32, %min3A_301 : i32
      %swap3A = arith.index_cast %add3A_302 : i32 to index
      %swap3A_303 = tpu.vector_load %arg6[%swap3A] {strides = array<i32>} : memref<10000xi32, #tpu.memory_space<vmem>>, vector<16xi32>,
      tpu.vector_store %arg6[%swap3A], %broadcast_in_dim3A_40 {strides = array<i32>} : memref<10000xi32, #tpu.memory_space<vmem>>, vector<16xi32>,
      %mul3A_304 = arith.constant 128 : i32
      %mul3A_305 = arith.muli %scan3A_295, %mul3A_304 : i32
      %add3A_306 = arith.constant 16 : i32
      %add3A_307 = arith.addi %mul3A_305, %add3A_306 : i32
      %min3A_308 = arith.constant 2484 : i32
      %min3A_309 = arith.minsi %add3A_307, %min3A_308 : i32
      %add3A_310 = arith.addi %mul3A_32, %min3A_309 : i32
      %swap3A_311 = arith.index_cast %add3A_310 : i32 to index
      %swap3A_312 = tpu.vector_load %arg6[%swap3A_311] {strides = array<i32>} : memref<10000xi32, #tpu.memory_space<vmem>>, vector<16xi32>,
      tpu.vector_store %arg6[%swap3A_311], %broadcast_in_dim3A_40 {strides = array<i32>} : memref<10000xi32, #tpu.memory_space<vmem>>, vector<16xi32>,
      %mul3A_313 = arith.constant 128 : i32
      %mul3A_314 = arith.muli %scan3A_295, %mul3A_313 : i32
      %add3A_315 = arith.constant 32 : i32
      %add3A_316 = arith.addi %mul3A_314, %add3A_315 : i32
      %min3A_317 = arith.constant 2484 : i32
      %min3A_318 = arith.minsi %add3A_316, %min3A_317 : i32
      %add3A_319 = arith.addi %mul3A_32, %min3A_318 : i32
      %swap3A_320 = arith.index_cast %add3A_319 : i32 to index
      %swap3A_321 = tpu.vector_load %arg6[%swap3A_320] {strides = array<i32>} : memref<10000xi32, #tpu.memory_space<vmem>>, vector<16xi32>,
      tpu.vector_store %arg6[%swap3A_320], %broadcast_in_dim3A_40 {strides = array<i32>} : memref<10000xi32, #tpu.memory_space<vmem>>, vector<16xi32>,
      %mul3A_322 = arith.constant 128 : i32
      %mul3A_323 = arith.muli %scan3A_295, %mul3A_322 : i32
      %add3A_324 = arith.constant 48 : i32
      %add3A_325 = arith.addi %mul3A_323, %add3A_324 : i32
      %min3A_326 = arith.constant 2484 : i32
      %min3A_327 = arith.minsi %add3A_325, %min3A_326 : i32
      %add3A_328 = arith.addi %mul3A_32, %min3A_327 : i32
      %swap3A_329 = arith.index_cast %add3A_328 : i32 to index
      %swap3A_330 = tpu.vector_load %arg6[%swap3A_329] {strides = array<i32>} : memref<10000xi32, #tpu.memory_space<vmem>>, vector<16xi32>,
      tpu.vector_store %arg6[%swap3A_329], %broadcast_in_dim3A_40 {strides = array<i32>} : memref<10000xi32, #tpu.memory_space<vmem>>, vector<16xi32>,
      %mul3A_331 = arith.constant 128 : i32
      %mul3A_332 = arith.muli %scan3A_295, %mul3A_331 : i32
      %add3A_333 = arith.constant 64 : i32
      %add3A_334 = arith.addi %mul3A_332, %add3A_333 : i32
      %min3A_335 = arith.constant 2484 : i32
      %min3A_336 = arith.minsi %add3A_334, %min3A_335 : i32
      %add3A_337 = arith.addi %mul3A_32, %min3A_336 : i32
      %swap3A_338 = arith.index_cast %add3A_337 : i32 to index
      %swap3A_339 = tpu.vector_load %arg6[%swap3A_338] {strides = array<i32>} : memref<10000xi32, #tpu.memory_space<vmem>>, vector<16xi32>,
      tpu.vector_store %arg6[%swap3A_338], %broadcast_in_dim3A_40 {strides = array<i32>} : memref<10000xi32, #tpu.memory_space<vmem>>, vector<16xi32>,
      %mul3A_340 = arith.constant 128 : i32
      %mul3A_341 = arith.muli %scan3A_295, %mul3A_340 : i32
      %add3A_342 = arith.constant 80 : i32
      %add3A_343 = arith.addi %mul3A_341, %add3A_342 : i32
      %min3A_344 = arith.constant 2484 : i32
      %min3A_345 = arith.minsi %add3A_343, %min3A_344 : i32
      %add3A_346 = arith.addi %mul3A_32, %min3A_345 : i32
      %swap3A_347 = arith.index_cast %add3A_346 : i32 to index
      %swap3A_348 = tpu.vector_load %arg6[%swap3A_347] {strides = array<i32>} : memref<10000xi32, #tpu.memory_space<vmem>>, vector<16xi32>,
      tpu.vector_store %arg6[%swap3A_347], %broadcast_in_dim3A_40 {strides = array<i32>} : memref<10000xi32, #tpu.memory_space<vmem>>, vector<16xi32>,
      %mul3A_349 = arith.constant 128 : i32
      %mul3A_350 = arith.muli %scan3A_295, %mul3A_349 : i32
      %add3A_351 = arith.constant 96 : i32
      %add3A_352 = arith.addi %mul3A_350, %add3A_351 : i32
      %min3A_353 = arith.constant 2484 : i32
      %min3A_354 = arith.minsi %add3A_352, %min3A_353 : i32
      %add3A_355 = arith.addi %mul3A_32, %min3A_354 : i32
      %swap3A_356 = arith.index_cast %add3A_355 : i32 to index
      %swap3A_357 = tpu.vector_load %arg6[%swap3A_356] {strides = array<i32>} : memref<10000xi32, #tpu.memory_space<vmem>>, vector<16xi32>,
      tpu.vector_store %arg6[%swap3A_356], %broadcast_in_dim3A_40 {strides = array<i32>} : memref<10000xi32, #tpu.memory_space<vmem>>, vector<16xi32>,
      %mul3A_358 = arith.constant 128 : i32
      %mul3A_359 = arith.muli %scan3A_295, %mul3A_358 : i32
      %add3A_360 = arith.constant 112 : i32
      %add3A_361 = arith.addi %mul3A_359, %add3A_360 : i32
      %min3A_362 = arith.constant 2484 : i32
      %min3A_363 = arith.minsi %add3A_361, %min3A_362 : i32
      %add3A_364 = arith.addi %mul3A_32, %min3A_363 : i32
      %swap3A_365 = arith.index_cast %add3A_364 : i32 to index
      %swap3A_366 = tpu.vector_load %arg6[%swap3A_365] {strides = array<i32>} : memref<10000xi32, #tpu.memory_space<vmem>>, vector<16xi32>,
      tpu.vector_store %arg6[%swap3A_365], %broadcast_in_dim3A_40 {strides = array<i32>} : memref<10000xi32, #tpu.memory_space<vmem>>, vector<16xi32>,
      %scan3A_367 = arith.constant 0 : i32
      scf.yield %scan3A_367 : i32
    }
    %scan3A_53 = arith.constant 20 : i32
    %dma_wait3A = arith.constant 0 : i32
    %dma_wait3A_54 = tpu.memref_slice %arg3[%select_n3A, %dma_wait3A] : memref<8x5000xi32, #tpu.memory_space<hbm>> -> memref<1x5000xi32, #tpu.memory_space<hbm>>
    %dma_wait3A_55 = tpu.memref_squeeze %dma_wait3A_54 : memref<1x5000xi32, #tpu.memory_space<hbm>> -> memref<5000xi32, #tpu.memory_space<hbm>>
    %dma_wait3A_56 = arith.constant 0 : i32
    %dma_wait3A_57 = tpu.memref_slice %arg3[%select_n3A, %dma_wait3A_56] : memref<8x5000xi32, #tpu.memory_space<hbm>> -> memref<1x5000xi32, #tpu.memory_space<hbm>>
    %dma_wait3A_58 = tpu.memref_squeeze %dma_wait3A_57 : memref<1x5000xi32, #tpu.memory_space<hbm>> -> memref<5000xi32, #tpu.memory_space<hbm>>
    tpu.wait_dma2 semaphore(%arg12 : memref<!tpu.dma_semaphore, #tpu.memory_space<semaphore_mem>>) src(%dma_wait3A_58 : memref<5000xi32, #tpu.memory_space<hbm>>) dst(%arg5 : memref<5000xi32, #tpu.memory_space<vmem>>)
    %scan3A_59 = arith.constant 0 : i32
    %scan3A_60 = arith.constant 0 : i32
    %scan3A_61 = arith.constant 79 : i32
    %scan3A_62 = arith.addi %scan3A_60, %scan3A_61 : i32
    %scan3A_63 = arith.constant 1 : i32
    %scan3A_64 = scf.for %scan3A_295 = %scan3A_60 to %scan3A_62 step %scan3A_63 iter_args(%scan3A_296 = %scan3A_59) -> (i32)  : i32 {
      %mul3A_297 = arith.constant 64 : i32
      %mul3A_298 = arith.muli %scan3A_295, %mul3A_297 : i32
      %add3A_299 = arith.constant 0 : i32
      %add3A_300 = arith.addi %mul3A_298, %add3A_299 : i32
      %min3A = arith.constant 4984 : i32
      %min3A_301 = arith.minsi %add3A_300, %min3A : i32
      %get3A = arith.index_cast %min3A_301 : i32 to index
      %get3A_302 = tpu.vector_load %arg5[%get3A] {strides = array<i32>} : memref<5000xi32, #tpu.memory_space<vmem>>, vector<16xi32>,
      %add3A_303 = vector.broadcast %min3A_301 : i32 to vector<16xi32>
      %add3A_304 = arith.addi %add3A_303, %iota3A : vector<16xi32>
      %ge3A = arith.constant 0 : i32
      %ge3A_305 = vector.broadcast %ge3A : i32 to vector<16xi32>
      %ge3A_306 = arith.cmpi sge, %add3A_304, %ge3A_305 : vector<16xi32>
      tpu.vector_store_idx %arg6[%get3A_302], %add3A_304 masked %ge3A_306 : memref<10000xi32, #tpu.memory_space<vmem>>[vector<16xi32>], vector<16xi32>, vector<16xi1>
      %mul3A_307 = arith.constant 64 : i32
      %mul3A_308 = arith.muli %scan3A_295, %mul3A_307 : i32
      %add3A_309 = arith.constant 16 : i32
      %add3A_310 = arith.addi %mul3A_308, %add3A_309 : i32
      %min3A_311 = arith.constant 4984 : i32
      %min3A_312 = arith.minsi %add3A_310, %min3A_311 : i32
      %get3A_313 = arith.index_cast %min3A_312 : i32 to index
      %get3A_314 = tpu.vector_load %arg5[%get3A_313] {strides = array<i32>} : memref<5000xi32, #tpu.memory_space<vmem>>, vector<16xi32>,
      %add3A_315 = vector.broadcast %min3A_312 : i32 to vector<16xi32>
      %add3A_316 = arith.addi %add3A_315, %iota3A : vector<16xi32>
      %ge3A_317 = arith.constant 0 : i32
      %ge3A_318 = vector.broadcast %ge3A_317 : i32 to vector<16xi32>
      %ge3A_319 = arith.cmpi sge, %add3A_316, %ge3A_318 : vector<16xi32>
      tpu.vector_store_idx %arg6[%get3A_314], %add3A_316 masked %ge3A_319 : memref<10000xi32, #tpu.memory_space<vmem>>[vector<16xi32>], vector<16xi32>, vector<16xi1>
      %mul3A_320 = arith.constant 64 : i32
      %mul3A_321 = arith.muli %scan3A_295, %mul3A_320 : i32
      %add3A_322 = arith.constant 32 : i32
      %add3A_323 = arith.addi %mul3A_321, %add3A_322 : i32
      %min3A_324 = arith.constant 4984 : i32
      %min3A_325 = arith.minsi %add3A_323, %min3A_324 : i32
      %get3A_326 = arith.index_cast %min3A_325 : i32 to index
      %get3A_327 = tpu.vector_load %arg5[%get3A_326] {strides = array<i32>} : memref<5000xi32, #tpu.memory_space<vmem>>, vector<16xi32>,
      %add3A_328 = vector.broadcast %min3A_325 : i32 to vector<16xi32>
      %add3A_329 = arith.addi %add3A_328, %iota3A : vector<16xi32>
      %ge3A_330 = arith.constant 0 : i32
      %ge3A_331 = vector.broadcast %ge3A_330 : i32 to vector<16xi32>
      %ge3A_332 = arith.cmpi sge, %add3A_329, %ge3A_331 : vector<16xi32>
      tpu.vector_store_idx %arg6[%get3A_327], %add3A_329 masked %ge3A_332 : memref<10000xi32, #tpu.memory_space<vmem>>[vector<16xi32>], vector<16xi32>, vector<16xi1>
      %mul3A_333 = arith.constant 64 : i32
      %mul3A_334 = arith.muli %scan3A_295, %mul3A_333 : i32
      %add3A_335 = arith.constant 48 : i32
      %add3A_336 = arith.addi %mul3A_334, %add3A_335 : i32
      %min3A_337 = arith.constant 4984 : i32
      %min3A_338 = arith.minsi %add3A_336, %min3A_337 : i32
      %get3A_339 = arith.index_cast %min3A_338 : i32 to index
      %get3A_340 = tpu.vector_load %arg5[%get3A_339] {strides = array<i32>} : memref<5000xi32, #tpu.memory_space<vmem>>, vector<16xi32>,
      %add3A_341 = vector.broadcast %min3A_338 : i32 to vector<16xi32>
      %add3A_342 = arith.addi %add3A_341, %iota3A : vector<16xi32>
      %ge3A_343 = arith.constant 0 : i32
      %ge3A_344 = vector.broadcast %ge3A_343 : i32 to vector<16xi32>
      %ge3A_345 = arith.cmpi sge, %add3A_342, %ge3A_344 : vector<16xi32>
      tpu.vector_store_idx %arg6[%get3A_340], %add3A_342 masked %ge3A_345 : memref<10000xi32, #tpu.memory_space<vmem>>[vector<16xi32>], vector<16xi32>, vector<16xi1>
      %scan3A_346 = arith.constant 0 : i32
      scf.yield %scan3A_346 : i32
    }
    %scan3A_65 = arith.constant 79 : i32
    %broadcast_in_dim3A_66 = arith.constant 0 : i32
    %broadcast_in_dim3A_67 = vector.broadcast %broadcast_in_dim3A_66 : i32 to vector<16xi32>
    %scan3A_68 = arith.constant 0 : i32
    %scan3A_69 = arith.constant 0 : i32
    %scan3A_70 = arith.constant 0 : i32
    %scan3A_71 = arith.constant 40 : i32
    %scan3A_72 = arith.addi %scan3A_70, %scan3A_71 : i32
    %scan3A_73 = arith.constant 1 : i32
    %scan3A_74:3 = scf.for %scan3A_295 = %scan3A_70 to %scan3A_72 step %scan3A_73 iter_args(%scan3A_296 = %broadcast_in_dim3A_67, %scan3A_297 = %scan3A_68, %scan3A_298 = %scan3A_69) -> (vector<16xi32>, i32, i32)  : i32 {
      %mul3A_299 = arith.constant 64 : i32
      %mul3A_300 = arith.muli %scan3A_295, %mul3A_299 : i32
      %add3A_301 = arith.constant 0 : i32
      %add3A_302 = arith.addi %mul3A_300, %add3A_301 : i32
      %min3A = arith.constant 2484 : i32
      %min3A_303 = arith.minsi %add3A_302, %min3A : i32
      %add3A_304 = arith.addi %mul3A_32, %min3A_303 : i32
      %get3A = arith.index_cast %add3A_304 : i32 to index
      %get3A_305 = tpu.vector_load %arg6[%get3A] {strides = array<i32>} : memref<10000xi32, #tpu.memory_space<vmem>>, vector<16xi32>,
      %add3A_306 = vector.broadcast %add3A_304 : i32 to vector<16xi32>
      %add3A_307 = arith.addi %add3A_306, %iota3A : vector<16xi32>
      %ge3A = arith.constant 0 : i32
      %ge3A_308 = vector.broadcast %ge3A : i32 to vector<16xi32>
      %ge3A_309 = arith.cmpi sge, %get3A_305, %ge3A_308 : vector<16xi32>
      %convert_element_type3A_310 = arith.extui %ge3A_309 : vector<16xi1> to vector<16xi32>
      %cumsum3A = arith.constant true
      %cumsum3A_311 = vector.broadcast %cumsum3A : i1 to vector<16xi1>
      %cumsum3A_312 = tpu.scan <sum>, %convert_element_type3A_310 masked %cumsum3A_311 : vector<16xi32>, vector<16xi1> -> vector<16xi32>
      %all_reduce_population_count3A = tpu.all_reduce %ge3A_309 {dim = 0 : i64, kind = #tpu.reduction_kind<sum>} : vector<16xi1> -> vector<16xi32>
      %add3A_313 = arith.addi %scan3A_296, %cumsum3A_312 : vector<16xi32>
      %sub3A_314 = arith.subi %add3A_313, %convert_element_type3A_310 : vector<16xi32>
      %shift_right_arithmetic3A = arith.constant 6 : i32
      %shift_right_arithmetic3A_315 = vector.broadcast %shift_right_arithmetic3A : i32 to vector<16xi32>
      %shift_right_arithmetic3A_316 = arith.shrsi %sub3A_314, %shift_right_arithmetic3A_315 : vector<16xi32>
      %and3A_317 = arith.constant 63 : i32
      %and3A_318 = vector.broadcast %and3A_317 : i32 to vector<16xi32>
      %and3A_319 = arith.andi %sub3A_314, %and3A_318 : vector<16xi32>
      tpu.vector_store_idx %arg7[%shift_right_arithmetic3A_316, %and3A_319], %get3A_305 masked %ge3A_309 : memref<40x64xi32, #tpu.memory_space<vmem>>[vector<16xi32>, vector<16xi32>], vector<16xi32>, vector<16xi1>
      %shift_right_arithmetic3A_320 = arith.constant 6 : i32
      %shift_right_arithmetic3A_321 = vector.broadcast %shift_right_arithmetic3A_320 : i32 to vector<16xi32>
      %shift_right_arithmetic3A_322 = arith.shrsi %sub3A_314, %shift_right_arithmetic3A_321 : vector<16xi32>
      %and3A_323 = arith.constant 63 : i32
      %and3A_324 = vector.broadcast %and3A_323 : i32 to vector<16xi32>
      %and3A_325 = arith.andi %sub3A_314, %and3A_324 : vector<16xi32>
      tpu.vector_store_idx %arg8[%shift_right_arithmetic3A_322, %and3A_325], %add3A_307 masked %ge3A_309 : memref<40x64xi32, #tpu.memory_space<vmem>>[vector<16xi32>, vector<16xi32>], vector<16xi32>, vector<16xi1>
      %sub3A_326 = vector.broadcast %add3A_302 : i32 to vector<16xi32>
      %sub3A_327 = arith.subi %sub3A_326, %scan3A_296 : vector<16xi32>
      %add3A_328 = arith.constant 1 : i32
      %add3A_329 = vector.broadcast %add3A_328 : i32 to vector<16xi32>
      %add3A_330 = arith.addi %iota3A, %add3A_329 : vector<16xi32>
      %sub3A_331 = arith.subi %add3A_330, %cumsum3A_312 : vector<16xi32>
      %add3A_332 = arith.addi %sub3A_327, %sub3A_331 : vector<16xi32>
      %sub3A_333 = arith.constant 1 : i32
      %sub3A_334 = vector.broadcast %sub3A_333 : i32 to vector<16xi32>
      %sub3A_335 = arith.subi %sub3A_334, %convert_element_type3A_310 : vector<16xi32>
      %sub3A_336 = arith.subi %add3A_332, %sub3A_335 : vector<16xi32>
      %shift_right_arithmetic3A_337 = arith.constant 6 : i32
      %shift_right_arithmetic3A_338 = vector.broadcast %shift_right_arithmetic3A_337 : i32 to vector<16xi32>
      %shift_right_arithmetic3A_339 = arith.shrsi %sub3A_336, %shift_right_arithmetic3A_338 : vector<16xi32>
      %and3A_340 = arith.constant 63 : i32
      %and3A_341 = vector.broadcast %and3A_340 : i32 to vector<16xi32>
      %and3A_342 = arith.andi %sub3A_336, %and3A_341 : vector<16xi32>
      %not3A = arith.constant dense<true> : vector<16xi1>
      %not3A_343 = arith.xori %ge3A_309, %not3A : vector<16xi1>
      tpu.vector_store_idx %arg9[%shift_right_arithmetic3A_339, %and3A_342], %add3A_307 masked %not3A_343 : memref<40x64xi32, #tpu.memory_space<vmem>>[vector<16xi32>, vector<16xi32>], vector<16xi32>, vector<16xi1>
      %add3A_344 = arith.addi %scan3A_296, %all_reduce_population_count3A : vector<16xi32>
      %mul3A_345 = arith.constant 64 : i32
      %mul3A_346 = arith.muli %scan3A_295, %mul3A_345 : i32
      %add3A_347 = arith.constant 16 : i32
      %add3A_348 = arith.addi %mul3A_346, %add3A_347 : i32
      %min3A_349 = arith.constant 2484 : i32
      %min3A_350 = arith.minsi %add3A_348, %min3A_349 : i32
      %add3A_351 = arith.addi %mul3A_32, %min3A_350 : i32
      %get3A_352 = arith.index_cast %add3A_351 : i32 to index
      %get3A_353 = tpu.vector_load %arg6[%get3A_352] {strides = array<i32>} : memref<10000xi32, #tpu.memory_space<vmem>>, vector<16xi32>,
      %add3A_354 = vector.broadcast %add3A_351 : i32 to vector<16xi32>
      %add3A_355 = arith.addi %add3A_354, %iota3A : vector<16xi32>
      %ge3A_356 = arith.constant 0 : i32
      %ge3A_357 = vector.broadcast %ge3A_356 : i32 to vector<16xi32>
      %ge3A_358 = arith.cmpi sge, %get3A_353, %ge3A_357 : vector<16xi32>
      %convert_element_type3A_359 = arith.extui %ge3A_358 : vector<16xi1> to vector<16xi32>
      %cumsum3A_360 = arith.constant true
      %cumsum3A_361 = vector.broadcast %cumsum3A_360 : i1 to vector<16xi1>
      %cumsum3A_362 = tpu.scan <sum>, %convert_element_type3A_359 masked %cumsum3A_361 : vector<16xi32>, vector<16xi1> -> vector<16xi32>
      %all_reduce_population_count3A_363 = tpu.all_reduce %ge3A_358 {dim = 0 : i64, kind = #tpu.reduction_kind<sum>} : vector<16xi1> -> vector<16xi32>
      %add3A_364 = arith.addi %add3A_344, %cumsum3A_362 : vector<16xi32>
      %sub3A_365 = arith.subi %add3A_364, %convert_element_type3A_359 : vector<16xi32>
      %shift_right_arithmetic3A_366 = arith.constant 6 : i32
      %shift_right_arithmetic3A_367 = vector.broadcast %shift_right_arithmetic3A_366 : i32 to vector<16xi32>
      %shift_right_arithmetic3A_368 = arith.shrsi %sub3A_365, %shift_right_arithmetic3A_367 : vector<16xi32>
      %and3A_369 = arith.constant 63 : i32
      %and3A_370 = vector.broadcast %and3A_369 : i32 to vector<16xi32>
      %and3A_371 = arith.andi %sub3A_365, %and3A_370 : vector<16xi32>
      tpu.vector_store_idx %arg7[%shift_right_arithmetic3A_368, %and3A_371], %get3A_353 masked %ge3A_358 : memref<40x64xi32, #tpu.memory_space<vmem>>[vector<16xi32>, vector<16xi32>], vector<16xi32>, vector<16xi1>
      %shift_right_arithmetic3A_372 = arith.constant 6 : i32
      %shift_right_arithmetic3A_373 = vector.broadcast %shift_right_arithmetic3A_372 : i32 to vector<16xi32>
      %shift_right_arithmetic3A_374 = arith.shrsi %sub3A_365, %shift_right_arithmetic3A_373 : vector<16xi32>
      %and3A_375 = arith.constant 63 : i32
      %and3A_376 = vector.broadcast %and3A_375 : i32 to vector<16xi32>
      %and3A_377 = arith.andi %sub3A_365, %and3A_376 : vector<16xi32>
      tpu.vector_store_idx %arg8[%shift_right_arithmetic3A_374, %and3A_377], %add3A_355 masked %ge3A_358 : memref<40x64xi32, #tpu.memory_space<vmem>>[vector<16xi32>, vector<16xi32>], vector<16xi32>, vector<16xi1>
      %sub3A_378 = vector.broadcast %add3A_348 : i32 to vector<16xi32>
      %sub3A_379 = arith.subi %sub3A_378, %add3A_344 : vector<16xi32>
      %add3A_380 = arith.constant 1 : i32
      %add3A_381 = vector.broadcast %add3A_380 : i32 to vector<16xi32>
      %add3A_382 = arith.addi %iota3A, %add3A_381 : vector<16xi32>
      %sub3A_383 = arith.subi %add3A_382, %cumsum3A_362 : vector<16xi32>
      %add3A_384 = arith.addi %sub3A_379, %sub3A_383 : vector<16xi32>
      %sub3A_385 = arith.constant 1 : i32
      %sub3A_386 = vector.broadcast %sub3A_385 : i32 to vector<16xi32>
      %sub3A_387 = arith.subi %sub3A_386, %convert_element_type3A_359 : vector<16xi32>
      %sub3A_388 = arith.subi %add3A_384, %sub3A_387 : vector<16xi32>
      %shift_right_arithmetic3A_389 = arith.constant 6 : i32
      %shift_right_arithmetic3A_390 = vector.broadcast %shift_right_arithmetic3A_389 : i32 to vector<16xi32>
      %shift_right_arithmetic3A_391 = arith.shrsi %sub3A_388, %shift_right_arithmetic3A_390 : vector<16xi32>
      %and3A_392 = arith.constant 63 : i32
      %and3A_393 = vector.broadcast %and3A_392 : i32 to vector<16xi32>
      %and3A_394 = arith.andi %sub3A_388, %and3A_393 : vector<16xi32>
      %not3A_395 = arith.constant dense<true> : vector<16xi1>
      %not3A_396 = arith.xori %ge3A_358, %not3A_395 : vector<16xi1>
      tpu.vector_store_idx %arg9[%shift_right_arithmetic3A_391, %and3A_394], %add3A_355 masked %not3A_396 : memref<40x64xi32, #tpu.memory_space<vmem>>[vector<16xi32>, vector<16xi32>], vector<16xi32>, vector<16xi1>
      %add3A_397 = arith.addi %add3A_344, %all_reduce_population_count3A_363 : vector<16xi32>
      %mul3A_398 = arith.constant 64 : i32
      %mul3A_399 = arith.muli %scan3A_295, %mul3A_398 : i32
      %add3A_400 = arith.constant 32 : i32
      %add3A_401 = arith.addi %mul3A_399, %add3A_400 : i32
      %min3A_402 = arith.constant 2484 : i32
      %min3A_403 = arith.minsi %add3A_401, %min3A_402 : i32
      %add3A_404 = arith.addi %mul3A_32, %min3A_403 : i32
      %get3A_405 = arith.index_cast %add3A_404 : i32 to index
      %get3A_406 = tpu.vector_load %arg6[%get3A_405] {strides = array<i32>} : memref<10000xi32, #tpu.memory_space<vmem>>, vector<16xi32>,
      %add3A_407 = vector.broadcast %add3A_404 : i32 to vector<16xi32>
      %add3A_408 = arith.addi %add3A_407, %iota3A : vector<16xi32>
      %ge3A_409 = arith.constant 0 : i32
      %ge3A_410 = vector.broadcast %ge3A_409 : i32 to vector<16xi32>
      %ge3A_411 = arith.cmpi sge, %get3A_406, %ge3A_410 : vector<16xi32>
      %convert_element_type3A_412 = arith.extui %ge3A_411 : vector<16xi1> to vector<16xi32>
      %cumsum3A_413 = arith.constant true
      %cumsum3A_414 = vector.broadcast %cumsum3A_413 : i1 to vector<16xi1>
      %cumsum3A_415 = tpu.scan <sum>, %convert_element_type3A_412 masked %cumsum3A_414 : vector<16xi32>, vector<16xi1> -> vector<16xi32>
      %all_reduce_population_count3A_416 = tpu.all_reduce %ge3A_411 {dim = 0 : i64, kind = #tpu.reduction_kind<sum>} : vector<16xi1> -> vector<16xi32>
      %add3A_417 = arith.addi %add3A_397, %cumsum3A_415 : vector<16xi32>
      %sub3A_418 = arith.subi %add3A_417, %convert_element_type3A_412 : vector<16xi32>
      %shift_right_arithmetic3A_419 = arith.constant 6 : i32
      %shift_right_arithmetic3A_420 = vector.broadcast %shift_right_arithmetic3A_419 : i32 to vector<16xi32>
      %shift_right_arithmetic3A_421 = arith.shrsi %sub3A_418, %shift_right_arithmetic3A_420 : vector<16xi32>
      %and3A_422 = arith.constant 63 : i32
      %and3A_423 = vector.broadcast %and3A_422 : i32 to vector<16xi32>
      %and3A_424 = arith.andi %sub3A_418, %and3A_423 : vector<16xi32>
      tpu.vector_store_idx %arg7[%shift_right_arithmetic3A_421, %and3A_424], %get3A_406 masked %ge3A_411 : memref<40x64xi32, #tpu.memory_space<vmem>>[vector<16xi32>, vector<16xi32>], vector<16xi32>, vector<16xi1>
      %shift_right_arithmetic3A_425 = arith.constant 6 : i32
      %shift_right_arithmetic3A_426 = vector.broadcast %shift_right_arithmetic3A_425 : i32 to vector<16xi32>
      %shift_right_arithmetic3A_427 = arith.shrsi %sub3A_418, %shift_right_arithmetic3A_426 : vector<16xi32>
      %and3A_428 = arith.constant 63 : i32
      %and3A_429 = vector.broadcast %and3A_428 : i32 to vector<16xi32>
      %and3A_430 = arith.andi %sub3A_418, %and3A_429 : vector<16xi32>
      tpu.vector_store_idx %arg8[%shift_right_arithmetic3A_427, %and3A_430], %add3A_408 masked %ge3A_411 : memref<40x64xi32, #tpu.memory_space<vmem>>[vector<16xi32>, vector<16xi32>], vector<16xi32>, vector<16xi1>
      %sub3A_431 = vector.broadcast %add3A_401 : i32 to vector<16xi32>
      %sub3A_432 = arith.subi %sub3A_431, %add3A_397 : vector<16xi32>
      %add3A_433 = arith.constant 1 : i32
      %add3A_434 = vector.broadcast %add3A_433 : i32 to vector<16xi32>
      %add3A_435 = arith.addi %iota3A, %add3A_434 : vector<16xi32>
      %sub3A_436 = arith.subi %add3A_435, %cumsum3A_415 : vector<16xi32>
      %add3A_437 = arith.addi %sub3A_432, %sub3A_436 : vector<16xi32>
      %sub3A_438 = arith.constant 1 : i32
      %sub3A_439 = vector.broadcast %sub3A_438 : i32 to vector<16xi32>
      %sub3A_440 = arith.subi %sub3A_439, %convert_element_type3A_412 : vector<16xi32>
      %sub3A_441 = arith.subi %add3A_437, %sub3A_440 : vector<16xi32>
      %shift_right_arithmetic3A_442 = arith.constant 6 : i32
      %shift_right_arithmetic3A_443 = vector.broadcast %shift_right_arithmetic3A_442 : i32 to vector<16xi32>
      %shift_right_arithmetic3A_444 = arith.shrsi %sub3A_441, %shift_right_arithmetic3A_443 : vector<16xi32>
      %and3A_445 = arith.constant 63 : i32
      %and3A_446 = vector.broadcast %and3A_445 : i32 to vector<16xi32>
      %and3A_447 = arith.andi %sub3A_441, %and3A_446 : vector<16xi32>
      %not3A_448 = arith.constant dense<true> : vector<16xi1>
      %not3A_449 = arith.xori %ge3A_411, %not3A_448 : vector<16xi1>
      tpu.vector_store_idx %arg9[%shift_right_arithmetic3A_444, %and3A_447], %add3A_408 masked %not3A_449 : memref<40x64xi32, #tpu.memory_space<vmem>>[vector<16xi32>, vector<16xi32>], vector<16xi32>, vector<16xi1>
      %add3A_450 = arith.addi %add3A_397, %all_reduce_population_count3A_416 : vector<16xi32>
      %mul3A_451 = arith.constant 64 : i32
      %mul3A_452 = arith.muli %scan3A_295, %mul3A_451 : i32
      %add3A_453 = arith.constant 48 : i32
      %add3A_454 = arith.addi %mul3A_452, %add3A_453 : i32
      %min3A_455 = arith.constant 2484 : i32
      %min3A_456 = arith.minsi %add3A_454, %min3A_455 : i32
      %add3A_457 = arith.addi %mul3A_32, %min3A_456 : i32
      %get3A_458 = arith.index_cast %add3A_457 : i32 to index
      %get3A_459 = tpu.vector_load %arg6[%get3A_458] {strides = array<i32>} : memref<10000xi32, #tpu.memory_space<vmem>>, vector<16xi32>,
      %add3A_460 = vector.broadcast %add3A_457 : i32 to vector<16xi32>
      %add3A_461 = arith.addi %add3A_460, %iota3A : vector<16xi32>
      %ge3A_462 = arith.constant 0 : i32
      %ge3A_463 = vector.broadcast %ge3A_462 : i32 to vector<16xi32>
      %ge3A_464 = arith.cmpi sge, %get3A_459, %ge3A_463 : vector<16xi32>
      %convert_element_type3A_465 = arith.extui %ge3A_464 : vector<16xi1> to vector<16xi32>
      %cumsum3A_466 = arith.constant true
      %cumsum3A_467 = vector.broadcast %cumsum3A_466 : i1 to vector<16xi1>
      %cumsum3A_468 = tpu.scan <sum>, %convert_element_type3A_465 masked %cumsum3A_467 : vector<16xi32>, vector<16xi1> -> vector<16xi32>
      %all_reduce_population_count3A_469 = tpu.all_reduce %ge3A_464 {dim = 0 : i64, kind = #tpu.reduction_kind<sum>} : vector<16xi1> -> vector<16xi32>
      %add3A_470 = arith.addi %add3A_450, %cumsum3A_468 : vector<16xi32>
      %sub3A_471 = arith.subi %add3A_470, %convert_element_type3A_465 : vector<16xi32>
      %shift_right_arithmetic3A_472 = arith.constant 6 : i32
      %shift_right_arithmetic3A_473 = vector.broadcast %shift_right_arithmetic3A_472 : i32 to vector<16xi32>
      %shift_right_arithmetic3A_474 = arith.shrsi %sub3A_471, %shift_right_arithmetic3A_473 : vector<16xi32>
      %and3A_475 = arith.constant 63 : i32
      %and3A_476 = vector.broadcast %and3A_475 : i32 to vector<16xi32>
      %and3A_477 = arith.andi %sub3A_471, %and3A_476 : vector<16xi32>
      tpu.vector_store_idx %arg7[%shift_right_arithmetic3A_474, %and3A_477], %get3A_459 masked %ge3A_464 : memref<40x64xi32, #tpu.memory_space<vmem>>[vector<16xi32>, vector<16xi32>], vector<16xi32>, vector<16xi1>
      %shift_right_arithmetic3A_478 = arith.constant 6 : i32
      %shift_right_arithmetic3A_479 = vector.broadcast %shift_right_arithmetic3A_478 : i32 to vector<16xi32>
      %shift_right_arithmetic3A_480 = arith.shrsi %sub3A_471, %shift_right_arithmetic3A_479 : vector<16xi32>
      %and3A_481 = arith.constant 63 : i32
      %and3A_482 = vector.broadcast %and3A_481 : i32 to vector<16xi32>
      %and3A_483 = arith.andi %sub3A_471, %and3A_482 : vector<16xi32>
      tpu.vector_store_idx %arg8[%shift_right_arithmetic3A_480, %and3A_483], %add3A_461 masked %ge3A_464 : memref<40x64xi32, #tpu.memory_space<vmem>>[vector<16xi32>, vector<16xi32>], vector<16xi32>, vector<16xi1>
      %sub3A_484 = vector.broadcast %add3A_454 : i32 to vector<16xi32>
      %sub3A_485 = arith.subi %sub3A_484, %add3A_450 : vector<16xi32>
      %add3A_486 = arith.constant 1 : i32
      %add3A_487 = vector.broadcast %add3A_486 : i32 to vector<16xi32>
      %add3A_488 = arith.addi %iota3A, %add3A_487 : vector<16xi32>
      %sub3A_489 = arith.subi %add3A_488, %cumsum3A_468 : vector<16xi32>
      %add3A_490 = arith.addi %sub3A_485, %sub3A_489 : vector<16xi32>
      %sub3A_491 = arith.constant 1 : i32
      %sub3A_492 = vector.broadcast %sub3A_491 : i32 to vector<16xi32>
      %sub3A_493 = arith.subi %sub3A_492, %convert_element_type3A_465 : vector<16xi32>
      %sub3A_494 = arith.subi %add3A_490, %sub3A_493 : vector<16xi32>
      %shift_right_arithmetic3A_495 = arith.constant 6 : i32
      %shift_right_arithmetic3A_496 = vector.broadcast %shift_right_arithmetic3A_495 : i32 to vector<16xi32>
      %shift_right_arithmetic3A_497 = arith.shrsi %sub3A_494, %shift_right_arithmetic3A_496 : vector<16xi32>
      %and3A_498 = arith.constant 63 : i32
      %and3A_499 = vector.broadcast %and3A_498 : i32 to vector<16xi32>
      %and3A_500 = arith.andi %sub3A_494, %and3A_499 : vector<16xi32>
      %not3A_501 = arith.constant dense<true> : vector<16xi1>
      %not3A_502 = arith.xori %ge3A_464, %not3A_501 : vector<16xi1>
      tpu.vector_store_idx %arg9[%shift_right_arithmetic3A_497, %and3A_500], %add3A_461 masked %not3A_502 : memref<40x64xi32, #tpu.memory_space<vmem>>[vector<16xi32>, vector<16xi32>], vector<16xi32>, vector<16xi1>
      %add3A_503 = arith.addi %add3A_450, %all_reduce_population_count3A_469 : vector<16xi32>
      %slice3A_504 = vector.extract_strided_slice %add3A_503 {offsets = [0], sizes = [1], strides = [1]} : vector<16xi32> to vector<1xi32>
      %squeeze3A_505 = vector.extract %slice3A_504[0] : i32 from vector<1xi32>
      %add3A_506 = arith.constant 1 : i32
      %add3A_507 = arith.addi %scan3A_295, %add3A_506 : i32
      %mul3A_508 = arith.constant 64 : i32
      %mul3A_509 = arith.muli %add3A_507, %mul3A_508 : i32
      %sub3A_510 = arith.subi %mul3A_509, %squeeze3A_505 : i32
      %jit3A_511 = arith.constant 64 : i32
      %div3A_512 = arith.divsi %sub3A_510, %jit3A_511 : i32
      %sign3A_513 = arith.constant 0 : i32
      %sign3A_514 = arith.cmpi sgt, %sub3A_510, %sign3A_513 : i32
      %sign3A_515 = arith.extui %sign3A_514 : i1 to i32
      %sign3A_516 = arith.constant 0 : i32
      %sign3A_517 = arith.cmpi slt, %sub3A_510, %sign3A_516 : i32
      %sign3A_518 = arith.extui %sign3A_517 : i1 to i32
      %sign3A_519 = arith.subi %sign3A_515, %sign3A_518 : i32
      %sign3A_520 = arith.constant 0 : i32
      %sign3A_521 = arith.cmpi sgt, %jit3A_511, %sign3A_520 : i32
      %sign3A_522 = arith.extui %sign3A_521 : i1 to i32
      %sign3A_523 = arith.constant 0 : i32
      %sign3A_524 = arith.cmpi slt, %jit3A_511, %sign3A_523 : i32
      %sign3A_525 = arith.extui %sign3A_524 : i1 to i32
      %sign3A_526 = arith.subi %sign3A_522, %sign3A_525 : i32
      %ne3A_527 = arith.cmpi ne, %sign3A_519, %sign3A_526 : i32
      %rem3A_528 = arith.remsi %sub3A_510, %jit3A_511 : i32
      %ne3A_529 = arith.constant 0 : i32
      %ne3A_530 = arith.cmpi ne, %rem3A_528, %ne3A_529 : i32
      %and3A_531 = arith.andi %ne3A_527, %ne3A_530 : i1
      %sub3A_532 = arith.constant 1 : i32
      %sub3A_533 = arith.subi %div3A_512, %sub3A_532 : i32
      %select_n3A_534 = arith.select %and3A_531, %sub3A_533, %div3A_512 : i32
      %lt3A_535 = arith.cmpi slt, %scan3A_297, %select_n3A_534 : i32
      %convert_element_type3A_536 = arith.extui %lt3A_535 : i1 to i32
      %cond3A_537 = arith.constant 0 : i32
      %cond3A_538 = arith.cmpi ne, %convert_element_type3A_536, %cond3A_537 : i32
      scf.if %cond3A_538 {
        %dma_start3A_573 = arith.constant 0 : i32
        %dma_start3A_574 = tpu.memref_slice %arg9[%scan3A_297, %dma_start3A_573] : memref<40x64xi32, #tpu.memory_space<vmem>> -> memref<1x64xi32, #tpu.memory_space<vmem>>
        %dma_start3A_575 = tpu.memref_squeeze %dma_start3A_574 : memref<1x64xi32, #tpu.memory_space<vmem>> -> memref<64xi32, #tpu.memory_space<vmem>>
        %dma_start3A_576 = arith.constant 0 : i32
        %dma_start3A_577 = arith.constant 0 : i32
        %dma_start3A_578 = tpu.memref_slice %arg4[%select_n3A, %dma_start3A_576, %dma_start3A_577] : memref<8x10000x256xf32, #tpu.memory_space<hbm>> -> memref<1x10000x256xf32, #tpu.memory_space<hbm>>
        %dma_start3A_579 = tpu.memref_squeeze %dma_start3A_578 : memref<1x10000x256xf32, #tpu.memory_space<hbm>> -> memref<10000x256xf32, #tpu.memory_space<hbm>>
        %dma_start3A_580 = arith.constant 0 : i32
        %dma_start3A_581 = arith.constant 0 : i32
        %dma_start3A_582 = tpu.memref_slice %dma_start3A_579[%dma_start3A_580, %dma_start3A_581] : memref<10000x256xf32, #tpu.memory_space<hbm>> -> memref<10000x256xf32, #tpu.memory_space<hbm>>
        tpu.enqueue_indirect_dma source(%arg10 : memref<64x256xf32, #tpu.memory_space<vmem>>) target(%dma_start3A_582 : memref<10000x256xf32, #tpu.memory_space<hbm>>) offsets(%dma_start3A_575 : memref<64xi32, #tpu.memory_space<vmem>>) semaphore(%arg14 : memref<!tpu.dma_semaphore, #tpu.memory_space<semaphore_mem>>)
      } else {
      }
      %jit3A_539 = arith.constant 64 : i32
      %div3A_540 = arith.divsi %squeeze3A_505, %jit3A_539 : i32
      %sign3A_541 = arith.constant 0 : i32
      %sign3A_542 = arith.cmpi sgt, %squeeze3A_505, %sign3A_541 : i32
      %sign3A_543 = arith.extui %sign3A_542 : i1 to i32
      %sign3A_544 = arith.constant 0 : i32
      %sign3A_545 = arith.cmpi slt, %squeeze3A_505, %sign3A_544 : i32
      %sign3A_546 = arith.extui %sign3A_545 : i1 to i32
      %sign3A_547 = arith.subi %sign3A_543, %sign3A_546 : i32
      %sign3A_548 = arith.constant 0 : i32
      %sign3A_549 = arith.cmpi sgt, %jit3A_539, %sign3A_548 : i32
      %sign3A_550 = arith.extui %sign3A_549 : i1 to i32
      %sign3A_551 = arith.constant 0 : i32
      %sign3A_552 = arith.cmpi slt, %jit3A_539, %sign3A_551 : i32
      %sign3A_553 = arith.extui %sign3A_552 : i1 to i32
      %sign3A_554 = arith.subi %sign3A_550, %sign3A_553 : i32
      %ne3A_555 = arith.cmpi ne, %sign3A_547, %sign3A_554 : i32
      %rem3A_556 = arith.remsi %squeeze3A_505, %jit3A_539 : i32
      %ne3A_557 = arith.constant 0 : i32
      %ne3A_558 = arith.cmpi ne, %rem3A_556, %ne3A_557 : i32
      %and3A_559 = arith.andi %ne3A_555, %ne3A_558 : i1
      %sub3A_560 = arith.constant 1 : i32
      %sub3A_561 = arith.subi %div3A_540, %sub3A_560 : i32
      %select_n3A_562 = arith.select %and3A_559, %sub3A_561, %div3A_540 : i32
      %min3A_563 = arith.constant 3 : i32
      %min3A_564 = arith.minsi %select_n3A_562, %min3A_563 : i32
      %lt3A_565 = arith.cmpi slt, %scan3A_298, %min3A_564 : i32
      %convert_element_type3A_566 = arith.extui %lt3A_565 : i1 to i32
      %cond3A_567 = arith.constant 0 : i32
      %cond3A_568 = arith.cmpi ne, %convert_element_type3A_566, %cond3A_567 : i32
      scf.if %cond3A_568 {
        %jit3A_573 = arith.constant 3 : i32
        %eq3A_574 = arith.constant 0 : i32
        %eq3A_575 = arith.cmpi eq, %jit3A_573, %eq3A_574 : i32
        %jit3A_576 = arith.constant 1 : i32
        %select_n3A_577 = arith.select %eq3A_575, %jit3A_576, %jit3A_573 : i32
        %rem3A_578 = arith.remsi %scan3A_298, %select_n3A_577 : i32
        %ne3A_579 = arith.constant 0 : i32
        %ne3A_580 = arith.cmpi ne, %rem3A_578, %ne3A_579 : i32
        %lt3A_581 = arith.constant 0 : i32
        %lt3A_582 = arith.cmpi slt, %rem3A_578, %lt3A_581 : i32
        %lt3A_583 = arith.constant 0 : i32
        %lt3A_584 = arith.cmpi slt, %select_n3A_577, %lt3A_583 : i32
        %ne3A_585 = arith.xori %lt3A_582, %lt3A_584 : i1
        %and3A_586 = arith.andi %ne3A_585, %ne3A_580 : i1
        %add3A_587 = arith.addi %rem3A_578, %select_n3A_577 : i32
        %select_n3A_588 = arith.select %and3A_586, %add3A_587, %rem3A_578 : i32
        %mul3A_589 = arith.constant 64 : i32
        %mul3A_590 = arith.muli %select_n3A_588, %mul3A_589 : i32
        %dma_start3A_591 = arith.constant 0 : i32
        %dma_start3A_592 = tpu.memref_slice %arg11[%mul3A_590, %dma_start3A_591] : memref<192x256xf32, #tpu.memory_space<vmem>> -> memref<64x256xf32, #tpu.memory_space<vmem>>
        %dma_start3A_593 = arith.constant 0 : i32
        %dma_start3A_594 = tpu.memref_slice %arg7[%scan3A_298, %dma_start3A_593] : memref<40x64xi32, #tpu.memory_space<vmem>> -> memref<1x64xi32, #tpu.memory_space<vmem>>
        %dma_start3A_595 = tpu.memref_squeeze %dma_start3A_594 : memref<1x64xi32, #tpu.memory_space<vmem>> -> memref<64xi32, #tpu.memory_space<vmem>>
        %dma_start3A_596 = arith.constant 0 : i32
        %dma_start3A_597 = arith.constant 0 : i32
        %dma_start3A_598 = tpu.memref_slice %arg2[%select_n3A, %dma_start3A_596, %dma_start3A_597] : memref<8x5000x256xf32, #tpu.memory_space<hbm>> -> memref<1x5000x256xf32, #tpu.memory_space<hbm>>
        %dma_start3A_599 = tpu.memref_squeeze %dma_start3A_598 : memref<1x5000x256xf32, #tpu.memory_space<hbm>> -> memref<5000x256xf32, #tpu.memory_space<hbm>>
        %dma_start3A_600 = arith.constant 0 : i32
        %dma_start3A_601 = arith.constant 0 : i32
        %dma_start3A_602 = tpu.memref_slice %dma_start3A_599[%dma_start3A_600, %dma_start3A_601] : memref<5000x256xf32, #tpu.memory_space<hbm>> -> memref<5000x256xf32, #tpu.memory_space<hbm>>
        tpu.enqueue_indirect_dma source(%dma_start3A_602 : memref<5000x256xf32, #tpu.memory_space<hbm>>) target(%dma_start3A_592 : memref<64x256xf32, #tpu.memory_space<vmem>>) offsets(%dma_start3A_595 : memref<64xi32, #tpu.memory_space<vmem>>) semaphore(%arg12 : memref<!tpu.dma_semaphore, #tpu.memory_space<semaphore_mem>>)
      } else {
      }
      %convert_element_type3A_569 = arith.extui %lt3A_535 : i1 to i32
      %add3A_570 = arith.addi %scan3A_297, %convert_element_type3A_569 : i32
      %convert_element_type3A_571 = arith.extui %lt3A_565 : i1 to i32
      %add3A_572 = arith.addi %scan3A_298, %convert_element_type3A_571 : i32
      scf.yield %add3A_503, %add3A_570, %add3A_572 : vector<16xi32>, i32, i32
    }
    %scan3A_75 = arith.constant 40 : i32
    %slice3A = vector.extract_strided_slice %scan3A_74#0 {offsets = [0], sizes = [1], strides = [1]} : vector<16xi32> to vector<1xi32>
    %squeeze3A = vector.extract %slice3A[0] : i32 from vector<1xi32>
    %sub3A_76 = arith.constant 2560 : i32
    %sub3A_77 = arith.subi %sub3A_76, %squeeze3A : i32
    %jit3A_78 = arith.constant 64 : i32
    %div3A_79 = arith.divsi %squeeze3A, %jit3A_78 : i32
    %sign3A_80 = arith.constant 0 : i32
    %sign3A_81 = arith.cmpi sgt, %squeeze3A, %sign3A_80 : i32
    %sign3A_82 = arith.extui %sign3A_81 : i1 to i32
    %sign3A_83 = arith.constant 0 : i32
    %sign3A_84 = arith.cmpi slt, %squeeze3A, %sign3A_83 : i32
    %sign3A_85 = arith.extui %sign3A_84 : i1 to i32
    %sign3A_86 = arith.subi %sign3A_82, %sign3A_85 : i32
    %sign3A_87 = arith.constant 0 : i32
    %sign3A_88 = arith.cmpi sgt, %jit3A_78, %sign3A_87 : i32
    %sign3A_89 = arith.extui %sign3A_88 : i1 to i32
    %sign3A_90 = arith.constant 0 : i32
    %sign3A_91 = arith.cmpi slt, %jit3A_78, %sign3A_90 : i32
    %sign3A_92 = arith.extui %sign3A_91 : i1 to i32
    %sign3A_93 = arith.subi %sign3A_89, %sign3A_92 : i32
    %ne3A_94 = arith.cmpi ne, %sign3A_86, %sign3A_93 : i32
    %rem3A_95 = arith.remsi %squeeze3A, %jit3A_78 : i32
    %ne3A_96 = arith.constant 0 : i32
    %ne3A_97 = arith.cmpi ne, %rem3A_95, %ne3A_96 : i32
    %and3A_98 = arith.andi %ne3A_94, %ne3A_97 : i1
    %sub3A_99 = arith.constant 1 : i32
    %sub3A_100 = arith.subi %div3A_79, %sub3A_99 : i32
    %select_n3A_101 = arith.select %and3A_98, %sub3A_100, %div3A_79 : i32
    %jit3A_102 = arith.constant 64 : i32
    %div3A_103 = arith.divsi %sub3A_77, %jit3A_102 : i32
    %sign3A_104 = arith.constant 0 : i32
    %sign3A_105 = arith.cmpi sgt, %sub3A_77, %sign3A_104 : i32
    %sign3A_106 = arith.extui %sign3A_105 : i1 to i32
    %sign3A_107 = arith.constant 0 : i32
    %sign3A_108 = arith.cmpi slt, %sub3A_77, %sign3A_107 : i32
    %sign3A_109 = arith.extui %sign3A_108 : i1 to i32
    %sign3A_110 = arith.subi %sign3A_106, %sign3A_109 : i32
    %sign3A_111 = arith.constant 0 : i32
    %sign3A_112 = arith.cmpi sgt, %jit3A_102, %sign3A_111 : i32
    %sign3A_113 = arith.extui %sign3A_112 : i1 to i32
    %sign3A_114 = arith.constant 0 : i32
    %sign3A_115 = arith.cmpi slt, %jit3A_102, %sign3A_114 : i32
    %sign3A_116 = arith.extui %sign3A_115 : i1 to i32
    %sign3A_117 = arith.subi %sign3A_113, %sign3A_116 : i32
    %ne3A_118 = arith.cmpi ne, %sign3A_110, %sign3A_117 : i32
    %rem3A_119 = arith.remsi %sub3A_77, %jit3A_102 : i32
    %ne3A_120 = arith.constant 0 : i32
    %ne3A_121 = arith.cmpi ne, %rem3A_119, %ne3A_120 : i32
    %and3A_122 = arith.andi %ne3A_118, %ne3A_121 : i1
    %sub3A_123 = arith.constant 1 : i32
    %sub3A_124 = arith.subi %div3A_103, %sub3A_123 : i32
    %select_n3A_125 = arith.select %and3A_122, %sub3A_124, %div3A_103 : i32
    %scan3A_126 = arith.constant 0 : i32
    %scan3A_127 = arith.constant 0 : i32
    %scan3A_128 = arith.constant 40 : i32
    %scan3A_129 = arith.addi %scan3A_127, %scan3A_128 : i32
    %scan3A_130 = arith.constant 1 : i32
    %scan3A_131 = scf.for %scan3A_295 = %scan3A_127 to %scan3A_129 step %scan3A_130 iter_args(%scan3A_296 = %scan3A_126) -> (i32)  : i32 {
      %ge3A = arith.cmpi sge, %scan3A_295, %scan3A_74#1 : i32
      %lt3A_297 = arith.cmpi slt, %scan3A_295, %select_n3A_125 : i32
      %and3A_298 = arith.andi %ge3A, %lt3A_297 : i1
      %convert_element_type3A_299 = arith.extui %and3A_298 : i1 to i32
      %cond3A_300 = arith.constant 0 : i32
      %cond3A_301 = arith.cmpi ne, %convert_element_type3A_299, %cond3A_300 : i32
      scf.if %cond3A_301 {
        %dma_start3A_303 = arith.constant 0 : i32
        %dma_start3A_304 = tpu.memref_slice %arg9[%scan3A_295, %dma_start3A_303] : memref<40x64xi32, #tpu.memory_space<vmem>> -> memref<1x64xi32, #tpu.memory_space<vmem>>
        %dma_start3A_305 = tpu.memref_squeeze %dma_start3A_304 : memref<1x64xi32, #tpu.memory_space<vmem>> -> memref<64xi32, #tpu.memory_space<vmem>>
        %dma_start3A_306 = arith.constant 0 : i32
        %dma_start3A_307 = arith.constant 0 : i32
        %dma_start3A_308 = tpu.memref_slice %arg4[%select_n3A, %dma_start3A_306, %dma_start3A_307] : memref<8x10000x256xf32, #tpu.memory_space<hbm>> -> memref<1x10000x256xf32, #tpu.memory_space<hbm>>
        %dma_start3A_309 = tpu.memref_squeeze %dma_start3A_308 : memref<1x10000x256xf32, #tpu.memory_space<hbm>> -> memref<10000x256xf32, #tpu.memory_space<hbm>>
        %dma_start3A_310 = arith.constant 0 : i32
        %dma_start3A_311 = arith.constant 0 : i32
        %dma_start3A_312 = tpu.memref_slice %dma_start3A_309[%dma_start3A_310, %dma_start3A_311] : memref<10000x256xf32, #tpu.memory_space<hbm>> -> memref<10000x256xf32, #tpu.memory_space<hbm>>
        tpu.enqueue_indirect_dma source(%arg10 : memref<64x256xf32, #tpu.memory_space<vmem>>) target(%dma_start3A_312 : memref<10000x256xf32, #tpu.memory_space<hbm>>) offsets(%dma_start3A_305 : memref<64xi32, #tpu.memory_space<vmem>>) semaphore(%arg14 : memref<!tpu.dma_semaphore, #tpu.memory_space<semaphore_mem>>)
      } else {
      }
      %scan3A_302 = arith.constant 0 : i32
      scf.yield %scan3A_302 : i32
    }
    %scan3A_132 = arith.constant 40 : i32
    %gt3A = arith.constant 0 : i32
    %gt3A_133 = arith.cmpi sgt, %select_n3A_101, %gt3A : i32
    %lt3A_134 = arith.constant 1 : i32
    %lt3A_135 = arith.cmpi slt, %scan3A_74#2, %lt3A_134 : i32
    %and3A_136 = arith.andi %gt3A_133, %lt3A_135 : i1
    %convert_element_type3A = arith.extui %and3A_136 : i1 to i32
    %cond3A = arith.constant 0 : i32
    %cond3A_137 = arith.cmpi ne, %convert_element_type3A, %cond3A : i32
    scf.if %cond3A_137 {
      %dma_start3A_295 = arith.constant 0 : i32
      %dma_start3A_296 = arith.constant 0 : i32
      %dma_start3A_297 = arith.constant 0 : i32
      %dma_start3A_298 = tpu.memref_slice %arg11[%dma_start3A_296, %dma_start3A_297] : memref<192x256xf32, #tpu.memory_space<vmem>> -> memref<64x256xf32, #tpu.memory_space<vmem>>
      %dma_start3A_299 = arith.constant 0 : i32
      %dma_start3A_300 = tpu.memref_slice %arg7[%dma_start3A_295, %dma_start3A_299] : memref<40x64xi32, #tpu.memory_space<vmem>> -> memref<1x64xi32, #tpu.memory_space<vmem>>
      %dma_start3A_301 = tpu.memref_squeeze %dma_start3A_300 : memref<1x64xi32, #tpu.memory_space<vmem>> -> memref<64xi32, #tpu.memory_space<vmem>>
      %dma_start3A_302 = arith.constant 0 : i32
      %dma_start3A_303 = arith.constant 0 : i32
      %dma_start3A_304 = tpu.memref_slice %arg2[%select_n3A, %dma_start3A_302, %dma_start3A_303] : memref<8x5000x256xf32, #tpu.memory_space<hbm>> -> memref<1x5000x256xf32, #tpu.memory_space<hbm>>
      %dma_start3A_305 = tpu.memref_squeeze %dma_start3A_304 : memref<1x5000x256xf32, #tpu.memory_space<hbm>> -> memref<5000x256xf32, #tpu.memory_space<hbm>>
      %dma_start3A_306 = arith.constant 0 : i32
      %dma_start3A_307 = arith.constant 0 : i32
      %dma_start3A_308 = tpu.memref_slice %dma_start3A_305[%dma_start3A_306, %dma_start3A_307] : memref<5000x256xf32, #tpu.memory_space<hbm>> -> memref<5000x256xf32, #tpu.memory_space<hbm>>
      tpu.enqueue_indirect_dma source(%dma_start3A_308 : memref<5000x256xf32, #tpu.memory_space<hbm>>) target(%dma_start3A_298 : memref<64x256xf32, #tpu.memory_space<vmem>>) offsets(%dma_start3A_301 : memref<64xi32, #tpu.memory_space<vmem>>) semaphore(%arg12 : memref<!tpu.dma_semaphore, #tpu.memory_space<semaphore_mem>>)
    } else {
    }
    %gt3A_138 = arith.constant 1 : i32
    %gt3A_139 = arith.cmpi sgt, %select_n3A_101, %gt3A_138 : i32
    %lt3A_140 = arith.constant 2 : i32
    %lt3A_141 = arith.cmpi slt, %scan3A_74#2, %lt3A_140 : i32
    %and3A_142 = arith.andi %gt3A_139, %lt3A_141 : i1
    %convert_element_type3A_143 = arith.extui %and3A_142 : i1 to i32
    %cond3A_144 = arith.constant 0 : i32
    %cond3A_145 = arith.cmpi ne, %convert_element_type3A_143, %cond3A_144 : i32
    scf.if %cond3A_145 {
      %dma_start3A_295 = arith.constant 1 : i32
      %dma_start3A_296 = arith.constant 64 : i32
      %dma_start3A_297 = arith.constant 0 : i32
      %dma_start3A_298 = tpu.memref_slice %arg11[%dma_start3A_296, %dma_start3A_297] : memref<192x256xf32, #tpu.memory_space<vmem>> -> memref<64x256xf32, #tpu.memory_space<vmem>>
      %dma_start3A_299 = arith.constant 0 : i32
      %dma_start3A_300 = tpu.memref_slice %arg7[%dma_start3A_295, %dma_start3A_299] : memref<40x64xi32, #tpu.memory_space<vmem>> -> memref<1x64xi32, #tpu.memory_space<vmem>>
      %dma_start3A_301 = tpu.memref_squeeze %dma_start3A_300 : memref<1x64xi32, #tpu.memory_space<vmem>> -> memref<64xi32, #tpu.memory_space<vmem>>
      %dma_start3A_302 = arith.constant 0 : i32
      %dma_start3A_303 = arith.constant 0 : i32
      %dma_start3A_304 = tpu.memref_slice %arg2[%select_n3A, %dma_start3A_302, %dma_start3A_303] : memref<8x5000x256xf32, #tpu.memory_space<hbm>> -> memref<1x5000x256xf32, #tpu.memory_space<hbm>>
      %dma_start3A_305 = tpu.memref_squeeze %dma_start3A_304 : memref<1x5000x256xf32, #tpu.memory_space<hbm>> -> memref<5000x256xf32, #tpu.memory_space<hbm>>
      %dma_start3A_306 = arith.constant 0 : i32
      %dma_start3A_307 = arith.constant 0 : i32
      %dma_start3A_308 = tpu.memref_slice %dma_start3A_305[%dma_start3A_306, %dma_start3A_307] : memref<5000x256xf32, #tpu.memory_space<hbm>> -> memref<5000x256xf32, #tpu.memory_space<hbm>>
      tpu.enqueue_indirect_dma source(%dma_start3A_308 : memref<5000x256xf32, #tpu.memory_space<hbm>>) target(%dma_start3A_298 : memref<64x256xf32, #tpu.memory_space<vmem>>) offsets(%dma_start3A_301 : memref<64xi32, #tpu.memory_space<vmem>>) semaphore(%arg12 : memref<!tpu.dma_semaphore, #tpu.memory_space<semaphore_mem>>)
    } else {
    }
    %scan3A_146 = arith.constant 0 : i32
    %scan3A_147 = arith.constant 0 : i32
    %scan3A_148 = arith.constant 40 : i32
    %scan3A_149 = arith.addi %scan3A_147, %scan3A_148 : i32
    %scan3A_150 = arith.constant 1 : i32
    %scan3A_151 = scf.for %scan3A_295 = %scan3A_147 to %scan3A_149 step %scan3A_150 iter_args(%scan3A_296 = %scan3A_146) -> (i32)  : i32 {
      %lt3A_297 = arith.cmpi slt, %scan3A_295, %select_n3A_101 : i32
      %convert_element_type3A_298 = arith.extui %lt3A_297 : i1 to i32
      %cond3A_299 = arith.constant 0 : i32
      %cond3A_300 = arith.cmpi ne, %convert_element_type3A_298, %cond3A_299 : i32
      scf.if %cond3A_300 {
        %jit3A_302 = arith.constant 3 : i32
        %eq3A_303 = arith.constant 0 : i32
        %eq3A_304 = arith.cmpi eq, %jit3A_302, %eq3A_303 : i32
        %jit3A_305 = arith.constant 1 : i32
        %select_n3A_306 = arith.select %eq3A_304, %jit3A_305, %jit3A_302 : i32
        %rem3A_307 = arith.remsi %scan3A_295, %select_n3A_306 : i32
        %ne3A_308 = arith.constant 0 : i32
        %ne3A_309 = arith.cmpi ne, %rem3A_307, %ne3A_308 : i32
        %lt3A_310 = arith.constant 0 : i32
        %lt3A_311 = arith.cmpi slt, %rem3A_307, %lt3A_310 : i32
        %lt3A_312 = arith.constant 0 : i32
        %lt3A_313 = arith.cmpi slt, %select_n3A_306, %lt3A_312 : i32
        %ne3A_314 = arith.xori %lt3A_311, %lt3A_313 : i1
        %and3A_315 = arith.andi %ne3A_314, %ne3A_309 : i1
        %add3A_316 = arith.addi %rem3A_307, %select_n3A_306 : i32
        %select_n3A_317 = arith.select %and3A_315, %add3A_316, %rem3A_307 : i32
        %mul3A_318 = arith.constant 64 : i32
        %mul3A_319 = arith.muli %select_n3A_317, %mul3A_318 : i32
        %dma_wait3A_320 = arith.constant 0 : i32
        %dma_wait3A_321 = tpu.memref_slice %arg11[%mul3A_319, %dma_wait3A_320] : memref<192x256xf32, #tpu.memory_space<vmem>> -> memref<64x256xf32, #tpu.memory_space<vmem>>
        %dma_wait3A_322 = arith.constant 0 : i32
        %dma_wait3A_323 = tpu.memref_slice %arg7[%scan3A_295, %dma_wait3A_322] : memref<40x64xi32, #tpu.memory_space<vmem>> -> memref<1x64xi32, #tpu.memory_space<vmem>>
        %dma_wait3A_324 = tpu.memref_squeeze %dma_wait3A_323 : memref<1x64xi32, #tpu.memory_space<vmem>> -> memref<64xi32, #tpu.memory_space<vmem>>
        %dma_wait3A_325 = arith.constant 0 : i32
        %dma_wait3A_326 = arith.constant 0 : i32
        %dma_wait3A_327 = tpu.memref_slice %arg2[%select_n3A, %dma_wait3A_325, %dma_wait3A_326] : memref<8x5000x256xf32, #tpu.memory_space<hbm>> -> memref<1x5000x256xf32, #tpu.memory_space<hbm>>
        %dma_wait3A_328 = tpu.memref_squeeze %dma_wait3A_327 : memref<1x5000x256xf32, #tpu.memory_space<hbm>> -> memref<5000x256xf32, #tpu.memory_space<hbm>>
        %dma_wait3A_329 = arith.constant 0 : i32
        %dma_wait3A_330 = arith.constant 0 : i32
        %dma_wait3A_331 = tpu.memref_slice %dma_wait3A_328[%dma_wait3A_329, %dma_wait3A_330] : memref<5000x256xf32, #tpu.memory_space<hbm>> -> memref<5000x256xf32, #tpu.memory_space<hbm>>
        tpu.wait_indirect_dma semaphore(%arg12 : memref<!tpu.dma_semaphore, #tpu.memory_space<semaphore_mem>>) src(%dma_wait3A_331 : memref<5000x256xf32, #tpu.memory_space<hbm>>) dst(%dma_wait3A_321 : memref<64x256xf32, #tpu.memory_space<vmem>>)
        %dma_start3A_332 = arith.constant 0 : i32
        %dma_start3A_333 = tpu.memref_slice %arg11[%mul3A_319, %dma_start3A_332] : memref<192x256xf32, #tpu.memory_space<vmem>> -> memref<64x256xf32, #tpu.memory_space<vmem>>
        %dma_start3A_334 = arith.constant 0 : i32
        %dma_start3A_335 = tpu.memref_slice %arg8[%scan3A_295, %dma_start3A_334] : memref<40x64xi32, #tpu.memory_space<vmem>> -> memref<1x64xi32, #tpu.memory_space<vmem>>
        %dma_start3A_336 = tpu.memref_squeeze %dma_start3A_335 : memref<1x64xi32, #tpu.memory_space<vmem>> -> memref<64xi32, #tpu.memory_space<vmem>>
        %dma_start3A_337 = arith.constant 0 : i32
        %dma_start3A_338 = arith.constant 0 : i32
        %dma_start3A_339 = tpu.memref_slice %arg4[%select_n3A, %dma_start3A_337, %dma_start3A_338] : memref<8x10000x256xf32, #tpu.memory_space<hbm>> -> memref<1x10000x256xf32, #tpu.memory_space<hbm>>
        %dma_start3A_340 = tpu.memref_squeeze %dma_start3A_339 : memref<1x10000x256xf32, #tpu.memory_space<hbm>> -> memref<10000x256xf32, #tpu.memory_space<hbm>>
        %dma_start3A_341 = arith.constant 0 : i32
        %dma_start3A_342 = arith.constant 0 : i32
        %dma_start3A_343 = tpu.memref_slice %dma_start3A_340[%dma_start3A_341, %dma_start3A_342] : memref<10000x256xf32, #tpu.memory_space<hbm>> -> memref<10000x256xf32, #tpu.memory_space<hbm>>
        tpu.enqueue_indirect_dma source(%dma_start3A_333 : memref<64x256xf32, #tpu.memory_space<vmem>>) target(%dma_start3A_343 : memref<10000x256xf32, #tpu.memory_space<hbm>>) offsets(%dma_start3A_336 : memref<64xi32, #tpu.memory_space<vmem>>) semaphore(%arg13 : memref<!tpu.dma_semaphore, #tpu.memory_space<semaphore_mem>>)
        %add3A_344 = arith.constant 2 : i32
        %add3A_345 = arith.addi %scan3A_295, %add3A_344 : i32
        %lt3A_346 = arith.cmpi slt, %add3A_345, %select_n3A_101 : i32
        %add3A_347 = arith.constant 2 : i32
        %add3A_348 = arith.addi %scan3A_295, %add3A_347 : i32
        %ge3A = arith.cmpi sge, %add3A_348, %scan3A_74#2 : i32
        %and3A_349 = arith.andi %lt3A_346, %ge3A : i1
        %convert_element_type3A_350 = arith.extui %and3A_349 : i1 to i32
        %cond3A_351 = arith.constant 0 : i32
        %cond3A_352 = arith.cmpi ne, %convert_element_type3A_350, %cond3A_351 : i32
        scf.if %cond3A_352 {
          %ge3A_353 = arith.constant 1 : i32
          %ge3A_354 = arith.cmpi sge, %scan3A_295, %ge3A_353 : i32
          %convert_element_type3A_355 = arith.extui %ge3A_354 : i1 to i32
          %cond3A_356 = arith.constant 0 : i32
          %cond3A_357 = arith.cmpi ne, %convert_element_type3A_355, %cond3A_356 : i32
          scf.if %cond3A_357 {
            %add3A_392 = arith.constant 2 : i32
            %add3A_393 = arith.addi %scan3A_295, %add3A_392 : i32
            %jit3A_394 = arith.constant 3 : i32
            %eq3A_395 = arith.constant 0 : i32
            %eq3A_396 = arith.cmpi eq, %jit3A_394, %eq3A_395 : i32
            %jit3A_397 = arith.constant 1 : i32
            %select_n3A_398 = arith.select %eq3A_396, %jit3A_397, %jit3A_394 : i32
            %rem3A_399 = arith.remsi %add3A_393, %select_n3A_398 : i32
            %ne3A_400 = arith.constant 0 : i32
            %ne3A_401 = arith.cmpi ne, %rem3A_399, %ne3A_400 : i32
            %lt3A_402 = arith.constant 0 : i32
            %lt3A_403 = arith.cmpi slt, %rem3A_399, %lt3A_402 : i32
            %lt3A_404 = arith.constant 0 : i32
            %lt3A_405 = arith.cmpi slt, %select_n3A_398, %lt3A_404 : i32
            %ne3A_406 = arith.xori %lt3A_403, %lt3A_405 : i1
            %and3A_407 = arith.andi %ne3A_406, %ne3A_401 : i1
            %add3A_408 = arith.addi %rem3A_399, %select_n3A_398 : i32
            %select_n3A_409 = arith.select %and3A_407, %add3A_408, %rem3A_399 : i32
            %mul3A_410 = arith.constant 64 : i32
            %mul3A_411 = arith.muli %select_n3A_409, %mul3A_410 : i32
            %dma_wait3A_412 = arith.constant 0 : i32
            %dma_wait3A_413 = tpu.memref_slice %arg11[%mul3A_411, %dma_wait3A_412] : memref<192x256xf32, #tpu.memory_space<vmem>> -> memref<64x256xf32, #tpu.memory_space<vmem>>
            %dma_wait3A_414 = arith.constant 0 : i32
            %dma_wait3A_415 = tpu.memref_slice %arg8[%scan3A_295, %dma_wait3A_414] : memref<40x64xi32, #tpu.memory_space<vmem>> -> memref<1x64xi32, #tpu.memory_space<vmem>>
            %dma_wait3A_416 = tpu.memref_squeeze %dma_wait3A_415 : memref<1x64xi32, #tpu.memory_space<vmem>> -> memref<64xi32, #tpu.memory_space<vmem>>
            %dma_wait3A_417 = arith.constant 0 : i32
            %dma_wait3A_418 = arith.constant 0 : i32
            %dma_wait3A_419 = tpu.memref_slice %arg4[%select_n3A, %dma_wait3A_417, %dma_wait3A_418] : memref<8x10000x256xf32, #tpu.memory_space<hbm>> -> memref<1x10000x256xf32, #tpu.memory_space<hbm>>
            %dma_wait3A_420 = tpu.memref_squeeze %dma_wait3A_419 : memref<1x10000x256xf32, #tpu.memory_space<hbm>> -> memref<10000x256xf32, #tpu.memory_space<hbm>>
            %dma_wait3A_421 = arith.constant 0 : i32
            %dma_wait3A_422 = arith.constant 0 : i32
            %dma_wait3A_423 = tpu.memref_slice %dma_wait3A_420[%dma_wait3A_421, %dma_wait3A_422] : memref<10000x256xf32, #tpu.memory_space<hbm>> -> memref<10000x256xf32, #tpu.memory_space<hbm>>
            tpu.wait_indirect_dma semaphore(%arg13 : memref<!tpu.dma_semaphore, #tpu.memory_space<semaphore_mem>>) src(%dma_wait3A_413 : memref<64x256xf32, #tpu.memory_space<vmem>>) dst(%dma_wait3A_423 : memref<10000x256xf32, #tpu.memory_space<hbm>>)
          } else {
          }
          %add3A_358 = arith.constant 2 : i32
          %add3A_359 = arith.addi %scan3A_295, %add3A_358 : i32
          %add3A_360 = arith.constant 2 : i32
          %add3A_361 = arith.addi %scan3A_295, %add3A_360 : i32
          %jit3A_362 = arith.constant 3 : i32
          %eq3A_363 = arith.constant 0 : i32
          %eq3A_364 = arith.cmpi eq, %jit3A_362, %eq3A_363 : i32
          %jit3A_365 = arith.constant 1 : i32
          %select_n3A_366 = arith.select %eq3A_364, %jit3A_365, %jit3A_362 : i32
          %rem3A_367 = arith.remsi %add3A_361, %select_n3A_366 : i32
          %ne3A_368 = arith.constant 0 : i32
          %ne3A_369 = arith.cmpi ne, %rem3A_367, %ne3A_368 : i32
          %lt3A_370 = arith.constant 0 : i32
          %lt3A_371 = arith.cmpi slt, %rem3A_367, %lt3A_370 : i32
          %lt3A_372 = arith.constant 0 : i32
          %lt3A_373 = arith.cmpi slt, %select_n3A_366, %lt3A_372 : i32
          %ne3A_374 = arith.xori %lt3A_371, %lt3A_373 : i1
          %and3A_375 = arith.andi %ne3A_374, %ne3A_369 : i1
          %add3A_376 = arith.addi %rem3A_367, %select_n3A_366 : i32
          %select_n3A_377 = arith.select %and3A_375, %add3A_376, %rem3A_367 : i32
          %mul3A_378 = arith.constant 64 : i32
          %mul3A_379 = arith.muli %select_n3A_377, %mul3A_378 : i32
          %dma_start3A_380 = arith.constant 0 : i32
          %dma_start3A_381 = tpu.memref_slice %arg11[%mul3A_379, %dma_start3A_380] : memref<192x256xf32, #tpu.memory_space<vmem>> -> memref<64x256xf32, #tpu.memory_space<vmem>>
          %dma_start3A_382 = arith.constant 0 : i32
          %dma_start3A_383 = tpu.memref_slice %arg7[%add3A_359, %dma_start3A_382] : memref<40x64xi32, #tpu.memory_space<vmem>> -> memref<1x64xi32, #tpu.memory_space<vmem>>
          %dma_start3A_384 = tpu.memref_squeeze %dma_start3A_383 : memref<1x64xi32, #tpu.memory_space<vmem>> -> memref<64xi32, #tpu.memory_space<vmem>>
          %dma_start3A_385 = arith.constant 0 : i32
          %dma_start3A_386 = arith.constant 0 : i32
          %dma_start3A_387 = tpu.memref_slice %arg2[%select_n3A, %dma_start3A_385, %dma_start3A_386] : memref<8x5000x256xf32, #tpu.memory_space<hbm>> -> memref<1x5000x256xf32, #tpu.memory_space<hbm>>
          %dma_start3A_388 = tpu.memref_squeeze %dma_start3A_387 : memref<1x5000x256xf32, #tpu.memory_space<hbm>> -> memref<5000x256xf32, #tpu.memory_space<hbm>>
          %dma_start3A_389 = arith.constant 0 : i32
          %dma_start3A_390 = arith.constant 0 : i32
          %dma_start3A_391 = tpu.memref_slice %dma_start3A_388[%dma_start3A_389, %dma_start3A_390] : memref<5000x256xf32, #tpu.memory_space<hbm>> -> memref<5000x256xf32, #tpu.memory_space<hbm>>
          tpu.enqueue_indirect_dma source(%dma_start3A_391 : memref<5000x256xf32, #tpu.memory_space<hbm>>) target(%dma_start3A_381 : memref<64x256xf32, #tpu.memory_space<vmem>>) offsets(%dma_start3A_384 : memref<64xi32, #tpu.memory_space<vmem>>) semaphore(%arg12 : memref<!tpu.dma_semaphore, #tpu.memory_space<semaphore_mem>>)
        } else {
        }
      } else {
      }
      %scan3A_301 = arith.constant 0 : i32
      scf.yield %scan3A_301 : i32
    }
    %scan3A_152 = arith.constant 40 : i32
    %gt3A_153 = arith.constant 0 : i32
    %gt3A_154 = arith.cmpi sgt, %select_n3A_101, %gt3A_153 : i32
    %convert_element_type3A_155 = arith.extui %gt3A_154 : i1 to i32
    %cond3A_156 = arith.constant 0 : i32
    %cond3A_157 = arith.cmpi ne, %convert_element_type3A_155, %cond3A_156 : i32
    scf.if %cond3A_157 {
      %dma_wait3A_295 = arith.constant 0 : i32
      %dma_wait3A_296 = arith.constant 0 : i32
      %dma_wait3A_297 = arith.constant 0 : i32
      %dma_wait3A_298 = tpu.memref_slice %arg11[%dma_wait3A_296, %dma_wait3A_297] : memref<192x256xf32, #tpu.memory_space<vmem>> -> memref<64x256xf32, #tpu.memory_space<vmem>>
      %dma_wait3A_299 = arith.constant 0 : i32
      %dma_wait3A_300 = tpu.memref_slice %arg8[%dma_wait3A_295, %dma_wait3A_299] : memref<40x64xi32, #tpu.memory_space<vmem>> -> memref<1x64xi32, #tpu.memory_space<vmem>>
      %dma_wait3A_301 = tpu.memref_squeeze %dma_wait3A_300 : memref<1x64xi32, #tpu.memory_space<vmem>> -> memref<64xi32, #tpu.memory_space<vmem>>
      %dma_wait3A_302 = arith.constant 0 : i32
      %dma_wait3A_303 = arith.constant 0 : i32
      %dma_wait3A_304 = tpu.memref_slice %arg4[%select_n3A, %dma_wait3A_302, %dma_wait3A_303] : memref<8x10000x256xf32, #tpu.memory_space<hbm>> -> memref<1x10000x256xf32, #tpu.memory_space<hbm>>
      %dma_wait3A_305 = tpu.memref_squeeze %dma_wait3A_304 : memref<1x10000x256xf32, #tpu.memory_space<hbm>> -> memref<10000x256xf32, #tpu.memory_space<hbm>>
      %dma_wait3A_306 = arith.constant 0 : i32
      %dma_wait3A_307 = arith.constant 0 : i32
      %dma_wait3A_308 = tpu.memref_slice %dma_wait3A_305[%dma_wait3A_306, %dma_wait3A_307] : memref<10000x256xf32, #tpu.memory_space<hbm>> -> memref<10000x256xf32, #tpu.memory_space<hbm>>
      tpu.wait_indirect_dma semaphore(%arg13 : memref<!tpu.dma_semaphore, #tpu.memory_space<semaphore_mem>>) src(%dma_wait3A_298 : memref<64x256xf32, #tpu.memory_space<vmem>>) dst(%dma_wait3A_308 : memref<10000x256xf32, #tpu.memory_space<hbm>>)
    } else {
    }
    %gt3A_158 = arith.constant 1 : i32
    %gt3A_159 = arith.cmpi sgt, %select_n3A_101, %gt3A_158 : i32
    %convert_element_type3A_160 = arith.extui %gt3A_159 : i1 to i32
    %cond3A_161 = arith.constant 0 : i32
    %cond3A_162 = arith.cmpi ne, %convert_element_type3A_160, %cond3A_161 : i32
    scf.if %cond3A_162 {
      %dma_wait3A_295 = arith.constant 1 : i32
      %dma_wait3A_296 = arith.constant 64 : i32
      %dma_wait3A_297 = arith.constant 0 : i32
      %dma_wait3A_298 = tpu.memref_slice %arg11[%dma_wait3A_296, %dma_wait3A_297] : memref<192x256xf32, #tpu.memory_space<vmem>> -> memref<64x256xf32, #tpu.memory_space<vmem>>
      %dma_wait3A_299 = arith.constant 0 : i32
      %dma_wait3A_300 = tpu.memref_slice %arg8[%dma_wait3A_295, %dma_wait3A_299] : memref<40x64xi32, #tpu.memory_space<vmem>> -> memref<1x64xi32, #tpu.memory_space<vmem>>
      %dma_wait3A_301 = tpu.memref_squeeze %dma_wait3A_300 : memref<1x64xi32, #tpu.memory_space<vmem>> -> memref<64xi32, #tpu.memory_space<vmem>>
      %dma_wait3A_302 = arith.constant 0 : i32
      %dma_wait3A_303 = arith.constant 0 : i32
      %dma_wait3A_304 = tpu.memref_slice %arg4[%select_n3A, %dma_wait3A_302, %dma_wait3A_303] : memref<8x10000x256xf32, #tpu.memory_space<hbm>> -> memref<1x10000x256xf32, #tpu.memory_space<hbm>>
      %dma_wait3A_305 = tpu.memref_squeeze %dma_wait3A_304 : memref<1x10000x256xf32, #tpu.memory_space<hbm>> -> memref<10000x256xf32, #tpu.memory_space<hbm>>
      %dma_wait3A_306 = arith.constant 0 : i32
      %dma_wait3A_307 = arith.constant 0 : i32
      %dma_wait3A_308 = tpu.memref_slice %dma_wait3A_305[%dma_wait3A_306, %dma_wait3A_307] : memref<10000x256xf32, #tpu.memory_space<hbm>> -> memref<10000x256xf32, #tpu.memory_space<hbm>>
      tpu.wait_indirect_dma semaphore(%arg13 : memref<!tpu.dma_semaphore, #tpu.memory_space<semaphore_mem>>) src(%dma_wait3A_298 : memref<64x256xf32, #tpu.memory_space<vmem>>) dst(%dma_wait3A_308 : memref<10000x256xf32, #tpu.memory_space<hbm>>)
    } else {
    }
    %gt3A_163 = arith.constant 2 : i32
    %gt3A_164 = arith.cmpi sgt, %select_n3A_101, %gt3A_163 : i32
    %convert_element_type3A_165 = arith.extui %gt3A_164 : i1 to i32
    %cond3A_166 = arith.constant 0 : i32
    %cond3A_167 = arith.cmpi ne, %convert_element_type3A_165, %cond3A_166 : i32
    scf.if %cond3A_167 {
      %dma_wait3A_295 = arith.constant 2 : i32
      %dma_wait3A_296 = arith.constant 128 : i32
      %dma_wait3A_297 = arith.constant 0 : i32
      %dma_wait3A_298 = tpu.memref_slice %arg11[%dma_wait3A_296, %dma_wait3A_297] : memref<192x256xf32, #tpu.memory_space<vmem>> -> memref<64x256xf32, #tpu.memory_space<vmem>>
      %dma_wait3A_299 = arith.constant 0 : i32
      %dma_wait3A_300 = tpu.memref_slice %arg8[%dma_wait3A_295, %dma_wait3A_299] : memref<40x64xi32, #tpu.memory_space<vmem>> -> memref<1x64xi32, #tpu.memory_space<vmem>>
      %dma_wait3A_301 = tpu.memref_squeeze %dma_wait3A_300 : memref<1x64xi32, #tpu.memory_space<vmem>> -> memref<64xi32, #tpu.memory_space<vmem>>
      %dma_wait3A_302 = arith.constant 0 : i32
      %dma_wait3A_303 = arith.constant 0 : i32
      %dma_wait3A_304 = tpu.memref_slice %arg4[%select_n3A, %dma_wait3A_302, %dma_wait3A_303] : memref<8x10000x256xf32, #tpu.memory_space<hbm>> -> memref<1x10000x256xf32, #tpu.memory_space<hbm>>
      %dma_wait3A_305 = tpu.memref_squeeze %dma_wait3A_304 : memref<1x10000x256xf32, #tpu.memory_space<hbm>> -> memref<10000x256xf32, #tpu.memory_space<hbm>>
      %dma_wait3A_306 = arith.constant 0 : i32
      %dma_wait3A_307 = arith.constant 0 : i32
      %dma_wait3A_308 = tpu.memref_slice %dma_wait3A_305[%dma_wait3A_306, %dma_wait3A_307] : memref<10000x256xf32, #tpu.memory_space<hbm>> -> memref<10000x256xf32, #tpu.memory_space<hbm>>
      tpu.wait_indirect_dma semaphore(%arg13 : memref<!tpu.dma_semaphore, #tpu.memory_space<semaphore_mem>>) src(%dma_wait3A_298 : memref<64x256xf32, #tpu.memory_space<vmem>>) dst(%dma_wait3A_308 : memref<10000x256xf32, #tpu.memory_space<hbm>>)
    } else {
    }
    %scan3A_168 = arith.constant 0 : i32
    %scan3A_169 = arith.constant 0 : i32
    %scan3A_170 = arith.constant 40 : i32
    %scan3A_171 = arith.addi %scan3A_169, %scan3A_170 : i32
    %scan3A_172 = arith.constant 1 : i32
    %scan3A_173 = scf.for %scan3A_295 = %scan3A_169 to %scan3A_171 step %scan3A_172 iter_args(%scan3A_296 = %scan3A_168) -> (i32)  : i32 {
      %lt3A_297 = arith.cmpi slt, %scan3A_295, %select_n3A_125 : i32
      %convert_element_type3A_298 = arith.extui %lt3A_297 : i1 to i32
      %cond3A_299 = arith.constant 0 : i32
      %cond3A_300 = arith.cmpi ne, %convert_element_type3A_298, %cond3A_299 : i32
      scf.if %cond3A_300 {
        %dma_wait3A_302 = arith.constant 0 : i32
        %dma_wait3A_303 = tpu.memref_slice %arg9[%scan3A_295, %dma_wait3A_302] : memref<40x64xi32, #tpu.memory_space<vmem>> -> memref<1x64xi32, #tpu.memory_space<vmem>>
        %dma_wait3A_304 = tpu.memref_squeeze %dma_wait3A_303 : memref<1x64xi32, #tpu.memory_space<vmem>> -> memref<64xi32, #tpu.memory_space<vmem>>
        %dma_wait3A_305 = arith.constant 0 : i32
        %dma_wait3A_306 = arith.constant 0 : i32
        %dma_wait3A_307 = tpu.memref_slice %arg4[%select_n3A, %dma_wait3A_305, %dma_wait3A_306] : memref<8x10000x256xf32, #tpu.memory_space<hbm>> -> memref<1x10000x256xf32, #tpu.memory_space<hbm>>
        %dma_wait3A_308 = tpu.memref_squeeze %dma_wait3A_307 : memref<1x10000x256xf32, #tpu.memory_space<hbm>> -> memref<10000x256xf32, #tpu.memory_space<hbm>>
        %dma_wait3A_309 = arith.constant 0 : i32
        %dma_wait3A_310 = arith.constant 0 : i32
        %dma_wait3A_311 = tpu.memref_slice %dma_wait3A_308[%dma_wait3A_309, %dma_wait3A_310] : memref<10000x256xf32, #tpu.memory_space<hbm>> -> memref<10000x256xf32, #tpu.memory_space<hbm>>
        tpu.wait_indirect_dma semaphore(%arg14 : memref<!tpu.dma_semaphore, #tpu.memory_space<semaphore_mem>>) src(%arg10 : memref<64x256xf32, #tpu.memory_space<vmem>>) dst(%dma_wait3A_311 : memref<10000x256xf32, #tpu.memory_space<hbm>>)
      } else {
      }
      %scan3A_301 = arith.constant 0 : i32
      scf.yield %scan3A_301 : i32
    }
    %scan3A_174 = arith.constant 40 : i32
    %jit3A_175 = arith.constant 64 : i32
    %div3A_176 = arith.divsi %squeeze3A, %jit3A_175 : i32
    %sign3A_177 = arith.constant 0 : i32
    %sign3A_178 = arith.cmpi sgt, %squeeze3A, %sign3A_177 : i32
    %sign3A_179 = arith.extui %sign3A_178 : i1 to i32
    %sign3A_180 = arith.constant 0 : i32
    %sign3A_181 = arith.cmpi slt, %squeeze3A, %sign3A_180 : i32
    %sign3A_182 = arith.extui %sign3A_181 : i1 to i32
    %sign3A_183 = arith.subi %sign3A_179, %sign3A_182 : i32
    %sign3A_184 = arith.constant 0 : i32
    %sign3A_185 = arith.cmpi sgt, %jit3A_175, %sign3A_184 : i32
    %sign3A_186 = arith.extui %sign3A_185 : i1 to i32
    %sign3A_187 = arith.constant 0 : i32
    %sign3A_188 = arith.cmpi slt, %jit3A_175, %sign3A_187 : i32
    %sign3A_189 = arith.extui %sign3A_188 : i1 to i32
    %sign3A_190 = arith.subi %sign3A_186, %sign3A_189 : i32
    %ne3A_191 = arith.cmpi ne, %sign3A_183, %sign3A_190 : i32
    %rem3A_192 = arith.remsi %squeeze3A, %jit3A_175 : i32
    %ne3A_193 = arith.constant 0 : i32
    %ne3A_194 = arith.cmpi ne, %rem3A_192, %ne3A_193 : i32
    %and3A_195 = arith.andi %ne3A_191, %ne3A_194 : i1
    %sub3A_196 = arith.constant 1 : i32
    %sub3A_197 = arith.subi %div3A_176, %sub3A_196 : i32
    %select_n3A_198 = arith.select %and3A_195, %sub3A_197, %div3A_176 : i32
    %jit3A_199 = arith.constant 64 : i32
    %eq3A_200 = arith.constant 0 : i32
    %eq3A_201 = arith.cmpi eq, %jit3A_199, %eq3A_200 : i32
    %jit3A_202 = arith.constant 1 : i32
    %select_n3A_203 = arith.select %eq3A_201, %jit3A_202, %jit3A_199 : i32
    %rem3A_204 = arith.remsi %squeeze3A, %select_n3A_203 : i32
    %ne3A_205 = arith.constant 0 : i32
    %ne3A_206 = arith.cmpi ne, %rem3A_204, %ne3A_205 : i32
    %lt3A_207 = arith.constant 0 : i32
    %lt3A_208 = arith.cmpi slt, %rem3A_204, %lt3A_207 : i32
    %lt3A_209 = arith.constant 0 : i32
    %lt3A_210 = arith.cmpi slt, %select_n3A_203, %lt3A_209 : i32
    %ne3A_211 = arith.xori %lt3A_208, %lt3A_210 : i1
    %and3A_212 = arith.andi %ne3A_211, %ne3A_206 : i1
    %add3A_213 = arith.addi %rem3A_204, %select_n3A_203 : i32
    %select_n3A_214 = arith.select %and3A_212, %add3A_213, %rem3A_204 : i32
    %gt3A_215 = arith.constant 0 : i32
    %gt3A_216 = arith.cmpi sgt, %select_n3A_214, %gt3A_215 : i32
    %convert_element_type3A_217 = arith.extui %gt3A_216 : i1 to i32
    %cond3A_218 = arith.constant 0 : i32
    %cond3A_219 = arith.cmpi ne, %convert_element_type3A_217, %cond3A_218 : i32
    scf.if %cond3A_219 {
      %sub3A_295 = arith.constant 16 : i32
      %sub3A_296 = arith.subi %select_n3A_214, %sub3A_295 : i32
      %min3A = arith.constant 0 : i32
      %min3A_297 = arith.minsi %min3A, %sub3A_296 : i32
      %max3A = arith.constant 0 : i32
      %max3A_298 = arith.maxsi %min3A_297, %max3A : i32
      %get3A = arith.index_cast %select_n3A_198 : i32 to index
      %get3A_299 = arith.index_cast %max3A_298 : i32 to index
      %get3A_300 = tpu.vector_load %arg7[%get3A, %get3A_299] {strides = array<i32>} : memref<40x64xi32, #tpu.memory_space<vmem>>, vector<16xi32>,
      %add3A_301 = vector.broadcast %max3A_298 : i32 to vector<16xi32>
      %add3A_302 = arith.addi %add3A_301, %iota3A : vector<16xi32>
      %lt3A_303 = vector.broadcast %select_n3A_214 : i32 to vector<16xi32>
      %lt3A_304 = arith.cmpi slt, %add3A_302, %lt3A_303 : vector<16xi32>
      %broadcast_in_dim3A_305 = arith.constant 0 : i32
      %broadcast_in_dim3A_306 = vector.broadcast %broadcast_in_dim3A_305 : i32 to vector<16xi32>
      %slice3A_307 = vector.extract_strided_slice %get3A_300 {offsets = [0], sizes = [1], strides = [1]} : vector<16xi32> to vector<1xi32>
      %squeeze3A_308 = vector.extract %slice3A_307[0] : i32 from vector<1xi32>
      %add3A_309 = vector.broadcast %squeeze3A_308 : i32 to vector<16xi32>
      %add3A_310 = arith.addi %broadcast_in_dim3A_306, %add3A_309 : vector<16xi32>
      %select_n3A_311 = arith.select %lt3A_304, %get3A_300, %add3A_310 : vector<16xi1>, vector<16xi32>
      %sub3A_312 = arith.constant 16 : i32
      %sub3A_313 = arith.subi %select_n3A_214, %sub3A_312 : i32
      %min3A_314 = arith.constant 0 : i32
      %min3A_315 = arith.minsi %min3A_314, %sub3A_313 : i32
      %max3A_316 = arith.constant 0 : i32
      %max3A_317 = arith.maxsi %min3A_315, %max3A_316 : i32
      %get3A_318 = arith.index_cast %select_n3A_198 : i32 to index
      %get3A_319 = arith.index_cast %max3A_317 : i32 to index
      %get3A_320 = tpu.vector_load %arg8[%get3A_318, %get3A_319] {strides = array<i32>} : memref<40x64xi32, #tpu.memory_space<vmem>>, vector<16xi32>,
      %add3A_321 = vector.broadcast %max3A_317 : i32 to vector<16xi32>
      %add3A_322 = arith.addi %add3A_321, %iota3A : vector<16xi32>
      %lt3A_323 = vector.broadcast %select_n3A_214 : i32 to vector<16xi32>
      %lt3A_324 = arith.cmpi slt, %add3A_322, %lt3A_323 : vector<16xi32>
      %broadcast_in_dim3A_325 = arith.constant 0 : i32
      %broadcast_in_dim3A_326 = vector.broadcast %broadcast_in_dim3A_325 : i32 to vector<16xi32>
      %slice3A_327 = vector.extract_strided_slice %get3A_320 {offsets = [0], sizes = [1], strides = [1]} : vector<16xi32> to vector<1xi32>
      %squeeze3A_328 = vector.extract %slice3A_327[0] : i32 from vector<1xi32>
      %add3A_329 = vector.broadcast %squeeze3A_328 : i32 to vector<16xi32>
      %add3A_330 = arith.addi %broadcast_in_dim3A_326, %add3A_329 : vector<16xi32>
      %select_n3A_331 = arith.select %lt3A_324, %get3A_320, %add3A_330 : vector<16xi1>, vector<16xi32>
      %dma_start3A_332 = arith.constant 0 : i32
      %dma_start3A_333 = arith.constant 0 : i32
      %dma_start3A_334 = tpu.memref_slice %arg11[%dma_start3A_332, %dma_start3A_333] : memref<192x256xf32, #tpu.memory_space<vmem>> -> memref<16x256xf32, #tpu.memory_space<vmem>>
      %dma_start3A_335 = arith.constant 0 : i32
      %dma_start3A_336 = arith.constant 0 : i32
      %dma_start3A_337 = tpu.memref_slice %arg2[%select_n3A, %dma_start3A_335, %dma_start3A_336] : memref<8x5000x256xf32, #tpu.memory_space<hbm>> -> memref<1x5000x256xf32, #tpu.memory_space<hbm>>
      %dma_start3A_338 = tpu.memref_squeeze %dma_start3A_337 : memref<1x5000x256xf32, #tpu.memory_space<hbm>> -> memref<5000x256xf32, #tpu.memory_space<hbm>>
      %dma_start3A_339 = arith.constant 0 : i32
      %dma_start3A_340 = arith.constant 0 : i32
      %dma_start3A_341 = tpu.memref_slice %dma_start3A_338[%dma_start3A_339, %dma_start3A_340] : memref<5000x256xf32, #tpu.memory_space<hbm>> -> memref<5000x256xf32, #tpu.memory_space<hbm>>
      tpu.enqueue_indirect_dma source(%dma_start3A_341 : memref<5000x256xf32, #tpu.memory_space<hbm>>) target(%dma_start3A_334 : memref<16x256xf32, #tpu.memory_space<vmem>>) offsets(%select_n3A_311 : vector<16xi32>) semaphore(%arg12 : memref<!tpu.dma_semaphore, #tpu.memory_space<semaphore_mem>>)
      %dma_wait3A_342 = arith.constant 0 : i32
      %dma_wait3A_343 = arith.constant 0 : i32
      %dma_wait3A_344 = tpu.memref_slice %arg11[%dma_wait3A_342, %dma_wait3A_343] : memref<192x256xf32, #tpu.memory_space<vmem>> -> memref<16x256xf32, #tpu.memory_space<vmem>>
      %dma_wait3A_345 = arith.constant 0 : i32
      %dma_wait3A_346 = arith.constant 0 : i32
      %dma_wait3A_347 = tpu.memref_slice %arg2[%select_n3A, %dma_wait3A_345, %dma_wait3A_346] : memref<8x5000x256xf32, #tpu.memory_space<hbm>> -> memref<1x5000x256xf32, #tpu.memory_space<hbm>>
      %dma_wait3A_348 = tpu.memref_squeeze %dma_wait3A_347 : memref<1x5000x256xf32, #tpu.memory_space<hbm>> -> memref<5000x256xf32, #tpu.memory_space<hbm>>
      %dma_wait3A_349 = arith.constant 0 : i32
      %dma_wait3A_350 = arith.constant 0 : i32
      %dma_wait3A_351 = tpu.memref_slice %dma_wait3A_348[%dma_wait3A_349, %dma_wait3A_350] : memref<5000x256xf32, #tpu.memory_space<hbm>> -> memref<5000x256xf32, #tpu.memory_space<hbm>>
      tpu.wait_indirect_dma semaphore(%arg12 : memref<!tpu.dma_semaphore, #tpu.memory_space<semaphore_mem>>) src(%dma_wait3A_351 : memref<5000x256xf32, #tpu.memory_space<hbm>>) dst(%dma_wait3A_344 : memref<16x256xf32, #tpu.memory_space<vmem>>)
      %dma_start3A_352 = arith.constant 0 : i32
      %dma_start3A_353 = arith.constant 0 : i32
      %dma_start3A_354 = tpu.memref_slice %arg11[%dma_start3A_352, %dma_start3A_353] : memref<192x256xf32, #tpu.memory_space<vmem>> -> memref<16x256xf32, #tpu.memory_space<vmem>>
      %dma_start3A_355 = arith.constant 0 : i32
      %dma_start3A_356 = arith.constant 0 : i32
      %dma_start3A_357 = tpu.memref_slice %arg4[%select_n3A, %dma_start3A_355, %dma_start3A_356] : memref<8x10000x256xf32, #tpu.memory_space<hbm>> -> memref<1x10000x256xf32, #tpu.memory_space<hbm>>
      %dma_start3A_358 = tpu.memref_squeeze %dma_start3A_357 : memref<1x10000x256xf32, #tpu.memory_space<hbm>> -> memref<10000x256xf32, #tpu.memory_space<hbm>>
      %dma_start3A_359 = arith.constant 0 : i32
      %dma_start3A_360 = arith.constant 0 : i32
      %dma_start3A_361 = tpu.memref_slice %dma_start3A_358[%dma_start3A_359, %dma_start3A_360] : memref<10000x256xf32, #tpu.memory_space<hbm>> -> memref<10000x256xf32, #tpu.memory_space<hbm>>
      tpu.enqueue_indirect_dma source(%dma_start3A_354 : memref<16x256xf32, #tpu.memory_space<vmem>>) target(%dma_start3A_361 : memref<10000x256xf32, #tpu.memory_space<hbm>>) offsets(%select_n3A_331 : vector<16xi32>) semaphore(%arg13 : memref<!tpu.dma_semaphore, #tpu.memory_space<semaphore_mem>>)
      %dma_wait3A_362 = arith.constant 0 : i32
      %dma_wait3A_363 = arith.constant 0 : i32
      %dma_wait3A_364 = tpu.memref_slice %arg11[%dma_wait3A_362, %dma_wait3A_363] : memref<192x256xf32, #tpu.memory_space<vmem>> -> memref<16x256xf32, #tpu.memory_space<vmem>>
      %dma_wait3A_365 = arith.constant 0 : i32
      %dma_wait3A_366 = arith.constant 0 : i32
      %dma_wait3A_367 = tpu.memref_slice %arg4[%select_n3A, %dma_wait3A_365, %dma_wait3A_366] : memref<8x10000x256xf32, #tpu.memory_space<hbm>> -> memref<1x10000x256xf32, #tpu.memory_space<hbm>>
      %dma_wait3A_368 = tpu.memref_squeeze %dma_wait3A_367 : memref<1x10000x256xf32, #tpu.memory_space<hbm>> -> memref<10000x256xf32, #tpu.memory_space<hbm>>
      %dma_wait3A_369 = arith.constant 0 : i32
      %dma_wait3A_370 = arith.constant 0 : i32
      %dma_wait3A_371 = tpu.memref_slice %dma_wait3A_368[%dma_wait3A_369, %dma_wait3A_370] : memref<10000x256xf32, #tpu.memory_space<hbm>> -> memref<10000x256xf32, #tpu.memory_space<hbm>>
      tpu.wait_indirect_dma semaphore(%arg13 : memref<!tpu.dma_semaphore, #tpu.memory_space<semaphore_mem>>) src(%dma_wait3A_364 : memref<16x256xf32, #tpu.memory_space<vmem>>) dst(%dma_wait3A_371 : memref<10000x256xf32, #tpu.memory_space<hbm>>)
    } else {
    }
    %gt3A_220 = arith.constant 16 : i32
    %gt3A_221 = arith.cmpi sgt, %select_n3A_214, %gt3A_220 : i32
    %convert_element_type3A_222 = arith.extui %gt3A_221 : i1 to i32
    %cond3A_223 = arith.constant 0 : i32
    %cond3A_224 = arith.cmpi ne, %convert_element_type3A_222, %cond3A_223 : i32
    scf.if %cond3A_224 {
      %sub3A_295 = arith.constant 16 : i32
      %sub3A_296 = arith.subi %select_n3A_214, %sub3A_295 : i32
      %min3A = arith.constant 16 : i32
      %min3A_297 = arith.minsi %min3A, %sub3A_296 : i32
      %max3A = arith.constant 0 : i32
      %max3A_298 = arith.maxsi %min3A_297, %max3A : i32
      %get3A = arith.index_cast %select_n3A_198 : i32 to index
      %get3A_299 = arith.index_cast %max3A_298 : i32 to index
      %get3A_300 = tpu.vector_load %arg7[%get3A, %get3A_299] {strides = array<i32>} : memref<40x64xi32, #tpu.memory_space<vmem>>, vector<16xi32>,
      %add3A_301 = vector.broadcast %max3A_298 : i32 to vector<16xi32>
      %add3A_302 = arith.addi %add3A_301, %iota3A : vector<16xi32>
      %lt3A_303 = vector.broadcast %select_n3A_214 : i32 to vector<16xi32>
      %lt3A_304 = arith.cmpi slt, %add3A_302, %lt3A_303 : vector<16xi32>
      %broadcast_in_dim3A_305 = arith.constant 0 : i32
      %broadcast_in_dim3A_306 = vector.broadcast %broadcast_in_dim3A_305 : i32 to vector<16xi32>
      %slice3A_307 = vector.extract_strided_slice %get3A_300 {offsets = [0], sizes = [1], strides = [1]} : vector<16xi32> to vector<1xi32>
      %squeeze3A_308 = vector.extract %slice3A_307[0] : i32 from vector<1xi32>
      %add3A_309 = vector.broadcast %squeeze3A_308 : i32 to vector<16xi32>
      %add3A_310 = arith.addi %broadcast_in_dim3A_306, %add3A_309 : vector<16xi32>
      %select_n3A_311 = arith.select %lt3A_304, %get3A_300, %add3A_310 : vector<16xi1>, vector<16xi32>
      %sub3A_312 = arith.constant 16 : i32
      %sub3A_313 = arith.subi %select_n3A_214, %sub3A_312 : i32
      %min3A_314 = arith.constant 16 : i32
      %min3A_315 = arith.minsi %min3A_314, %sub3A_313 : i32
      %max3A_316 = arith.constant 0 : i32
      %max3A_317 = arith.maxsi %min3A_315, %max3A_316 : i32
      %get3A_318 = arith.index_cast %select_n3A_198 : i32 to index
      %get3A_319 = arith.index_cast %max3A_317 : i32 to index
      %get3A_320 = tpu.vector_load %arg8[%get3A_318, %get3A_319] {strides = array<i32>} : memref<40x64xi32, #tpu.memory_space<vmem>>, vector<16xi32>,
      %add3A_321 = vector.broadcast %max3A_317 : i32 to vector<16xi32>
      %add3A_322 = arith.addi %add3A_321, %iota3A : vector<16xi32>
      %lt3A_323 = vector.broadcast %select_n3A_214 : i32 to vector<16xi32>
      %lt3A_324 = arith.cmpi slt, %add3A_322, %lt3A_323 : vector<16xi32>
      %broadcast_in_dim3A_325 = arith.constant 0 : i32
      %broadcast_in_dim3A_326 = vector.broadcast %broadcast_in_dim3A_325 : i32 to vector<16xi32>
      %slice3A_327 = vector.extract_strided_slice %get3A_320 {offsets = [0], sizes = [1], strides = [1]} : vector<16xi32> to vector<1xi32>
      %squeeze3A_328 = vector.extract %slice3A_327[0] : i32 from vector<1xi32>
      %add3A_329 = vector.broadcast %squeeze3A_328 : i32 to vector<16xi32>
      %add3A_330 = arith.addi %broadcast_in_dim3A_326, %add3A_329 : vector<16xi32>
      %select_n3A_331 = arith.select %lt3A_324, %get3A_320, %add3A_330 : vector<16xi1>, vector<16xi32>
      %dma_start3A_332 = arith.constant 0 : i32
      %dma_start3A_333 = arith.constant 0 : i32
      %dma_start3A_334 = tpu.memref_slice %arg11[%dma_start3A_332, %dma_start3A_333] : memref<192x256xf32, #tpu.memory_space<vmem>> -> memref<16x256xf32, #tpu.memory_space<vmem>>
      %dma_start3A_335 = arith.constant 0 : i32
      %dma_start3A_336 = arith.constant 0 : i32
      %dma_start3A_337 = tpu.memref_slice %arg2[%select_n3A, %dma_start3A_335, %dma_start3A_336] : memref<8x5000x256xf32, #tpu.memory_space<hbm>> -> memref<1x5000x256xf32, #tpu.memory_space<hbm>>
      %dma_start3A_338 = tpu.memref_squeeze %dma_start3A_337 : memref<1x5000x256xf32, #tpu.memory_space<hbm>> -> memref<5000x256xf32, #tpu.memory_space<hbm>>
      %dma_start3A_339 = arith.constant 0 : i32
      %dma_start3A_340 = arith.constant 0 : i32
      %dma_start3A_341 = tpu.memref_slice %dma_start3A_338[%dma_start3A_339, %dma_start3A_340] : memref<5000x256xf32, #tpu.memory_space<hbm>> -> memref<5000x256xf32, #tpu.memory_space<hbm>>
      tpu.enqueue_indirect_dma source(%dma_start3A_341 : memref<5000x256xf32, #tpu.memory_space<hbm>>) target(%dma_start3A_334 : memref<16x256xf32, #tpu.memory_space<vmem>>) offsets(%select_n3A_311 : vector<16xi32>) semaphore(%arg12 : memref<!tpu.dma_semaphore, #tpu.memory_space<semaphore_mem>>)
      %dma_wait3A_342 = arith.constant 0 : i32
      %dma_wait3A_343 = arith.constant 0 : i32
      %dma_wait3A_344 = tpu.memref_slice %arg11[%dma_wait3A_342, %dma_wait3A_343] : memref<192x256xf32, #tpu.memory_space<vmem>> -> memref<16x256xf32, #tpu.memory_space<vmem>>
      %dma_wait3A_345 = arith.constant 0 : i32
      %dma_wait3A_346 = arith.constant 0 : i32
      %dma_wait3A_347 = tpu.memref_slice %arg2[%select_n3A, %dma_wait3A_345, %dma_wait3A_346] : memref<8x5000x256xf32, #tpu.memory_space<hbm>> -> memref<1x5000x256xf32, #tpu.memory_space<hbm>>
      %dma_wait3A_348 = tpu.memref_squeeze %dma_wait3A_347 : memref<1x5000x256xf32, #tpu.memory_space<hbm>> -> memref<5000x256xf32, #tpu.memory_space<hbm>>
      %dma_wait3A_349 = arith.constant 0 : i32
      %dma_wait3A_350 = arith.constant 0 : i32
      %dma_wait3A_351 = tpu.memref_slice %dma_wait3A_348[%dma_wait3A_349, %dma_wait3A_350] : memref<5000x256xf32, #tpu.memory_space<hbm>> -> memref<5000x256xf32, #tpu.memory_space<hbm>>
      tpu.wait_indirect_dma semaphore(%arg12 : memref<!tpu.dma_semaphore, #tpu.memory_space<semaphore_mem>>) src(%dma_wait3A_351 : memref<5000x256xf32, #tpu.memory_space<hbm>>) dst(%dma_wait3A_344 : memref<16x256xf32, #tpu.memory_space<vmem>>)
      %dma_start3A_352 = arith.constant 0 : i32
      %dma_start3A_353 = arith.constant 0 : i32
      %dma_start3A_354 = tpu.memref_slice %arg11[%dma_start3A_352, %dma_start3A_353] : memref<192x256xf32, #tpu.memory_space<vmem>> -> memref<16x256xf32, #tpu.memory_space<vmem>>
      %dma_start3A_355 = arith.constant 0 : i32
      %dma_start3A_356 = arith.constant 0 : i32
      %dma_start3A_357 = tpu.memref_slice %arg4[%select_n3A, %dma_start3A_355, %dma_start3A_356] : memref<8x10000x256xf32, #tpu.memory_space<hbm>> -> memref<1x10000x256xf32, #tpu.memory_space<hbm>>
      %dma_start3A_358 = tpu.memref_squeeze %dma_start3A_357 : memref<1x10000x256xf32, #tpu.memory_space<hbm>> -> memref<10000x256xf32, #tpu.memory_space<hbm>>
      %dma_start3A_359 = arith.constant 0 : i32
      %dma_start3A_360 = arith.constant 0 : i32
      %dma_start3A_361 = tpu.memref_slice %dma_start3A_358[%dma_start3A_359, %dma_start3A_360] : memref<10000x256xf32, #tpu.memory_space<hbm>> -> memref<10000x256xf32, #tpu.memory_space<hbm>>
      tpu.enqueue_indirect_dma source(%dma_start3A_354 : memref<16x256xf32, #tpu.memory_space<vmem>>) target(%dma_start3A_361 : memref<10000x256xf32, #tpu.memory_space<hbm>>) offsets(%select_n3A_331 : vector<16xi32>) semaphore(%arg13 : memref<!tpu.dma_semaphore, #tpu.memory_space<semaphore_mem>>)
      %dma_wait3A_362 = arith.constant 0 : i32
      %dma_wait3A_363 = arith.constant 0 : i32
      %dma_wait3A_364 = tpu.memref_slice %arg11[%dma_wait3A_362, %dma_wait3A_363] : memref<192x256xf32, #tpu.memory_space<vmem>> -> memref<16x256xf32, #tpu.memory_space<vmem>>
      %dma_wait3A_365 = arith.constant 0 : i32
      %dma_wait3A_366 = arith.constant 0 : i32
      %dma_wait3A_367 = tpu.memref_slice %arg4[%select_n3A, %dma_wait3A_365, %dma_wait3A_366] : memref<8x10000x256xf32, #tpu.memory_space<hbm>> -> memref<1x10000x256xf32, #tpu.memory_space<hbm>>
      %dma_wait3A_368 = tpu.memref_squeeze %dma_wait3A_367 : memref<1x10000x256xf32, #tpu.memory_space<hbm>> -> memref<10000x256xf32, #tpu.memory_space<hbm>>
      %dma_wait3A_369 = arith.constant 0 : i32
      %dma_wait3A_370 = arith.constant 0 : i32
      %dma_wait3A_371 = tpu.memref_slice %dma_wait3A_368[%dma_wait3A_369, %dma_wait3A_370] : memref<10000x256xf32, #tpu.memory_space<hbm>> -> memref<10000x256xf32, #tpu.memory_space<hbm>>
      tpu.wait_indirect_dma semaphore(%arg13 : memref<!tpu.dma_semaphore, #tpu.memory_space<semaphore_mem>>) src(%dma_wait3A_364 : memref<16x256xf32, #tpu.memory_space<vmem>>) dst(%dma_wait3A_371 : memref<10000x256xf32, #tpu.memory_space<hbm>>)
    } else {
    }
    %gt3A_225 = arith.constant 32 : i32
    %gt3A_226 = arith.cmpi sgt, %select_n3A_214, %gt3A_225 : i32
    %convert_element_type3A_227 = arith.extui %gt3A_226 : i1 to i32
    %cond3A_228 = arith.constant 0 : i32
    %cond3A_229 = arith.cmpi ne, %convert_element_type3A_227, %cond3A_228 : i32
    scf.if %cond3A_229 {
      %sub3A_295 = arith.constant 16 : i32
      %sub3A_296 = arith.subi %select_n3A_214, %sub3A_295 : i32
      %min3A = arith.constant 32 : i32
      %min3A_297 = arith.minsi %min3A, %sub3A_296 : i32
      %max3A = arith.constant 0 : i32
      %max3A_298 = arith.maxsi %min3A_297, %max3A : i32
      %get3A = arith.index_cast %select_n3A_198 : i32 to index
      %get3A_299 = arith.index_cast %max3A_298 : i32 to index
      %get3A_300 = tpu.vector_load %arg7[%get3A, %get3A_299] {strides = array<i32>} : memref<40x64xi32, #tpu.memory_space<vmem>>, vector<16xi32>,
      %add3A_301 = vector.broadcast %max3A_298 : i32 to vector<16xi32>
      %add3A_302 = arith.addi %add3A_301, %iota3A : vector<16xi32>
      %lt3A_303 = vector.broadcast %select_n3A_214 : i32 to vector<16xi32>
      %lt3A_304 = arith.cmpi slt, %add3A_302, %lt3A_303 : vector<16xi32>
      %broadcast_in_dim3A_305 = arith.constant 0 : i32
      %broadcast_in_dim3A_306 = vector.broadcast %broadcast_in_dim3A_305 : i32 to vector<16xi32>
      %slice3A_307 = vector.extract_strided_slice %get3A_300 {offsets = [0], sizes = [1], strides = [1]} : vector<16xi32> to vector<1xi32>
      %squeeze3A_308 = vector.extract %slice3A_307[0] : i32 from vector<1xi32>
      %add3A_309 = vector.broadcast %squeeze3A_308 : i32 to vector<16xi32>
      %add3A_310 = arith.addi %broadcast_in_dim3A_306, %add3A_309 : vector<16xi32>
      %select_n3A_311 = arith.select %lt3A_304, %get3A_300, %add3A_310 : vector<16xi1>, vector<16xi32>
      %sub3A_312 = arith.constant 16 : i32
      %sub3A_313 = arith.subi %select_n3A_214, %sub3A_312 : i32
      %min3A_314 = arith.constant 32 : i32
      %min3A_315 = arith.minsi %min3A_314, %sub3A_313 : i32
      %max3A_316 = arith.constant 0 : i32
      %max3A_317 = arith.maxsi %min3A_315, %max3A_316 : i32
      %get3A_318 = arith.index_cast %select_n3A_198 : i32 to index
      %get3A_319 = arith.index_cast %max3A_317 : i32 to index
      %get3A_320 = tpu.vector_load %arg8[%get3A_318, %get3A_319] {strides = array<i32>} : memref<40x64xi32, #tpu.memory_space<vmem>>, vector<16xi32>,
      %add3A_321 = vector.broadcast %max3A_317 : i32 to vector<16xi32>
      %add3A_322 = arith.addi %add3A_321, %iota3A : vector<16xi32>
      %lt3A_323 = vector.broadcast %select_n3A_214 : i32 to vector<16xi32>
      %lt3A_324 = arith.cmpi slt, %add3A_322, %lt3A_323 : vector<16xi32>
      %broadcast_in_dim3A_325 = arith.constant 0 : i32
      %broadcast_in_dim3A_326 = vector.broadcast %broadcast_in_dim3A_325 : i32 to vector<16xi32>
      %slice3A_327 = vector.extract_strided_slice %get3A_320 {offsets = [0], sizes = [1], strides = [1]} : vector<16xi32> to vector<1xi32>
      %squeeze3A_328 = vector.extract %slice3A_327[0] : i32 from vector<1xi32>
      %add3A_329 = vector.broadcast %squeeze3A_328 : i32 to vector<16xi32>
      %add3A_330 = arith.addi %broadcast_in_dim3A_326, %add3A_329 : vector<16xi32>
      %select_n3A_331 = arith.select %lt3A_324, %get3A_320, %add3A_330 : vector<16xi1>, vector<16xi32>
      %dma_start3A_332 = arith.constant 0 : i32
      %dma_start3A_333 = arith.constant 0 : i32
      %dma_start3A_334 = tpu.memref_slice %arg11[%dma_start3A_332, %dma_start3A_333] : memref<192x256xf32, #tpu.memory_space<vmem>> -> memref<16x256xf32, #tpu.memory_space<vmem>>
      %dma_start3A_335 = arith.constant 0 : i32
      %dma_start3A_336 = arith.constant 0 : i32
      %dma_start3A_337 = tpu.memref_slice %arg2[%select_n3A, %dma_start3A_335, %dma_start3A_336] : memref<8x5000x256xf32, #tpu.memory_space<hbm>> -> memref<1x5000x256xf32, #tpu.memory_space<hbm>>
      %dma_start3A_338 = tpu.memref_squeeze %dma_start3A_337 : memref<1x5000x256xf32, #tpu.memory_space<hbm>> -> memref<5000x256xf32, #tpu.memory_space<hbm>>
      %dma_start3A_339 = arith.constant 0 : i32
      %dma_start3A_340 = arith.constant 0 : i32
      %dma_start3A_341 = tpu.memref_slice %dma_start3A_338[%dma_start3A_339, %dma_start3A_340] : memref<5000x256xf32, #tpu.memory_space<hbm>> -> memref<5000x256xf32, #tpu.memory_space<hbm>>
      tpu.enqueue_indirect_dma source(%dma_start3A_341 : memref<5000x256xf32, #tpu.memory_space<hbm>>) target(%dma_start3A_334 : memref<16x256xf32, #tpu.memory_space<vmem>>) offsets(%select_n3A_311 : vector<16xi32>) semaphore(%arg12 : memref<!tpu.dma_semaphore, #tpu.memory_space<semaphore_mem>>)
      %dma_wait3A_342 = arith.constant 0 : i32
      %dma_wait3A_343 = arith.constant 0 : i32
      %dma_wait3A_344 = tpu.memref_slice %arg11[%dma_wait3A_342, %dma_wait3A_343] : memref<192x256xf32, #tpu.memory_space<vmem>> -> memref<16x256xf32, #tpu.memory_space<vmem>>
      %dma_wait3A_345 = arith.constant 0 : i32
      %dma_wait3A_346 = arith.constant 0 : i32
      %dma_wait3A_347 = tpu.memref_slice %arg2[%select_n3A, %dma_wait3A_345, %dma_wait3A_346] : memref<8x5000x256xf32, #tpu.memory_space<hbm>> -> memref<1x5000x256xf32, #tpu.memory_space<hbm>>
      %dma_wait3A_348 = tpu.memref_squeeze %dma_wait3A_347 : memref<1x5000x256xf32, #tpu.memory_space<hbm>> -> memref<5000x256xf32, #tpu.memory_space<hbm>>
      %dma_wait3A_349 = arith.constant 0 : i32
      %dma_wait3A_350 = arith.constant 0 : i32
      %dma_wait3A_351 = tpu.memref_slice %dma_wait3A_348[%dma_wait3A_349, %dma_wait3A_350] : memref<5000x256xf32, #tpu.memory_space<hbm>> -> memref<5000x256xf32, #tpu.memory_space<hbm>>
      tpu.wait_indirect_dma semaphore(%arg12 : memref<!tpu.dma_semaphore, #tpu.memory_space<semaphore_mem>>) src(%dma_wait3A_351 : memref<5000x256xf32, #tpu.memory_space<hbm>>) dst(%dma_wait3A_344 : memref<16x256xf32, #tpu.memory_space<vmem>>)
      %dma_start3A_352 = arith.constant 0 : i32
      %dma_start3A_353 = arith.constant 0 : i32
      %dma_start3A_354 = tpu.memref_slice %arg11[%dma_start3A_352, %dma_start3A_353] : memref<192x256xf32, #tpu.memory_space<vmem>> -> memref<16x256xf32, #tpu.memory_space<vmem>>
      %dma_start3A_355 = arith.constant 0 : i32
      %dma_start3A_356 = arith.constant 0 : i32
      %dma_start3A_357 = tpu.memref_slice %arg4[%select_n3A, %dma_start3A_355, %dma_start3A_356] : memref<8x10000x256xf32, #tpu.memory_space<hbm>> -> memref<1x10000x256xf32, #tpu.memory_space<hbm>>
      %dma_start3A_358 = tpu.memref_squeeze %dma_start3A_357 : memref<1x10000x256xf32, #tpu.memory_space<hbm>> -> memref<10000x256xf32, #tpu.memory_space<hbm>>
      %dma_start3A_359 = arith.constant 0 : i32
      %dma_start3A_360 = arith.constant 0 : i32
      %dma_start3A_361 = tpu.memref_slice %dma_start3A_358[%dma_start3A_359, %dma_start3A_360] : memref<10000x256xf32, #tpu.memory_space<hbm>> -> memref<10000x256xf32, #tpu.memory_space<hbm>>
      tpu.enqueue_indirect_dma source(%dma_start3A_354 : memref<16x256xf32, #tpu.memory_space<vmem>>) target(%dma_start3A_361 : memref<10000x256xf32, #tpu.memory_space<hbm>>) offsets(%select_n3A_331 : vector<16xi32>) semaphore(%arg13 : memref<!tpu.dma_semaphore, #tpu.memory_space<semaphore_mem>>)
      %dma_wait3A_362 = arith.constant 0 : i32
      %dma_wait3A_363 = arith.constant 0 : i32
      %dma_wait3A_364 = tpu.memref_slice %arg11[%dma_wait3A_362, %dma_wait3A_363] : memref<192x256xf32, #tpu.memory_space<vmem>> -> memref<16x256xf32, #tpu.memory_space<vmem>>
      %dma_wait3A_365 = arith.constant 0 : i32
      %dma_wait3A_366 = arith.constant 0 : i32
      %dma_wait3A_367 = tpu.memref_slice %arg4[%select_n3A, %dma_wait3A_365, %dma_wait3A_366] : memref<8x10000x256xf32, #tpu.memory_space<hbm>> -> memref<1x10000x256xf32, #tpu.memory_space<hbm>>
      %dma_wait3A_368 = tpu.memref_squeeze %dma_wait3A_367 : memref<1x10000x256xf32, #tpu.memory_space<hbm>> -> memref<10000x256xf32, #tpu.memory_space<hbm>>
      %dma_wait3A_369 = arith.constant 0 : i32
      %dma_wait3A_370 = arith.constant 0 : i32
      %dma_wait3A_371 = tpu.memref_slice %dma_wait3A_368[%dma_wait3A_369, %dma_wait3A_370] : memref<10000x256xf32, #tpu.memory_space<hbm>> -> memref<10000x256xf32, #tpu.memory_space<hbm>>
      tpu.wait_indirect_dma semaphore(%arg13 : memref<!tpu.dma_semaphore, #tpu.memory_space<semaphore_mem>>) src(%dma_wait3A_364 : memref<16x256xf32, #tpu.memory_space<vmem>>) dst(%dma_wait3A_371 : memref<10000x256xf32, #tpu.memory_space<hbm>>)
    } else {
    }
    %gt3A_230 = arith.constant 48 : i32
    %gt3A_231 = arith.cmpi sgt, %select_n3A_214, %gt3A_230 : i32
    %convert_element_type3A_232 = arith.extui %gt3A_231 : i1 to i32
    %cond3A_233 = arith.constant 0 : i32
    %cond3A_234 = arith.cmpi ne, %convert_element_type3A_232, %cond3A_233 : i32
    scf.if %cond3A_234 {
      %sub3A_295 = arith.constant 16 : i32
      %sub3A_296 = arith.subi %select_n3A_214, %sub3A_295 : i32
      %min3A = arith.constant 48 : i32
      %min3A_297 = arith.minsi %min3A, %sub3A_296 : i32
      %max3A = arith.constant 0 : i32
      %max3A_298 = arith.maxsi %min3A_297, %max3A : i32
      %get3A = arith.index_cast %select_n3A_198 : i32 to index
      %get3A_299 = arith.index_cast %max3A_298 : i32 to index
      %get3A_300 = tpu.vector_load %arg7[%get3A, %get3A_299] {strides = array<i32>} : memref<40x64xi32, #tpu.memory_space<vmem>>, vector<16xi32>,
      %add3A_301 = vector.broadcast %max3A_298 : i32 to vector<16xi32>
      %add3A_302 = arith.addi %add3A_301, %iota3A : vector<16xi32>
      %lt3A_303 = vector.broadcast %select_n3A_214 : i32 to vector<16xi32>
      %lt3A_304 = arith.cmpi slt, %add3A_302, %lt3A_303 : vector<16xi32>
      %broadcast_in_dim3A_305 = arith.constant 0 : i32
      %broadcast_in_dim3A_306 = vector.broadcast %broadcast_in_dim3A_305 : i32 to vector<16xi32>
      %slice3A_307 = vector.extract_strided_slice %get3A_300 {offsets = [0], sizes = [1], strides = [1]} : vector<16xi32> to vector<1xi32>
      %squeeze3A_308 = vector.extract %slice3A_307[0] : i32 from vector<1xi32>
      %add3A_309 = vector.broadcast %squeeze3A_308 : i32 to vector<16xi32>
      %add3A_310 = arith.addi %broadcast_in_dim3A_306, %add3A_309 : vector<16xi32>
      %select_n3A_311 = arith.select %lt3A_304, %get3A_300, %add3A_310 : vector<16xi1>, vector<16xi32>
      %sub3A_312 = arith.constant 16 : i32
      %sub3A_313 = arith.subi %select_n3A_214, %sub3A_312 : i32
      %min3A_314 = arith.constant 48 : i32
      %min3A_315 = arith.minsi %min3A_314, %sub3A_313 : i32
      %max3A_316 = arith.constant 0 : i32
      %max3A_317 = arith.maxsi %min3A_315, %max3A_316 : i32
      %get3A_318 = arith.index_cast %select_n3A_198 : i32 to index
      %get3A_319 = arith.index_cast %max3A_317 : i32 to index
      %get3A_320 = tpu.vector_load %arg8[%get3A_318, %get3A_319] {strides = array<i32>} : memref<40x64xi32, #tpu.memory_space<vmem>>, vector<16xi32>,
      %add3A_321 = vector.broadcast %max3A_317 : i32 to vector<16xi32>
      %add3A_322 = arith.addi %add3A_321, %iota3A : vector<16xi32>
      %lt3A_323 = vector.broadcast %select_n3A_214 : i32 to vector<16xi32>
      %lt3A_324 = arith.cmpi slt, %add3A_322, %lt3A_323 : vector<16xi32>
      %broadcast_in_dim3A_325 = arith.constant 0 : i32
      %broadcast_in_dim3A_326 = vector.broadcast %broadcast_in_dim3A_325 : i32 to vector<16xi32>
      %slice3A_327 = vector.extract_strided_slice %get3A_320 {offsets = [0], sizes = [1], strides = [1]} : vector<16xi32> to vector<1xi32>
      %squeeze3A_328 = vector.extract %slice3A_327[0] : i32 from vector<1xi32>
      %add3A_329 = vector.broadcast %squeeze3A_328 : i32 to vector<16xi32>
      %add3A_330 = arith.addi %broadcast_in_dim3A_326, %add3A_329 : vector<16xi32>
      %select_n3A_331 = arith.select %lt3A_324, %get3A_320, %add3A_330 : vector<16xi1>, vector<16xi32>
      %dma_start3A_332 = arith.constant 0 : i32
      %dma_start3A_333 = arith.constant 0 : i32
      %dma_start3A_334 = tpu.memref_slice %arg11[%dma_start3A_332, %dma_start3A_333] : memref<192x256xf32, #tpu.memory_space<vmem>> -> memref<16x256xf32, #tpu.memory_space<vmem>>
      %dma_start3A_335 = arith.constant 0 : i32
      %dma_start3A_336 = arith.constant 0 : i32
      %dma_start3A_337 = tpu.memref_slice %arg2[%select_n3A, %dma_start3A_335, %dma_start3A_336] : memref<8x5000x256xf32, #tpu.memory_space<hbm>> -> memref<1x5000x256xf32, #tpu.memory_space<hbm>>
      %dma_start3A_338 = tpu.memref_squeeze %dma_start3A_337 : memref<1x5000x256xf32, #tpu.memory_space<hbm>> -> memref<5000x256xf32, #tpu.memory_space<hbm>>
      %dma_start3A_339 = arith.constant 0 : i32
      %dma_start3A_340 = arith.constant 0 : i32
      %dma_start3A_341 = tpu.memref_slice %dma_start3A_338[%dma_start3A_339, %dma_start3A_340] : memref<5000x256xf32, #tpu.memory_space<hbm>> -> memref<5000x256xf32, #tpu.memory_space<hbm>>
      tpu.enqueue_indirect_dma source(%dma_start3A_341 : memref<5000x256xf32, #tpu.memory_space<hbm>>) target(%dma_start3A_334 : memref<16x256xf32, #tpu.memory_space<vmem>>) offsets(%select_n3A_311 : vector<16xi32>) semaphore(%arg12 : memref<!tpu.dma_semaphore, #tpu.memory_space<semaphore_mem>>)
      %dma_wait3A_342 = arith.constant 0 : i32
      %dma_wait3A_343 = arith.constant 0 : i32
      %dma_wait3A_344 = tpu.memref_slice %arg11[%dma_wait3A_342, %dma_wait3A_343] : memref<192x256xf32, #tpu.memory_space<vmem>> -> memref<16x256xf32, #tpu.memory_space<vmem>>
      %dma_wait3A_345 = arith.constant 0 : i32
      %dma_wait3A_346 = arith.constant 0 : i32
      %dma_wait3A_347 = tpu.memref_slice %arg2[%select_n3A, %dma_wait3A_345, %dma_wait3A_346] : memref<8x5000x256xf32, #tpu.memory_space<hbm>> -> memref<1x5000x256xf32, #tpu.memory_space<hbm>>
      %dma_wait3A_348 = tpu.memref_squeeze %dma_wait3A_347 : memref<1x5000x256xf32, #tpu.memory_space<hbm>> -> memref<5000x256xf32, #tpu.memory_space<hbm>>
      %dma_wait3A_349 = arith.constant 0 : i32
      %dma_wait3A_350 = arith.constant 0 : i32
      %dma_wait3A_351 = tpu.memref_slice %dma_wait3A_348[%dma_wait3A_349, %dma_wait3A_350] : memref<5000x256xf32, #tpu.memory_space<hbm>> -> memref<5000x256xf32, #tpu.memory_space<hbm>>
      tpu.wait_indirect_dma semaphore(%arg12 : memref<!tpu.dma_semaphore, #tpu.memory_space<semaphore_mem>>) src(%dma_wait3A_351 : memref<5000x256xf32, #tpu.memory_space<hbm>>) dst(%dma_wait3A_344 : memref<16x256xf32, #tpu.memory_space<vmem>>)
      %dma_start3A_352 = arith.constant 0 : i32
      %dma_start3A_353 = arith.constant 0 : i32
      %dma_start3A_354 = tpu.memref_slice %arg11[%dma_start3A_352, %dma_start3A_353] : memref<192x256xf32, #tpu.memory_space<vmem>> -> memref<16x256xf32, #tpu.memory_space<vmem>>
      %dma_start3A_355 = arith.constant 0 : i32
      %dma_start3A_356 = arith.constant 0 : i32
      %dma_start3A_357 = tpu.memref_slice %arg4[%select_n3A, %dma_start3A_355, %dma_start3A_356] : memref<8x10000x256xf32, #tpu.memory_space<hbm>> -> memref<1x10000x256xf32, #tpu.memory_space<hbm>>
      %dma_start3A_358 = tpu.memref_squeeze %dma_start3A_357 : memref<1x10000x256xf32, #tpu.memory_space<hbm>> -> memref<10000x256xf32, #tpu.memory_space<hbm>>
      %dma_start3A_359 = arith.constant 0 : i32
      %dma_start3A_360 = arith.constant 0 : i32
      %dma_start3A_361 = tpu.memref_slice %dma_start3A_358[%dma_start3A_359, %dma_start3A_360] : memref<10000x256xf32, #tpu.memory_space<hbm>> -> memref<10000x256xf32, #tpu.memory_space<hbm>>
      tpu.enqueue_indirect_dma source(%dma_start3A_354 : memref<16x256xf32, #tpu.memory_space<vmem>>) target(%dma_start3A_361 : memref<10000x256xf32, #tpu.memory_space<hbm>>) offsets(%select_n3A_331 : vector<16xi32>) semaphore(%arg13 : memref<!tpu.dma_semaphore, #tpu.memory_space<semaphore_mem>>)
      %dma_wait3A_362 = arith.constant 0 : i32
      %dma_wait3A_363 = arith.constant 0 : i32
      %dma_wait3A_364 = tpu.memref_slice %arg11[%dma_wait3A_362, %dma_wait3A_363] : memref<192x256xf32, #tpu.memory_space<vmem>> -> memref<16x256xf32, #tpu.memory_space<vmem>>
      %dma_wait3A_365 = arith.constant 0 : i32
      %dma_wait3A_366 = arith.constant 0 : i32
      %dma_wait3A_367 = tpu.memref_slice %arg4[%select_n3A, %dma_wait3A_365, %dma_wait3A_366] : memref<8x10000x256xf32, #tpu.memory_space<hbm>> -> memref<1x10000x256xf32, #tpu.memory_space<hbm>>
      %dma_wait3A_368 = tpu.memref_squeeze %dma_wait3A_367 : memref<1x10000x256xf32, #tpu.memory_space<hbm>> -> memref<10000x256xf32, #tpu.memory_space<hbm>>
      %dma_wait3A_369 = arith.constant 0 : i32
      %dma_wait3A_370 = arith.constant 0 : i32
      %dma_wait3A_371 = tpu.memref_slice %dma_wait3A_368[%dma_wait3A_369, %dma_wait3A_370] : memref<10000x256xf32, #tpu.memory_space<hbm>> -> memref<10000x256xf32, #tpu.memory_space<hbm>>
      tpu.wait_indirect_dma semaphore(%arg13 : memref<!tpu.dma_semaphore, #tpu.memory_space<semaphore_mem>>) src(%dma_wait3A_364 : memref<16x256xf32, #tpu.memory_space<vmem>>) dst(%dma_wait3A_371 : memref<10000x256xf32, #tpu.memory_space<hbm>>)
    } else {
    }
    %jit3A_235 = arith.constant 64 : i32
    %div3A_236 = arith.divsi %sub3A_77, %jit3A_235 : i32
    %sign3A_237 = arith.constant 0 : i32
    %sign3A_238 = arith.cmpi sgt, %sub3A_77, %sign3A_237 : i32
    %sign3A_239 = arith.extui %sign3A_238 : i1 to i32
    %sign3A_240 = arith.constant 0 : i32
    %sign3A_241 = arith.cmpi slt, %sub3A_77, %sign3A_240 : i32
    %sign3A_242 = arith.extui %sign3A_241 : i1 to i32
    %sign3A_243 = arith.subi %sign3A_239, %sign3A_242 : i32
    %sign3A_244 = arith.constant 0 : i32
    %sign3A_245 = arith.cmpi sgt, %jit3A_235, %sign3A_244 : i32
    %sign3A_246 = arith.extui %sign3A_245 : i1 to i32
    %sign3A_247 = arith.constant 0 : i32
    %sign3A_248 = arith.cmpi slt, %jit3A_235, %sign3A_247 : i32
    %sign3A_249 = arith.extui %sign3A_248 : i1 to i32
    %sign3A_250 = arith.subi %sign3A_246, %sign3A_249 : i32
    %ne3A_251 = arith.cmpi ne, %sign3A_243, %sign3A_250 : i32
    %rem3A_252 = arith.remsi %sub3A_77, %jit3A_235 : i32
    %ne3A_253 = arith.constant 0 : i32
    %ne3A_254 = arith.cmpi ne, %rem3A_252, %ne3A_253 : i32
    %and3A_255 = arith.andi %ne3A_251, %ne3A_254 : i1
    %sub3A_256 = arith.constant 1 : i32
    %sub3A_257 = arith.subi %div3A_236, %sub3A_256 : i32
    %select_n3A_258 = arith.select %and3A_255, %sub3A_257, %div3A_236 : i32
    %jit3A_259 = arith.constant 64 : i32
    %eq3A_260 = arith.constant 0 : i32
    %eq3A_261 = arith.cmpi eq, %jit3A_259, %eq3A_260 : i32
    %jit3A_262 = arith.constant 1 : i32
    %select_n3A_263 = arith.select %eq3A_261, %jit3A_262, %jit3A_259 : i32
    %rem3A_264 = arith.remsi %sub3A_77, %select_n3A_263 : i32
    %ne3A_265 = arith.constant 0 : i32
    %ne3A_266 = arith.cmpi ne, %rem3A_264, %ne3A_265 : i32
    %lt3A_267 = arith.constant 0 : i32
    %lt3A_268 = arith.cmpi slt, %rem3A_264, %lt3A_267 : i32
    %lt3A_269 = arith.constant 0 : i32
    %lt3A_270 = arith.cmpi slt, %select_n3A_263, %lt3A_269 : i32
    %ne3A_271 = arith.xori %lt3A_268, %lt3A_270 : i1
    %and3A_272 = arith.andi %ne3A_271, %ne3A_266 : i1
    %add3A_273 = arith.addi %rem3A_264, %select_n3A_263 : i32
    %select_n3A_274 = arith.select %and3A_272, %add3A_273, %rem3A_264 : i32
    %gt3A_275 = arith.constant 0 : i32
    %gt3A_276 = arith.cmpi sgt, %select_n3A_274, %gt3A_275 : i32
    %convert_element_type3A_277 = arith.extui %gt3A_276 : i1 to i32
    %cond3A_278 = arith.constant 0 : i32
    %cond3A_279 = arith.cmpi ne, %convert_element_type3A_277, %cond3A_278 : i32
    scf.if %cond3A_279 {
      %sub3A_295 = arith.constant 16 : i32
      %sub3A_296 = arith.subi %select_n3A_274, %sub3A_295 : i32
      %min3A = arith.constant 0 : i32
      %min3A_297 = arith.minsi %min3A, %sub3A_296 : i32
      %max3A = arith.constant 0 : i32
      %max3A_298 = arith.maxsi %min3A_297, %max3A : i32
      %get3A = arith.index_cast %select_n3A_258 : i32 to index
      %get3A_299 = arith.index_cast %max3A_298 : i32 to index
      %get3A_300 = tpu.vector_load %arg9[%get3A, %get3A_299] {strides = array<i32>} : memref<40x64xi32, #tpu.memory_space<vmem>>, vector<16xi32>,
      %add3A_301 = vector.broadcast %max3A_298 : i32 to vector<16xi32>
      %add3A_302 = arith.addi %add3A_301, %iota3A : vector<16xi32>
      %lt3A_303 = vector.broadcast %select_n3A_274 : i32 to vector<16xi32>
      %lt3A_304 = arith.cmpi slt, %add3A_302, %lt3A_303 : vector<16xi32>
      %broadcast_in_dim3A_305 = arith.constant 0 : i32
      %broadcast_in_dim3A_306 = vector.broadcast %broadcast_in_dim3A_305 : i32 to vector<16xi32>
      %slice3A_307 = vector.extract_strided_slice %get3A_300 {offsets = [0], sizes = [1], strides = [1]} : vector<16xi32> to vector<1xi32>
      %squeeze3A_308 = vector.extract %slice3A_307[0] : i32 from vector<1xi32>
      %add3A_309 = vector.broadcast %squeeze3A_308 : i32 to vector<16xi32>
      %add3A_310 = arith.addi %broadcast_in_dim3A_306, %add3A_309 : vector<16xi32>
      %select_n3A_311 = arith.select %lt3A_304, %get3A_300, %add3A_310 : vector<16xi1>, vector<16xi32>
      %dma_start3A_312 = arith.constant 0 : i32
      %dma_start3A_313 = arith.constant 0 : i32
      %dma_start3A_314 = tpu.memref_slice %arg10[%dma_start3A_312, %dma_start3A_313] : memref<64x256xf32, #tpu.memory_space<vmem>> -> memref<16x256xf32, #tpu.memory_space<vmem>>
      %dma_start3A_315 = arith.constant 0 : i32
      %dma_start3A_316 = arith.constant 0 : i32
      %dma_start3A_317 = tpu.memref_slice %arg4[%select_n3A, %dma_start3A_315, %dma_start3A_316] : memref<8x10000x256xf32, #tpu.memory_space<hbm>> -> memref<1x10000x256xf32, #tpu.memory_space<hbm>>
      %dma_start3A_318 = tpu.memref_squeeze %dma_start3A_317 : memref<1x10000x256xf32, #tpu.memory_space<hbm>> -> memref<10000x256xf32, #tpu.memory_space<hbm>>
      %dma_start3A_319 = arith.constant 0 : i32
      %dma_start3A_320 = arith.constant 0 : i32
      %dma_start3A_321 = tpu.memref_slice %dma_start3A_318[%dma_start3A_319, %dma_start3A_320] : memref<10000x256xf32, #tpu.memory_space<hbm>> -> memref<10000x256xf32, #tpu.memory_space<hbm>>
      tpu.enqueue_indirect_dma source(%dma_start3A_314 : memref<16x256xf32, #tpu.memory_space<vmem>>) target(%dma_start3A_321 : memref<10000x256xf32, #tpu.memory_space<hbm>>) offsets(%select_n3A_311 : vector<16xi32>) semaphore(%arg13 : memref<!tpu.dma_semaphore, #tpu.memory_space<semaphore_mem>>)
      %dma_wait3A_322 = arith.constant 0 : i32
      %dma_wait3A_323 = arith.constant 0 : i32
      %dma_wait3A_324 = tpu.memref_slice %arg10[%dma_wait3A_322, %dma_wait3A_323] : memref<64x256xf32, #tpu.memory_space<vmem>> -> memref<16x256xf32, #tpu.memory_space<vmem>>
      %dma_wait3A_325 = arith.constant 0 : i32
      %dma_wait3A_326 = arith.constant 0 : i32
      %dma_wait3A_327 = tpu.memref_slice %arg4[%select_n3A, %dma_wait3A_325, %dma_wait3A_326] : memref<8x10000x256xf32, #tpu.memory_space<hbm>> -> memref<1x10000x256xf32, #tpu.memory_space<hbm>>
      %dma_wait3A_328 = tpu.memref_squeeze %dma_wait3A_327 : memref<1x10000x256xf32, #tpu.memory_space<hbm>> -> memref<10000x256xf32, #tpu.memory_space<hbm>>
      %dma_wait3A_329 = arith.constant 0 : i32
      %dma_wait3A_330 = arith.constant 0 : i32
      %dma_wait3A_331 = tpu.memref_slice %dma_wait3A_328[%dma_wait3A_329, %dma_wait3A_330] : memref<10000x256xf32, #tpu.memory_space<hbm>> -> memref<10000x256xf32, #tpu.memory_space<hbm>>
      tpu.wait_indirect_dma semaphore(%arg13 : memref<!tpu.dma_semaphore, #tpu.memory_space<semaphore_mem>>) src(%dma_wait3A_324 : memref<16x256xf32, #tpu.memory_space<vmem>>) dst(%dma_wait3A_331 : memref<10000x256xf32, #tpu.memory_space<hbm>>)
    } else {
    }
    %gt3A_280 = arith.constant 16 : i32
    %gt3A_281 = arith.cmpi sgt, %select_n3A_274, %gt3A_280 : i32
    %convert_element_type3A_282 = arith.extui %gt3A_281 : i1 to i32
    %cond3A_283 = arith.constant 0 : i32
    %cond3A_284 = arith.cmpi ne, %convert_element_type3A_282, %cond3A_283 : i32
    scf.if %cond3A_284 {
      %sub3A_295 = arith.constant 16 : i32
      %sub3A_296 = arith.subi %select_n3A_274, %sub3A_295 : i32
      %min3A = arith.constant 16 : i32
      %min3A_297 = arith.minsi %min3A, %sub3A_296 : i32
      %max3A = arith.constant 0 : i32
      %max3A_298 = arith.maxsi %min3A_297, %max3A : i32
      %get3A = arith.index_cast %select_n3A_258 : i32 to index
      %get3A_299 = arith.index_cast %max3A_298 : i32 to index
      %get3A_300 = tpu.vector_load %arg9[%get3A, %get3A_299] {strides = array<i32>} : memref<40x64xi32, #tpu.memory_space<vmem>>, vector<16xi32>,
      %add3A_301 = vector.broadcast %max3A_298 : i32 to vector<16xi32>
      %add3A_302 = arith.addi %add3A_301, %iota3A : vector<16xi32>
      %lt3A_303 = vector.broadcast %select_n3A_274 : i32 to vector<16xi32>
      %lt3A_304 = arith.cmpi slt, %add3A_302, %lt3A_303 : vector<16xi32>
      %broadcast_in_dim3A_305 = arith.constant 0 : i32
      %broadcast_in_dim3A_306 = vector.broadcast %broadcast_in_dim3A_305 : i32 to vector<16xi32>
      %slice3A_307 = vector.extract_strided_slice %get3A_300 {offsets = [0], sizes = [1], strides = [1]} : vector<16xi32> to vector<1xi32>
      %squeeze3A_308 = vector.extract %slice3A_307[0] : i32 from vector<1xi32>
      %add3A_309 = vector.broadcast %squeeze3A_308 : i32 to vector<16xi32>
      %add3A_310 = arith.addi %broadcast_in_dim3A_306, %add3A_309 : vector<16xi32>
      %select_n3A_311 = arith.select %lt3A_304, %get3A_300, %add3A_310 : vector<16xi1>, vector<16xi32>
      %dma_start3A_312 = arith.constant 0 : i32
      %dma_start3A_313 = arith.constant 0 : i32
      %dma_start3A_314 = tpu.memref_slice %arg10[%dma_start3A_312, %dma_start3A_313] : memref<64x256xf32, #tpu.memory_space<vmem>> -> memref<16x256xf32, #tpu.memory_space<vmem>>
      %dma_start3A_315 = arith.constant 0 : i32
      %dma_start3A_316 = arith.constant 0 : i32
      %dma_start3A_317 = tpu.memref_slice %arg4[%select_n3A, %dma_start3A_315, %dma_start3A_316] : memref<8x10000x256xf32, #tpu.memory_space<hbm>> -> memref<1x10000x256xf32, #tpu.memory_space<hbm>>
      %dma_start3A_318 = tpu.memref_squeeze %dma_start3A_317 : memref<1x10000x256xf32, #tpu.memory_space<hbm>> -> memref<10000x256xf32, #tpu.memory_space<hbm>>
      %dma_start3A_319 = arith.constant 0 : i32
      %dma_start3A_320 = arith.constant 0 : i32
      %dma_start3A_321 = tpu.memref_slice %dma_start3A_318[%dma_start3A_319, %dma_start3A_320] : memref<10000x256xf32, #tpu.memory_space<hbm>> -> memref<10000x256xf32, #tpu.memory_space<hbm>>
      tpu.enqueue_indirect_dma source(%dma_start3A_314 : memref<16x256xf32, #tpu.memory_space<vmem>>) target(%dma_start3A_321 : memref<10000x256xf32, #tpu.memory_space<hbm>>) offsets(%select_n3A_311 : vector<16xi32>) semaphore(%arg13 : memref<!tpu.dma_semaphore, #tpu.memory_space<semaphore_mem>>)
      %dma_wait3A_322 = arith.constant 0 : i32
      %dma_wait3A_323 = arith.constant 0 : i32
      %dma_wait3A_324 = tpu.memref_slice %arg10[%dma_wait3A_322, %dma_wait3A_323] : memref<64x256xf32, #tpu.memory_space<vmem>> -> memref<16x256xf32, #tpu.memory_space<vmem>>
      %dma_wait3A_325 = arith.constant 0 : i32
      %dma_wait3A_326 = arith.constant 0 : i32
      %dma_wait3A_327 = tpu.memref_slice %arg4[%select_n3A, %dma_wait3A_325, %dma_wait3A_326] : memref<8x10000x256xf32, #tpu.memory_space<hbm>> -> memref<1x10000x256xf32, #tpu.memory_space<hbm>>
      %dma_wait3A_328 = tpu.memref_squeeze %dma_wait3A_327 : memref<1x10000x256xf32, #tpu.memory_space<hbm>> -> memref<10000x256xf32, #tpu.memory_space<hbm>>
      %dma_wait3A_329 = arith.constant 0 : i32
      %dma_wait3A_330 = arith.constant 0 : i32
      %dma_wait3A_331 = tpu.memref_slice %dma_wait3A_328[%dma_wait3A_329, %dma_wait3A_330] : memref<10000x256xf32, #tpu.memory_space<hbm>> -> memref<10000x256xf32, #tpu.memory_space<hbm>>
      tpu.wait_indirect_dma semaphore(%arg13 : memref<!tpu.dma_semaphore, #tpu.memory_space<semaphore_mem>>) src(%dma_wait3A_324 : memref<16x256xf32, #tpu.memory_space<vmem>>) dst(%dma_wait3A_331 : memref<10000x256xf32, #tpu.memory_space<hbm>>)
    } else {
    }
    %gt3A_285 = arith.constant 32 : i32
    %gt3A_286 = arith.cmpi sgt, %select_n3A_274, %gt3A_285 : i32
    %convert_element_type3A_287 = arith.extui %gt3A_286 : i1 to i32
    %cond3A_288 = arith.constant 0 : i32
    %cond3A_289 = arith.cmpi ne, %convert_element_type3A_287, %cond3A_288 : i32
    scf.if %cond3A_289 {
      %sub3A_295 = arith.constant 16 : i32
      %sub3A_296 = arith.subi %select_n3A_274, %sub3A_295 : i32
      %min3A = arith.constant 32 : i32
      %min3A_297 = arith.minsi %min3A, %sub3A_296 : i32
      %max3A = arith.constant 0 : i32
      %max3A_298 = arith.maxsi %min3A_297, %max3A : i32
      %get3A = arith.index_cast %select_n3A_258 : i32 to index
      %get3A_299 = arith.index_cast %max3A_298 : i32 to index
      %get3A_300 = tpu.vector_load %arg9[%get3A, %get3A_299] {strides = array<i32>} : memref<40x64xi32, #tpu.memory_space<vmem>>, vector<16xi32>,
      %add3A_301 = vector.broadcast %max3A_298 : i32 to vector<16xi32>
      %add3A_302 = arith.addi %add3A_301, %iota3A : vector<16xi32>
      %lt3A_303 = vector.broadcast %select_n3A_274 : i32 to vector<16xi32>
      %lt3A_304 = arith.cmpi slt, %add3A_302, %lt3A_303 : vector<16xi32>
      %broadcast_in_dim3A_305 = arith.constant 0 : i32
      %broadcast_in_dim3A_306 = vector.broadcast %broadcast_in_dim3A_305 : i32 to vector<16xi32>
      %slice3A_307 = vector.extract_strided_slice %get3A_300 {offsets = [0], sizes = [1], strides = [1]} : vector<16xi32> to vector<1xi32>
      %squeeze3A_308 = vector.extract %slice3A_307[0] : i32 from vector<1xi32>
      %add3A_309 = vector.broadcast %squeeze3A_308 : i32 to vector<16xi32>
      %add3A_310 = arith.addi %broadcast_in_dim3A_306, %add3A_309 : vector<16xi32>
      %select_n3A_311 = arith.select %lt3A_304, %get3A_300, %add3A_310 : vector<16xi1>, vector<16xi32>
      %dma_start3A_312 = arith.constant 0 : i32
      %dma_start3A_313 = arith.constant 0 : i32
      %dma_start3A_314 = tpu.memref_slice %arg10[%dma_start3A_312, %dma_start3A_313] : memref<64x256xf32, #tpu.memory_space<vmem>> -> memref<16x256xf32, #tpu.memory_space<vmem>>
      %dma_start3A_315 = arith.constant 0 : i32
      %dma_start3A_316 = arith.constant 0 : i32
      %dma_start3A_317 = tpu.memref_slice %arg4[%select_n3A, %dma_start3A_315, %dma_start3A_316] : memref<8x10000x256xf32, #tpu.memory_space<hbm>> -> memref<1x10000x256xf32, #tpu.memory_space<hbm>>
      %dma_start3A_318 = tpu.memref_squeeze %dma_start3A_317 : memref<1x10000x256xf32, #tpu.memory_space<hbm>> -> memref<10000x256xf32, #tpu.memory_space<hbm>>
      %dma_start3A_319 = arith.constant 0 : i32
      %dma_start3A_320 = arith.constant 0 : i32
      %dma_start3A_321 = tpu.memref_slice %dma_start3A_318[%dma_start3A_319, %dma_start3A_320] : memref<10000x256xf32, #tpu.memory_space<hbm>> -> memref<10000x256xf32, #tpu.memory_space<hbm>>
      tpu.enqueue_indirect_dma source(%dma_start3A_314 : memref<16x256xf32, #tpu.memory_space<vmem>>) target(%dma_start3A_321 : memref<10000x256xf32, #tpu.memory_space<hbm>>) offsets(%select_n3A_311 : vector<16xi32>) semaphore(%arg13 : memref<!tpu.dma_semaphore, #tpu.memory_space<semaphore_mem>>)
      %dma_wait3A_322 = arith.constant 0 : i32
      %dma_wait3A_323 = arith.constant 0 : i32
      %dma_wait3A_324 = tpu.memref_slice %arg10[%dma_wait3A_322, %dma_wait3A_323] : memref<64x256xf32, #tpu.memory_space<vmem>> -> memref<16x256xf32, #tpu.memory_space<vmem>>
      %dma_wait3A_325 = arith.constant 0 : i32
      %dma_wait3A_326 = arith.constant 0 : i32
      %dma_wait3A_327 = tpu.memref_slice %arg4[%select_n3A, %dma_wait3A_325, %dma_wait3A_326] : memref<8x10000x256xf32, #tpu.memory_space<hbm>> -> memref<1x10000x256xf32, #tpu.memory_space<hbm>>
      %dma_wait3A_328 = tpu.memref_squeeze %dma_wait3A_327 : memref<1x10000x256xf32, #tpu.memory_space<hbm>> -> memref<10000x256xf32, #tpu.memory_space<hbm>>
      %dma_wait3A_329 = arith.constant 0 : i32
      %dma_wait3A_330 = arith.constant 0 : i32
      %dma_wait3A_331 = tpu.memref_slice %dma_wait3A_328[%dma_wait3A_329, %dma_wait3A_330] : memref<10000x256xf32, #tpu.memory_space<hbm>> -> memref<10000x256xf32, #tpu.memory_space<hbm>>
      tpu.wait_indirect_dma semaphore(%arg13 : memref<!tpu.dma_semaphore, #tpu.memory_space<semaphore_mem>>) src(%dma_wait3A_324 : memref<16x256xf32, #tpu.memory_space<vmem>>) dst(%dma_wait3A_331 : memref<10000x256xf32, #tpu.memory_space<hbm>>)
    } else {
    }
    %gt3A_290 = arith.constant 48 : i32
    %gt3A_291 = arith.cmpi sgt, %select_n3A_274, %gt3A_290 : i32
    %convert_element_type3A_292 = arith.extui %gt3A_291 : i1 to i32
    %cond3A_293 = arith.constant 0 : i32
    %cond3A_294 = arith.cmpi ne, %convert_element_type3A_292, %cond3A_293 : i32
    scf.if %cond3A_294 {
      %sub3A_295 = arith.constant 16 : i32
      %sub3A_296 = arith.subi %select_n3A_274, %sub3A_295 : i32
      %min3A = arith.constant 48 : i32
      %min3A_297 = arith.minsi %min3A, %sub3A_296 : i32
      %max3A = arith.constant 0 : i32
      %max3A_298 = arith.maxsi %min3A_297, %max3A : i32
      %get3A = arith.index_cast %select_n3A_258 : i32 to index
      %get3A_299 = arith.index_cast %max3A_298 : i32 to index
      %get3A_300 = tpu.vector_load %arg9[%get3A, %get3A_299] {strides = array<i32>} : memref<40x64xi32, #tpu.memory_space<vmem>>, vector<16xi32>,
      %add3A_301 = vector.broadcast %max3A_298 : i32 to vector<16xi32>
      %add3A_302 = arith.addi %add3A_301, %iota3A : vector<16xi32>
      %lt3A_303 = vector.broadcast %select_n3A_274 : i32 to vector<16xi32>
      %lt3A_304 = arith.cmpi slt, %add3A_302, %lt3A_303 : vector<16xi32>
      %broadcast_in_dim3A_305 = arith.constant 0 : i32
      %broadcast_in_dim3A_306 = vector.broadcast %broadcast_in_dim3A_305 : i32 to vector<16xi32>
      %slice3A_307 = vector.extract_strided_slice %get3A_300 {offsets = [0], sizes = [1], strides = [1]} : vector<16xi32> to vector<1xi32>
      %squeeze3A_308 = vector.extract %slice3A_307[0] : i32 from vector<1xi32>
      %add3A_309 = vector.broadcast %squeeze3A_308 : i32 to vector<16xi32>
      %add3A_310 = arith.addi %broadcast_in_dim3A_306, %add3A_309 : vector<16xi32>
      %select_n3A_311 = arith.select %lt3A_304, %get3A_300, %add3A_310 : vector<16xi1>, vector<16xi32>
      %dma_start3A_312 = arith.constant 0 : i32
      %dma_start3A_313 = arith.constant 0 : i32
      %dma_start3A_314 = tpu.memref_slice %arg10[%dma_start3A_312, %dma_start3A_313] : memref<64x256xf32, #tpu.memory_space<vmem>> -> memref<16x256xf32, #tpu.memory_space<vmem>>
      %dma_start3A_315 = arith.constant 0 : i32
      %dma_start3A_316 = arith.constant 0 : i32
      %dma_start3A_317 = tpu.memref_slice %arg4[%select_n3A, %dma_start3A_315, %dma_start3A_316] : memref<8x10000x256xf32, #tpu.memory_space<hbm>> -> memref<1x10000x256xf32, #tpu.memory_space<hbm>>
      %dma_start3A_318 = tpu.memref_squeeze %dma_start3A_317 : memref<1x10000x256xf32, #tpu.memory_space<hbm>> -> memref<10000x256xf32, #tpu.memory_space<hbm>>
      %dma_start3A_319 = arith.constant 0 : i32
      %dma_start3A_320 = arith.constant 0 : i32
      %dma_start3A_321 = tpu.memref_slice %dma_start3A_318[%dma_start3A_319, %dma_start3A_320] : memref<10000x256xf32, #tpu.memory_space<hbm>> -> memref<10000x256xf32, #tpu.memory_space<hbm>>
      tpu.enqueue_indirect_dma source(%dma_start3A_314 : memref<16x256xf32, #tpu.memory_space<vmem>>) target(%dma_start3A_321 : memref<10000x256xf32, #tpu.memory_space<hbm>>) offsets(%select_n3A_311 : vector<16xi32>) semaphore(%arg13 : memref<!tpu.dma_semaphore, #tpu.memory_space<semaphore_mem>>)
      %dma_wait3A_322 = arith.constant 0 : i32
      %dma_wait3A_323 = arith.constant 0 : i32
      %dma_wait3A_324 = tpu.memref_slice %arg10[%dma_wait3A_322, %dma_wait3A_323] : memref<64x256xf32, #tpu.memory_space<vmem>> -> memref<16x256xf32, #tpu.memory_space<vmem>>
      %dma_wait3A_325 = arith.constant 0 : i32
      %dma_wait3A_326 = arith.constant 0 : i32
      %dma_wait3A_327 = tpu.memref_slice %arg4[%select_n3A, %dma_wait3A_325, %dma_wait3A_326] : memref<8x10000x256xf32, #tpu.memory_space<hbm>> -> memref<1x10000x256xf32, #tpu.memory_space<hbm>>
      %dma_wait3A_328 = tpu.memref_squeeze %dma_wait3A_327 : memref<1x10000x256xf32, #tpu.memory_space<hbm>> -> memref<10000x256xf32, #tpu.memory_space<hbm>>
      %dma_wait3A_329 = arith.constant 0 : i32
      %dma_wait3A_330 = arith.constant 0 : i32
      %dma_wait3A_331 = tpu.memref_slice %dma_wait3A_328[%dma_wait3A_329, %dma_wait3A_330] : memref<10000x256xf32, #tpu.memory_space<hbm>> -> memref<10000x256xf32, #tpu.memory_space<hbm>>
      tpu.wait_indirect_dma semaphore(%arg13 : memref<!tpu.dma_semaphore, #tpu.memory_space<semaphore_mem>>) src(%dma_wait3A_324 : memref<16x256xf32, #tpu.memory_space<vmem>>) dst(%dma_wait3A_331 : memref<10000x256xf32, #tpu.memory_space<hbm>>)
    } else {
    }
    return
  }
}

</mosaic_0001>

<sc_bundles>
// kernel: kernel.3.cloned.1.call-start
scs
__scs_entry_jumppad:
0x0: {  	(pc) =	sbr.rel $0x88, $3  }
0x1: {  	(tag) =	ssettag $0x0;
	lr =	simm.s32 $0x1  }
0x2: {  	[smem:$0x3F9E] =	sst lr;
	_ =	strace $0xD0000000  }
0x3: {  	_ = 	snop  }
0x4: {  	_ = 	snop  }
0x5: {  	_ = 	snop  }
0x6: {  	_ = 	snop  }
0x7: {  	_ = 	snop  }
__scs_overlays_trampoline_lowered:
0x8: {  	[smem:$0x3FAD] =	sst s0  }
0x9: {  	[smem:$0x3FAE] =	sst s1  }
0xa: {  	[smem:$0x3FAF] =	sst s2  }
0xb: {  	[smem:$0x3FB0] =	sst s3  }
0xc: {  	[smem:$0x3FB1] =	sst s4  }
0xd: {  	[smem:$0x3FB2] =	sst s5  }
0xe: {  	[smem:$0x3FB3] =	sst s6  }
0xf: {  	[smem:$0x3FB4] =	sst s7  }
0x10: {  	[smem:$0x3FB5] =	sst s8  }
0x11: {  	[smem:$0x3FB6] =	sst s9;
	s0 =	simm.s32 @!p0 $0x0  }
0x12: {  	s1 =	sld [smem:$0x3F9C];
	s0 =	simm.s32 @p0 $0x1  }
0x13: {  	[smem:$0x3FB7] =	sst s0;
	s0 =	simm.s32 @!p1 $0x0  }
0x14: {  	s2 =	sld [smem:$0x3F9B];
	s0 =	simm.s32 @p1 $0x1  }
0x15: {  	[smem:$0x3FB8] =	sst s0;
	s0 =	simm.s32 @!p2 $0x0  }
0x16: {  	s3 =	sld [smem:$0x3FDB];
	s0 =	simm.s32 @p2 $0x1  }
0x17: {  	s4 =	simm.s32 $0x1BF5;
	[smem:$0x3FBA] =	sst s0  }
0x18: {  	s0 =	sld [smem:$0x3F9D];
	_ =	swait.ge [sflag:s4], $0x0  }
0x19: {  	s7 =	sld [smem:$0x3F9E]  }
0x1a: {  	s8 =	sadd.s32 $0xFFFFE003, lr  }
0x1b: {  	s9 =	sadd.s32 $0xFFFFFEF7, lr;
	s5 =	simm.s32 $0xFFFFFFFF;
	p2 =	slt.u32 s8, $0xFFFFF086  }
0x1c: {  	p1 =	slt.u32 s9, $0xF7A;
	s5 =	simm.s32 @!p2 $0x0  }
0x1d: {  	s5 =	simm.s32 @p1 $0x1;
	p0 =	seq.s32 s7, s2  }
0x1e: {  	s7 =	smul.u32 @!p0 $0xF7A, s2;
	p2 =	seq.s32 @!p0 s5, $0x0  }
0x1f: {  	s9 =	smul.u32 $0xF7A, s1;
	s8 =	simm.s32 @!p0 $0x1BF5;
	p2 =	por !p2, p0  }
0x20: {  	[sflag:s8] =	ssyncset.s32 @!p0 $0xFFFFF086;
	s6 =	sadd.s32 @!p0 s3, s7;
	s7 =	simm.s32 @!p0 $0x108  }
0x21: {  	s3 =	sadd.s32 s3, s9;
	s6 =	sadd.s32 @!p0 $0x88, s6;
	s7 =	simm.s32 @p2 $0x1082  }
0x22: {  	[simem:s7], [sflag:s8] =	dma.local @!p0 [hbm:s6], $0xF7A  }
0x23: {  	s9 =	sor.u32 $0xD0000000, s2;
	s6 =	simm.s32 $0x108;
	_ =	swait.ge @!p0 [sflag:s8], $0x0  }
0x24: {  	s3 =	sadd.s32 $0x88, s3;
	s6 =	simm.s32 @!p1 $0x1082;
	[sflag:s4] =	ssyncset.s32 $0xFFFFF086  }
0x25: {  	[simem:s6], [sflag:s4] =	dma.local [hbm:s3], $0xF7A  }
0x26: {  	[smem:$0x3F9E] =	sst s1;
	(tag) =	ssettag s2;
	_ =	strace s9  }
0x27: {  	s1 =	sld [smem:$0x3FAE]  }
0x28: {  	s2 =	sld [smem:$0x3FAF]  }
0x29: {  	s4 =	sld [smem:$0x3FB1]  }
0x2a: {  	p0 =	seq.s32 s5, $0x0;
	s5 =	sld [smem:$0x3FB2]  }
0x2b: {  	s6 =	sld [smem:$0x3FB3]  }
0x2c: {  	s7 =	sld [smem:$0x3FB4]  }
0x2d: {  	s3 =	simm.s32 $0x108;
	s8 =	sld [smem:$0x3FB5]  }
0x2e: {  	s3 =	simm.s32 @!p0 $0x1082;
	s9 =	sld [smem:$0x3FB6]  }
0x2f: {  	lr =	sadd.s32 s0, s3;
	s0 =	sld [smem:$0x3FAD]  }
0x30: {  	s3 =	sld [smem:$0x3FB0]  }
0x31: {  	[smem:$0x3FB9] =	sst s10  }
0x32: {  	s10 =	sld [smem:$0x3FB7];
	_ =	sdelay $0x3  }
0x33: {  	p0 =	seq.s32 s10, $0x1;
	s10 =	sld [smem:$0x3FB9];
	_ =	sdelay $0x3  }
0x34: {  	[smem:$0x3FB9] =	sst s10  }
0x35: {  	s10 =	sld [smem:$0x3FB8];
	_ =	sdelay $0x3  }
0x36: {  	p1 =	seq.s32 s10, $0x1;
	s10 =	sld [smem:$0x3FB9];
	_ =	sdelay $0x3  }
0x37: {  	[smem:$0x3FB9] =	sst s10  }
0x38: {  	s10 =	sld [smem:$0x3FBA]  }
0x39: {  	_ = 	snop;
	(pc) =	sbr.ind lr, $3  }
0x3a: {  	_ = 	snop  }
0x3b: {  	_ = 	snop  }
0x3c: {  	p2 =	seq.s32 s10, $0x1;
	s10 =	sld [smem:$0x3FB9]  }
0x3d: {  	_ =	shalt  }
0x3e: {  	_ =	shalt  }
0x3f: {  	_ =	shalt  }
0x40: {  	_ =	shalt  }
0x41: {  	_ =	shalt  }
0x42: {  	_ =	shalt  }
0x43: {  	_ =	shalt  }
0x44: {  	_ =	shalt  }
0x45: {  	_ =	shalt  }
0x46: {  	_ =	shalt  }
0x47: {  	_ =	shalt  }
0x48: {  	_ =	shalt  }
0x49: {  	_ =	shalt  }
0x4a: {  	_ =	shalt  }
0x4b: {  	_ =	shalt  }
0x4c: {  	_ =	shalt  }
0x4d: {  	_ =	shalt  }
0x4e: {  	_ =	shalt  }
0x4f: {  	_ =	shalt  }
0x50: {  	_ =	shalt  }
0x51: {  	_ =	shalt  }
0x52: {  	_ =	shalt  }
0x53: {  	_ =	shalt  }
0x54: {  	_ =	shalt  }
0x55: {  	_ =	shalt  }
0x56: {  	_ =	shalt  }
0x57: {  	_ =	shalt  }
0x58: {  	_ =	shalt  }
0x59: {  	_ =	shalt  }
0x5a: {  	_ =	shalt  }
0x5b: {  	_ =	shalt  }
0x5c: {  	_ =	shalt  }
0x5d: {  	_ =	shalt  }
0x5e: {  	_ =	shalt  }
0x5f: {  	_ =	shalt  }
0x60: {  	_ =	shalt  }
0x61: {  	_ =	shalt  }
0x62: {  	_ =	shalt  }
0x63: {  	_ =	shalt  }
0x64: {  	_ =	shalt  }
0x65: {  	_ =	shalt  }
0x66: {  	_ =	shalt  }
0x67: {  	_ =	shalt  }
0x68: {  	_ =	shalt  }
0x69: {  	_ =	shalt  }
0x6a: {  	_ =	shalt  }
0x6b: {  	_ =	shalt  }
0x6c: {  	_ =	shalt  }
0x6d: {  	_ =	shalt  }
0x6e: {  	_ =	shalt  }
0x6f: {  	_ =	shalt  }
0x70: {  	_ =	shalt  }
0x71: {  	_ =	shalt  }
0x72: {  	_ =	shalt  }
0x73: {  	_ =	shalt  }
0x74: {  	_ =	shalt  }
0x75: {  	_ =	shalt  }
0x76: {  	_ =	shalt  }
0x77: {  	_ =	shalt  }
0x78: {  	_ =	shalt  }
0x79: {  	_ =	shalt  }
0x7a: {  	_ =	shalt  }
0x7b: {  	_ =	shalt  }
0x7c: {  	_ =	shalt  }
0x7d: {  	_ =	shalt  }
0x7e: {  	_ =	shalt  }
0x7f: {  	_ =	shalt  }
0x80: {  	_ =	shalt  }
0x81: {  	_ =	shalt  }
0x82: {  	_ =	shalt  }
0x83: {  	_ =	shalt  }
0x84: {  	_ =	shalt  }
0x85: {  	_ =	shalt  }
0x86: {  	_ =	shalt  }
0x87: {  	_ =	shalt  }
.Lfunc_end0:
.L_simem_size_0:
called_computation_lowered:
.L_overlay_start_0:
0x88: {  	s2 =	sld [smem:$0x3FD9]  }
0x89: {  	s3 =	sld [smem:$0x3FFE];
	_ =	sdelay $0x1  }
0x8a: {  	s1 =	srdreg.scid  }
0x8b: {  	s0 =	sand.u32 $0x1, s1  }
0x8c: {  	s15 =	sshll.u32 s0, $0xA;
	s2 =	sadd.s32 s3, s2  }
0x8d: {  	s2 =	sadd.s32 s2, s15  }
0x8e: {  	[smem:$0x3FC5] =	sst s2  }
0x8f: {  	_ = 	snop  }
0x90: {  	s2 =	sld [smem:$0x3FD0];
	_ =	sdelay $0x1  }
0x91: {  	s16 =	sld [smem:$0x3FC8]  }
0x92: {  	s5 =	simm.s32 $0xA;
	s6 =	simm.s32 $0x10;
	s4 =	sld [smem:$0x3FC7]  }
0x93: {  	[smem:s6], [sflag:s5] =	dma.local [hbm:s2], $0x1  }
0x94: {  	_ =	swait.eq [sflag:s5], $0x1  }
0x95: {  	[sflag:s5] =	ssyncset.done $0x0  }
0x96: {  	[sflag:s5] =	ssyncadd.s32 $0xFFFFFFFF  }
0x97: {  	s17 =	sld [smem:$0x11];
	(tm) =	ssettm $0x1  }
0x98: {  	s18 =	sld [smem:$0x3FFB];
	_ =	sdelay $0x3  }
0x99: {  	_ =	strace s18  }
0x9a: {  	s5 =	sld [smem:$0x3FFC];
	_ =	sdelay $0x3  }
0x9b: {  	_ =	strace s5  }
0x9c: {  	s5 =	sld [smem:$0x3FFD];
	_ =	sdelay $0x3  }
0x9d: {  	_ =	strace s5  }
0x9e: {  	_ =	strace $0x8FFFFFFF  }
0x9f: {  	s19 =	sld [smem:$0x3FDB];
	_ =	sdelay $0x1  }
0xa0: {  	s20 =	simm.s32 $_scs_section_size  }
0xa1: {  	s7 =	simm.s32 $_size__tile_overlayer_lowered;
	s8 =	simm.s32 $_tile_overlayer_lowered  }
0xa2: {  	s23 =	simm.s32 $0x1BFF;
	s22 =	sshll.u32 s8, $0x1;
	s5 =	sadd.s32 s20, s19  }
0xa3: {  	s9 =	simm.s32 $0x0;
	s21 =	sshll.u32 s7, $0x1;
	s7 =	sadd.s32 s22, s5  }
0xa4: {  	[timem:s9], [sflag:s23] =	dma.local [hbm:s7], s21  }
0xa5: {  	_ =	swait.ge [sflag:s23], s21  }
0xa6: {  	s6 =	ssub.s32 $0x0, s21;
	[sflag:s23] =	ssyncset.done $0x0  }
0xa7: {  	[sflag:s23] =	ssyncadd.s32 s6;
	_ =	sdelay $0x1  }
0xa8: {  	s24 =	simm.s32 $0x1B8B  }
0xa9: {  	_ =	swait.ge [sflag:s24], $0x1  }
0xaa: {  	[sflag:s24] =	ssyncset.done $0x0  }
0xab: {  	s25 =	simm.s32 $0x1B8E;
	[sflag:s24] =	ssyncadd.s32 $0xFFFFFFFF  }
0xac: {  	s26 =	simm.s32 $execute0_lowered;
	[smem:$0x3FD2] =	sst s25  }
0xad: {  	s6 =	sshll.u32 s26, $0x1;
	_ =	strace $0x80000046;
	[dreg:$0x1] =	wrdreg $0xFFFFFFFF  }
0xae: {  	s28 =	simm.s32 $_size_execute0_lowered;
	s5 =	sadd.s32 s5, s6;
	[dreg:$0x0] =	wrdreg $0x0  }
0xaf: {  	s6 =	sshll.u32 s28, $0x1;
	[dreg:$0x2] =	wrdreg s5  }
0xb0: {  	[dreg:$0x3] =	wrdreg s6  }
0xb1: {  	[dreg:$0x4] =	wrdreg $0xC0  }
0xb2: {  	_ =	task [dreg:s9], $0x5FFFF  }
0xb3: {  	[dreg:$0x1] =	wrdreg $0xFFFFFFFF  }
0xb4: {  	[dreg:$0x0] =	wrdreg $0x60  }
0xb5: {  	[dreg:$0x2] =	wrdreg s16  }
0xb6: {  	[dreg:$0x3] =	wrdreg s4  }
0xb7: {  	[dreg:$0x4] =	wrdreg s17  }
0xb8: {  	[dreg:$0x5] =	wrdreg $0x9  }
0xb9: {  	_ =	task.clear_ibuf [dreg:s9], $0x6FFFF;
	_ =	strace $0x90000046  }
0xba: {  	s29 =	simm.s32 $0x9;
	_ =	strace $0x80000048  }
0xbb: {  	_ =	swait.ge [sflag:s29], $0x1  }
0xbc: {  	[sflag:s29] =	ssyncadd.s32 $0xFFFFFFFF  }
0xbd: {  	_ =	strace $0x90000048  }
0xbe: {  	_ =	sfence  }
0xbf: {  	s30 =	sld [smem:$0x0];
	_ =	sdelay $0x2  }
0xc0: {  	s31 =	sshll.u32 s1, $0xD;
	s1 =	sshrl.u32 s1, $0x2  }
0xc1: {  	s3 =	sand.u32 $0x4000, s31;
	s1 =	sadd.s32 s1, s30  }
0xc2: {  	s0 =	sor.u32 s3, s0;
	s1 =	sshll.u32 s1, $0x11  }
0xc3: {  	s0 =	sor.u32 s1, s0  }
0xc4: {  	s0 =	sadd.s32 $0x8F2B, s0  }
0xc5: {  	[sflag:s0] =	ssyncadd.remote.s32 $0x1  }
0xc6: {  	_ =	sfence.sel $0xFFFF  }
0xc7: {  	[dreg:$0x0] =	wrdreg $0xFFFFFFFF;
	(pc) =	sbr.abs _section_cstart, $3  }
0xc8: {  	[dreg:$0x1] =	wrdreg $0xFFFFFFFF  }
0xc9: {  	_ =	task.clear_ibuf [dreg:s9], $0x2FFFF;
	_ =	strace $0x9FFFFFFF  }
0xca: {  	(tm) =	ssettm $0x7FFFFFFF  }
0xcb: {  	_ =	shalt  }
tec
execute0_lowered:
.L_overlay_start_1:
0x0: {  	(tag) =	ssettag $0x1  }
0x1: {  	s7 =	rddreg [dreg:$0x0]  }
0x2: {  	s5 =	rddreg [dreg:$0x1]  }
0x3: {  	s0 =	srdreg.scid;
	s2 =	simm.s32 $0x1;
	s6 =	rddreg [dreg:$0x2]  }
0x4: {  	s12 =	simm.s32 $0x3B80;
	s13 =	simm.s32 $0x4F80;
	s4 =	sand.u32 $0x1, s0  }
0x5: {  	s14 =	simm.s32 $0x6380;
	s0 =	stileid.u32;
	s1 =	sshll.u32 s4, $0x4  }
0x6: {  	s15 =	simm.s32 $0xB780;
	s3 =	sand.u32 $0x3, s0;
	s1 =	sor.u32 s0, s1  }
0x7: {  	s16 =	simm.s32 $0xBF80;
	p1 =	sne.s32 s3, $0x0;
	p0 =	seq.s32 s1, $0x0  }
0x8: {  	s17 =	simm.s32 $0x2;
	s18 =	simm.s32 $0x7780;
	p0 =	por !p1, !p0  }
0x9: {  	s19 =	simm.s32 $0x7F80;
	s4 =	ssub.s32 $0x2, s4;
	p0 =	por !p0, !p0  }
0xa: {  	s11 =	sshrl.u32 s4, $0x1;
	s1 =	sshrl.u32 s1, $0x2;
	s2 =	simm.s32 @!p0 $0x0  }
0xb: {  	s3 =	smul.u32 $0x9C4, s3;
	s11 =	ssub.s32 s4, s11;
	s8 =	ssub.s32 s1, s2  }
0xc: {  	s4 =	simm.s32 $0x1;
	s2 =	simm.s32 $0x0;
	s30 =	smul.u32 $0x271000, s8  }
0xd: {  	s9 =	sshrl.u32 s8, $0x3;
	s10 =	sshll.u32 s8, $0x7;
	s8 =	smul.u32 $0x138800, s8  }
0xe: {  	s20 =	sadd.s32 $0x1400, s3;
	[smem:$0x7FF] =	sst s2;
	s9 =	smul.u32 $0xA000, s9  }
.Ltmp0:
0xf: {  	v8 =	vmov s20;
	s20 =	simm.s32 $0x0;
	_ =	strace $0x80000047;
	(pc) =	sbr.rel .LBB2_1-.Ltmp0, $4  }
0x10: {  	v0 =	vimm.f32 $0.0e+00;
	v1 =	vimm.s32 $0xFFFFFFFF;
	s10 =	sand.u32 $0x380, s10;
	s31 =	sshrl.u32 s30, $0x3;
	s8 =	sshrl.u32 s8, $0x3  }
0x11: {  	v2 =	vlaneseq.u32;
	v3 =	vimm.s32 $0x0;
	vm0 =	vmmov $0xffff;
	s9 =	sor.u32 s10, s9;
	s6 =	sadd.s32 s6, s31;
	s7 =	sadd.s32 s7, s8  }
0x12: {  	v4 =	vadd.s32 $0x1, v2;
	v6 =	vshrl.u32 v2, $0x3;
	v5 =	vand.u32 $0x7, v2;
	s8 =	smax.u32 s11, $0x1;
	s10 =	simm.s32 $0x400;
	s9 =	sshrl.u32 s9, $0x3  }
0x13: {  	v7 =	vor.u32 $0x8, v2;
	v6 =	vmul.u32 $0x8, v6;
	v9 =	vmov s3;
	s11 =	simm.s32 $0x1400;
	s5 =	sadd.s32 s5, s9;
	s9 =	simm.s32 $0x80  }
.LBB2_23:
0x14: {  	s20 =	sadd.s32 $0x1, s20  }
0x15: {  	p0 =	sne.s32 s20, s8  }
.Ltmp1:
0x16: {  	_ = 	snop;
	(pc) =	sbr.rel @!p0 .LBB2_24-.Ltmp1, $1  }
0x17: {  	_ =	sdelay $0x3  }
.LBB2_1:
0x18: {  	[tilespmem:s2], [sflag:$0x1] =	stream.strided.gather [hbm4b:s5+s9], $0x1400, s10, s9, $0x38;
	[tilespmem:$0x17780] =	vst v63  }
0x19: {  	s21 =	sand.u32 $0x3800, s2;
	s22 =	sand.u32 $0x380, s2  }
0x1a: {  	s21 =	sor.u32 s22, s21  }
0x1b: {  	[tilespmem:s21+$0x7BF0] =	vst v0  }
0x1c: {  	[tilespmem:s21+$0x7780] =	vst v0  }
0x1d: {  	[tilespmem:s21+$0x7790] =	vst v0  }
0x1e: {  	[tilespmem:s21+$0x77A0] =	vst v0  }
0x1f: {  	[tilespmem:s21+$0x77B0] =	vst v0  }
0x20: {  	[tilespmem:s21+$0x77C0] =	vst v0  }
0x21: {  	[tilespmem:s21+$0x77D0] =	vst v0  }
0x22: {  	[tilespmem:s21+$0x77E0] =	vst v0  }
0x23: {  	[tilespmem:s21+$0x77F0] =	vst v0  }
0x24: {  	[tilespmem:s21+$0x7B80] =	vst v0  }
0x25: {  	[tilespmem:s21+$0x7B90] =	vst v0  }
0x26: {  	[tilespmem:s21+$0x7BA0] =	vst v0  }
0x27: {  	[tilespmem:s21+$0x7BB0] =	vst v0  }
0x28: {  	s23 =	simm.s32 $0x100;
	s22 =	simm.s32 $0x80;
	[tilespmem:s21+$0x7BC0] =	vst v0  }
0x29: {  	s24 =	sand.u32 $0x3800, s23;
	s23 =	simm.s32 $0x200;
	s25 =	sand.u32 $0x380, s22;
	[tilespmem:s21+$0x7BD0] =	vst v0  }
.LBB2_2:
0x2a: {  	p0 =	sne.s32 s23, $0x3F00;
	[tilespmem:s21+$0x7BE0] =	vst v0;
	s21 =	sor.u32 s25, s24  }
0x2b: {  	[tilespmem:s21+$0x7BF0] =	vst v0  }
0x2c: {  	[tilespmem:s21+$0x7780] =	vst v0  }
0x2d: {  	[tilespmem:s21+$0x7790] =	vst v0  }
0x2e: {  	[tilespmem:s21+$0x77A0] =	vst v0  }
0x2f: {  	[tilespmem:s21+$0x77B0] =	vst v0  }
0x30: {  	[tilespmem:s21+$0x77C0] =	vst v0  }
0x31: {  	[tilespmem:s21+$0x77D0] =	vst v0  }
0x32: {  	[tilespmem:s21+$0x77E0] =	vst v0  }
0x33: {  	[tilespmem:s21+$0x77F0] =	vst v0  }
0x34: {  	[tilespmem:s21+$0x7B80] =	vst v0  }
.Ltmp2:
0x35: {  	[tilespmem:s21+$0x7B90] =	vst v0;
	(pc) =	sbr.rel @p0 .LBB2_2-.Ltmp2, $4  }
0x36: {  	[tilespmem:s21+$0x7BA0] =	vst v0  }
0x37: {  	[tilespmem:s21+$0x7BB0] =	vst v0  }
0x38: {  	s22 =	sadd.s32 $0x80, s22;
	[tilespmem:s21+$0x7BC0] =	vst v0  }
0x39: {  	s24 =	sand.u32 $0x3800, s23;
	s23 =	sadd.s32 $0x100, s23;
	s25 =	sand.u32 $0x380, s22;
	[tilespmem:s21+$0x7BD0] =	vst v0  }
0x3a: {  	s22 =	sor.u32 s25, s24;
	[tilespmem:s21+$0x7BE0] =	vst v0  }
0x3b: {  	[tilespmem:s22+$0x7BF0] =	vst v0  }
0x3c: {  	[tilespmem:s22+$0x7780] =	vst v0  }
0x3d: {  	[tilespmem:s22+$0x7790] =	vst v0  }
0x3e: {  	[tilespmem:s22+$0x77A0] =	vst v0  }
0x3f: {  	[tilespmem:s22+$0x77B0] =	vst v0  }
0x40: {  	[tilespmem:s22+$0x77C0] =	vst v0  }
0x41: {  	[tilespmem:s22+$0x77D0] =	vst v0  }
0x42: {  	[tilespmem:s22+$0x77E0] =	vst v0  }
0x43: {  	[tilespmem:s22+$0x77F0] =	vst v0  }
0x44: {  	[tilespmem:s22+$0x7B80] =	vst v0  }
0x45: {  	[tilespmem:s22+$0x7B90] =	vst v0  }
0x46: {  	[tilespmem:s22+$0x7BA0] =	vst v0  }
0x47: {  	[tilespmem:s22+$0x7BB0] =	vst v0  }
0x48: {  	[tilespmem:s22+$0x7BC0] =	vst v0  }
0x49: {  	[tilespmem:s22+$0x7BD0] =	vst v0  }
0x4a: {  	s21 =	simm.s32 $0x0;
	[tilespmem:s22+$0x7BE0] =	vst v0  }
0x4b: {  	[tilespmem:v8+s21+$0x0 ss:$0x1] =	vst.idx.msk $0xffff, v1  }
0x4c: {  	[tilespmem:v8+s21+$0x10 ss:$0x1] =	vst.idx.msk $0xffff, v1  }
0x4d: {  	[tilespmem:v8+s21+$0x20 ss:$0x1] =	vst.idx.msk $0xffff, v1  }
0x4e: {  	[tilespmem:v8+s21+$0x30 ss:$0x1] =	vst.idx.msk $0xffff, v1  }
0x4f: {  	[tilespmem:v8+s21+$0x40 ss:$0x1] =	vst.idx.msk $0xffff, v1  }
0x50: {  	[tilespmem:v8+s21+$0x50 ss:$0x1] =	vst.idx.msk $0xffff, v1  }
0x51: {  	s22 =	simm.s32 $0x200;
	[tilespmem:v8+s21+$0x60 ss:$0x1] =	vst.idx.msk $0xffff, v1  }
.LBB2_4:
0x52: {  	p0 =	sne.s32 s22, $0x2400;
	[tilespmem:v8+s21+$0x70 ss:$0x1] =	vst.idx.msk $0xffff, v1;
	s21 =	sshra.s32 s22, $0x2;
	s22 =	sadd.s32 $0x200, s22  }
0x53: {  	[tilespmem:v8+s21+$0x0 ss:$0x1] =	vst.idx.msk $0xffff, v1  }
0x54: {  	[tilespmem:v8+s21+$0x10 ss:$0x1] =	vst.idx.msk $0xffff, v1  }
.Ltmp3:
0x55: {  	[tilespmem:v8+s21+$0x20 ss:$0x1] =	vst.idx.msk $0xffff, v1;
	(pc) =	sbr.rel @p0 .LBB2_4-.Ltmp3, $4  }
0x56: {  	[tilespmem:v8+s21+$0x30 ss:$0x1] =	vst.idx.msk $0xffff, v1  }
0x57: {  	[tilespmem:v8+s21+$0x40 ss:$0x1] =	vst.idx.msk $0xffff, v1  }
0x58: {  	[tilespmem:v8+s21+$0x50 ss:$0x1] =	vst.idx.msk $0xffff, v1  }
0x59: {  	[tilespmem:v8+s21+$0x60 ss:$0x1] =	vst.idx.msk $0xffff, v1  }
0x5a: {  	_ =	sdelay $0x3  }
0x5b: {  	[tilespmem:v8+s21+$0x70 ss:$0x1] =	vst.idx.msk $0xffff, v1  }
0x5c: {  	[tilespmem:s3+$0x1D80] =	vst v1  }
0x5d: {  	[tilespmem:s3+$0x1D90] =	vst v1  }
0x5e: {  	[tilespmem:s3+$0x1DA0] =	vst v1  }
0x5f: {  	[tilespmem:s3+$0x1DB0] =	vst v1  }
0x60: {  	[tilespmem:s3+$0x1DB4] =	vst v1  }
0x61: {  	_ =	swait.ge [sflag:s4], $0x1400  }
0x62: {  	[sflag:s4] =	ssyncset.done $0x0  }
0x63: {  	s21 =	simm.s32 $0x30;
	[sflag:s4] =	ssyncadd.s32 $0xFFFFEC00  }
.LBB2_6:
0x64: {  	s22 =	sadd.s32 $0xFFFFFFD0, s21  }
0x65: {  	s22 =	smin.u32 s22, $0x1378  }
0x66: {  	v10 =	vld [tilespmem:s22+$0x0];
	_ =	sdelay $0x6  }
0x67: {  	s29 =	sadd.s32 $0xFFFFFFE0, s21;
	v11 =	vadd.s32 s22, v2  }
0x68: {  	s22 =	smin.u32 s29, $0x1378;
	[tilespmem:v10+s11+$0x0] =	vst.idx.msk $0xffff, v11  }
0x69: {  	v10 =	vld [tilespmem:s22+$0x0];
	_ =	sdelay $0x6  }
0x6a: {  	s30 =	sadd.s32 $0xFFFFFFF0, s21;
	v11 =	vadd.s32 s22, v2  }
0x6b: {  	s22 =	smin.u32 s30, $0x1378;
	[tilespmem:v10+s11+$0x0] =	vst.idx.msk $0xffff, v11  }
0x6c: {  	v10 =	vld [tilespmem:s22+$0x0];
	_ =	sdelay $0x6  }
0x6d: {  	v11 =	vadd.s32 s22, v2  }
0x6e: {  	s31 =	smin.u32 s21, $0x1378;
	[tilespmem:v10+s11+$0x0] =	vst.idx.msk $0xffff, v11  }
0x6f: {  	v10 =	vld [tilespmem:s31+$0x0];
	_ =	sdelay $0x2  }
0x70: {  	p0 =	sne.s32 s21, $0x13B0  }
.Ltmp4:
0x71: {  	_ = 	snop;
	(pc) =	sbr.rel @p0 .LBB2_6-.Ltmp4, $3  }
0x72: {  	_ =	sdelay $0x1  }
0x73: {  	v11 =	vadd.s32 s31, v2  }
0x74: {  	s21 =	sadd.s32 $0x40, s21;
	[tilespmem:v10+s11+$0x0] =	vst.idx.msk $0xffff, v11  }
.Ltmp5:
0x75: {  	(pc) =	sbr.rel .LBB2_8-.Ltmp5, $2  }
0x76: {  	_ =	sdelay $0x2  }
0x77: {  	v10 =	vimm.s32 $0x0;
	s21 =	simm.s32 $0x0;
	s23 =	simm.s32 $0x40;
	s25 =	simm.s32 $0x0  }
.LBB2_10:
0x78: {  	p1 =	slt.s32 s21, s29  }
0x79: {  	p2 =	slt.s32 s25, s24;
	s24 =	simm.s32 $0x1;
	s23 =	sadd.s32 $0x40, s23  }
0x7a: {  	s24 =	simm.s32 @!p1 $0x0;
	p1 =	sne.s32 s23, $0xA40  }
.Ltmp6:
0x7b: {  	_ = 	snop;
	(pc) =	sbr.rel @!p1 .LBB2_11-.Ltmp6, $4  }
0x7c: {  	_ = 	snop  }
0x7d: {  	s1 =	simm.s32 $0x1  }
0x7e: {  	s1 =	simm.s32 @!p2 $0x0  }
0x7f: {  	s25 =	sadd.s32 s1, s25;
	s21 =	sadd.s32 s24, s21  }
.LBB2_8:
0x80: {  	_ =	sdelay $0x1  }
0x81: {  	s22 =	sadd.s32 $0xFFFFFFC0, s23  }
0x82: {  	s24 =	smin.u32 s22, $0x9B4  }
0x83: {  	v11 =	vld.idx.msk [tilespmem:v9+s24+$0x1400 ss:$0x1], $0xffff;
	_ =	sdelay $0x4  }
0x84: {  	vm1 =	vgt.s32 v11, $0xFFFFFFFF  }
0x85: {  	v12 =	vsel vm1, $0x1, v3  }
0x86: {  	(xrf0) =	vadd.scan.msk.s32 $0xffff, v12;
	_ =	sdelay $0x5  }
0x87: {  	vm2 =	vle.s32 v11, $0xFFFFFFFF;
	v13, _, _ =	vpop (xrf0)  }
0x88: {  	v14 =	vsel vm2, $0xFFFFFFFF, v3;
	v13 =	vadd.s32 v10, v13  }
0x89: {  	v14 =	vadd.s32 s22, v14;
	v12 =	vsub.s32 v13, v12  }
0x8a: {  	v13 =	vsub.s32 v14, v13;
	v15 =	vshll.u32 v12, $0x1  }
0x8b: {  	v12 =	vand.u32 $0x3F, v12;
	v13 =	vadd.s32 v4, v13;
	v36 =	vand.u32 $0xFFFFFF80, v15  }
0x8c: {  	v37 =	vshll.u32 v13, $0x1;
	v12 =	vor.u32 v12, v36  }
0x8d: {  	v13 =	vand.u32 $0x3F, v13;
	v14 =	vand.u32 $0xFFFFFF80, v37  }
0x8e: {  	v13 =	vor.u32 v13, v14;
	_ =	sdelay $0x1  }
0x8f: {  	s26 =	sadd.s32 s3, s24  }
0x90: {  	v38 =	vadd.s32 s26, v2;
	[tilespmem:v12+s12+$0x0] =	vst.idx.msk vm1, v11  }
0x91: {  	s30 =	sadd.s32 $0xFFFFFFD0, s23;
	[tilespmem:v12+s13+$0x0] =	vst.idx.msk vm1, v38  }
0x92: {  	s31 =	smin.u32 s30, $0x9B4;
	[tilespmem:v13+s14+$0x0] =	vst.idx.msk vm2, v38  }
0x93: {  	v11 =	vld.idx.msk [tilespmem:v9+s31+$0x1400 ss:$0x1], $0xffff;
	_ =	sdelay $0x4  }
0x94: {  	vm2 =	vgt.s32 v11, $0xFFFFFFFF  }
0x95: {  	v39 =	vsel vm2, $0x1, v3  }
0x96: {  	(xrf0) =	vadd.scan.msk.s32 $0xffff, v39;
	_ =	sdelay $0x3  }
0x97: {  	v40 =	vmpcnt.ones.xlane vm1;
	_ =	sdelay $0x1  }
0x98: {  	v10 =	vadd.s32 v10, v40;
	vm1 =	vle.s32 v11, $0xFFFFFFFF;
	v41, _, _ =	vpop (xrf0)  }
0x99: {  	v42 =	vsel vm1, $0xFFFFFFFF, v3;
	v13 =	vadd.s32 v10, v41  }
0x9a: {  	v14 =	vadd.s32 s30, v42;
	v12 =	vsub.s32 v13, v39  }
0x9b: {  	v13 =	vsub.s32 v14, v13;
	v43 =	vshll.u32 v12, $0x1  }
0x9c: {  	v12 =	vand.u32 $0x3F, v12;
	v13 =	vadd.s32 v4, v13;
	v44 =	vand.u32 $0xFFFFFF80, v43  }
0x9d: {  	v45 =	vshll.u32 v13, $0x1;
	v12 =	vor.u32 v12, v44  }
0x9e: {  	v13 =	vand.u32 $0x3F, v13;
	v14 =	vand.u32 $0xFFFFFF80, v45  }
0x9f: {  	v13 =	vor.u32 v13, v14;
	_ =	sdelay $0x1  }
0xa0: {  	s1 =	sadd.s32 s3, s31  }
0xa1: {  	v46 =	vadd.s32 s1, v2;
	[tilespmem:v12+s12+$0x0] =	vst.idx.msk vm2, v11  }
0xa2: {  	s24 =	sadd.s32 $0xFFFFFFE0, s23;
	[tilespmem:v12+s13+$0x0] =	vst.idx.msk vm2, v46  }
0xa3: {  	s26 =	smin.u32 s24, $0x9B4;
	[tilespmem:v13+s14+$0x0] =	vst.idx.msk vm1, v46  }
0xa4: {  	v11 =	vld.idx.msk [tilespmem:v9+s26+$0x1400 ss:$0x1], $0xffff;
	_ =	sdelay $0x4  }
0xa5: {  	vm1 =	vgt.s32 v11, $0xFFFFFFFF  }
0xa6: {  	v47 =	vsel vm1, $0x1, v3  }
0xa7: {  	(xrf0) =	vadd.scan.msk.s32 $0xffff, v47;
	_ =	sdelay $0x3  }
0xa8: {  	v48 =	vmpcnt.ones.xlane vm2;
	_ =	sdelay $0x1  }
0xa9: {  	v10 =	vadd.s32 v10, v48;
	vm2 =	vle.s32 v11, $0xFFFFFFFF;
	v49, _, _ =	vpop (xrf0)  }
0xaa: {  	v50 =	vsel vm2, $0xFFFFFFFF, v3;
	v13 =	vadd.s32 v10, v49  }
0xab: {  	v14 =	vadd.s32 s24, v50;
	v12 =	vsub.s32 v13, v47  }
0xac: {  	v13 =	vsub.s32 v14, v13;
	v51 =	vshll.u32 v12, $0x1  }
0xad: {  	v12 =	vand.u32 $0x3F, v12;
	v13 =	vadd.s32 v4, v13;
	v52 =	vand.u32 $0xFFFFFF80, v51  }
0xae: {  	v53 =	vshll.u32 v13, $0x1;
	v12 =	vor.u32 v12, v52  }
0xaf: {  	v13 =	vand.u32 $0x3F, v13;
	v14 =	vand.u32 $0xFFFFFF80, v53  }
0xb0: {  	v13 =	vor.u32 v13, v14;
	_ =	sdelay $0x1  }
0xb1: {  	s30 =	sadd.s32 s3, s26  }
0xb2: {  	v54 =	vadd.s32 s30, v2;
	[tilespmem:v12+s12+$0x0] =	vst.idx.msk vm1, v11  }
0xb3: {  	s31 =	sadd.s32 $0xFFFFFFF0, s23;
	[tilespmem:v12+s13+$0x0] =	vst.idx.msk vm1, v54  }
0xb4: {  	s1 =	smin.u32 s31, $0x9B4;
	[tilespmem:v13+s14+$0x0] =	vst.idx.msk vm2, v54  }
0xb5: {  	v11 =	vld.idx.msk [tilespmem:v9+s1+$0x1400 ss:$0x1], $0xffff;
	_ =	sdelay $0x4  }
0xb6: {  	v55 =	vmpcnt.ones.xlane vm1;
	vm1 =	vgt.s32 v11, $0xFFFFFFFF  }
0xb7: {  	v56 =	vmpcnt.ones.xlane vm1  }
0xb8: {  	v12 =	vadd.s32 v10, v55  }
0xb9: {  	v10 =	vadd.s32 v12, v56  }
0xba: {  	(v2sf) =	vpush v10, $0x0;
	_ =	sdelay $0x6  }
0xbb: {  	v57 =	vsel vm1, $0x1, v3  }
0xbc: {  	(xrf0) =	vadd.scan.msk.s32 $0xffff, v57;
	_ =	sdelay $0x5  }
0xbd: {  	vm2 =	vle.s32 v11, $0xFFFFFFFF;
	v58, _, _ =	vpop (xrf0)  }
0xbe: {  	v59 =	vsel vm2, $0xFFFFFFFF, v3;
	v12 =	vadd.s32 v12, v58;
	s26 =	spop (v2sf)  }
0xbf: {  	s28 =	simm.s32 $0x1;
	v14 =	vadd.s32 s31, v59;
	v13 =	vsub.s32 v12, v57;
	s31 =	ssub.s32 s23, s26;
	p0 =	sne.s32 s23, s26  }
0xc0: {  	v12 =	vsub.s32 v14, v12;
	v60 =	vshll.u32 v13, $0x1;
	s29 =	sshra.s32 s31, $0x1F;
	s28 =	simm.s32 @!p0 $0x0  }
0xc1: {  	v13 =	vand.u32 $0x3F, v13;
	v12 =	vadd.s32 v4, v12;
	v61 =	vand.u32 $0xFFFFFF80, v60;
	s30 =	sand.u32 $0x3F, s31;
	s28 =	sor.u32 s28, s29  }
0xc2: {  	v62 =	vshll.u32 v12, $0x1;
	v13 =	vor.u32 v13, v61;
	p1 =	sne.s32 s30, $0x0;
	p5 =	sne.s32 s28, $0x1  }
0xc3: {  	v12 =	vand.u32 $0x3F, v12;
	v14 =	vand.u32 $0xFFFFFF80, v62;
	s28 =	sshrl.u32 s29, $0x1A;
	p0 =	por !p1, !p5  }
0xc4: {  	v12 =	vor.u32 v12, v14;
	s22 =	sadd.s32 s28, s31;
	s28 =	simm.s32 $0x1;
	p0 =	por !p0, !p0  }
0xc5: {  	s22 =	sshra.s32 s22, $0x6;
	s28 =	simm.s32 @!p0 $0x0  }
0xc6: {  	s29 =	sadd.s32 s3, s1;
	s24 =	ssub.s32 s22, s28  }
0xc7: {  	[tilespmem:v13+s12+$0x0] =	vst.idx.msk vm1, v11;
	v63 =	vadd.s32 s29, v2;
	p0 =	sge.s32 s25, s24  }
0xc8: {  	[tilespmem:v13+s13+$0x0] =	vst.idx.msk vm1, v63;
	s22 =	sshll.u32 @!p0 s25, $0x9  }
0xc9: {  	[tilespmem:v12+s14+$0x0] =	vst.idx.msk vm2, v63;
	s22 =	sshra.s32 @!p0 s22, $0x2  }
0xca: {  	v11 =	vld @!p0 [tilespmem:s22+$0x6380];
	_ =	sdelay $0x4  }
0xcb: {  	v12 =	vshll.u32 @!p0 v11, $0x1  }
0xcc: {  	v13 =	vlaneseq.u32 @!p0;
	v11 =	vand.u32 @!p0 $0x7, v11;
	v12 =	vand.u32 @!p0 $0xFFFFFFF0, v12  }
0xcd: {  	v14 =	vshrl.u32 @!p0 v13, $0x3;
	v11 =	vor.u32 @!p0 v11, v12;
	v12 =	vand.u32 @!p0 $0x7, v13  }
0xce: {  	v14 =	vmul.u32 @!p0 $0x8, v14;
	v15 =	vperm.xlane @!p0 v11, v12  }
0xcf: {  	v13 =	vor.u32 @!p0 $0x8, v13  }
0xd0: {  	v11 =	vperm.xlane @!p0 v11, v13;
	v15 =	vadd.s32 @!p0 v14, v15;
	_ =	sdelay $0x1  }
0xd1: {  	v11 =	vadd.s32 @!p0 v14, v11;
	_ =	sdelay $0x1  }
0xd2: {  	vm1 =	vmmov @!p0 $0xffff;
	s28 =	simm.s32 @!p0 $0x0;
	s29 =	simm.s32 @!p0 $0x7780  }
0xd3: {  	[hbm4b:s6+s28] =	stream.indirect_vreg.scatter @!p0 [tilespmem:s29], [sflag:$0x3], $0x80, v15, vm1, $0xb8;
	[tilespmem:$0x17780] =	vst v63  }
0xd4: {  	s29 =	simm.s32 @!p0 $0x7F80  }
0xd5: {  	[hbm4b:s6+s28] =	stream.indirect_vreg.scatter @!p0 [tilespmem:s29], [sflag:$0x3], $0x80, v11, vm1, $0xb8;
	[tilespmem:$0x17780] =	vst v63  }
0xd6: {  	v11 =	vld @!p0 [tilespmem:s22+$0x6390];
	_ =	sdelay $0x4  }
0xd7: {  	v15 =	vshll.u32 @!p0 v11, $0x1  }
0xd8: {  	v11 =	vand.u32 @!p0 $0x7, v11;
	v15 =	vand.u32 @!p0 $0xFFFFFFF0, v15  }
0xd9: {  	v11 =	vor.u32 @!p0 v11, v15  }
0xda: {  	v15 =	vperm.xlane @!p0 v11, v12;
	_ =	sdelay $0x1  }
0xdb: {  	v11 =	vperm.xlane @!p0 v11, v13;
	v15 =	vadd.s32 @!p0 v14, v15;
	_ =	sdelay $0x1  }
0xdc: {  	v11 =	vadd.s32 @!p0 v14, v11;
	_ =	sdelay $0x1  }
0xdd: {  	s29 =	simm.s32 @!p0 $0x8780  }
0xde: {  	[hbm4b:s6+s28] =	stream.indirect_vreg.scatter @!p0 [tilespmem:s29], [sflag:$0x3], $0x80, v15, vm1, $0xb8;
	[tilespmem:$0x17780] =	vst v63  }
0xdf: {  	s29 =	simm.s32 @!p0 $0x8F80  }
0xe0: {  	[hbm4b:s6+s28] =	stream.indirect_vreg.scatter @!p0 [tilespmem:s29], [sflag:$0x3], $0x80, v11, vm1, $0xb8;
	[tilespmem:$0x17780] =	vst v63  }
0xe1: {  	v11 =	vld @!p0 [tilespmem:s22+$0x63A0];
	_ =	sdelay $0x4  }
0xe2: {  	v15 =	vshll.u32 @!p0 v11, $0x1  }
0xe3: {  	v11 =	vand.u32 @!p0 $0x7, v11;
	v15 =	vand.u32 @!p0 $0xFFFFFFF0, v15  }
0xe4: {  	v11 =	vor.u32 @!p0 v11, v15  }
0xe5: {  	v15 =	vperm.xlane @!p0 v11, v12;
	_ =	sdelay $0x1  }
0xe6: {  	v11 =	vperm.xlane @!p0 v11, v13;
	v15 =	vadd.s32 @!p0 v14, v15;
	_ =	sdelay $0x1  }
0xe7: {  	v11 =	vadd.s32 @!p0 v14, v11;
	_ =	sdelay $0x1  }
0xe8: {  	s29 =	simm.s32 @!p0 $0x9780  }
0xe9: {  	[hbm4b:s6+s28] =	stream.indirect_vreg.scatter @!p0 [tilespmem:s29], [sflag:$0x3], $0x80, v15, vm1, $0xb8;
	[tilespmem:$0x17780] =	vst v63  }
0xea: {  	s29 =	simm.s32 @!p0 $0x9F80  }
0xeb: {  	[hbm4b:s6+s28] =	stream.indirect_vreg.scatter @!p0 [tilespmem:s29], [sflag:$0x3], $0x80, v11, vm1, $0xb8;
	[tilespmem:$0x17780] =	vst v63  }
0xec: {  	v11 =	vld @!p0 [tilespmem:s22+$0x63B0];
	_ =	sdelay $0x4  }
0xed: {  	v15 =	vshll.u32 @!p0 v11, $0x1  }
0xee: {  	v11 =	vand.u32 @!p0 $0x7, v11;
	v15 =	vand.u32 @!p0 $0xFFFFFFF0, v15  }
0xef: {  	v11 =	vor.u32 @!p0 v11, v15  }
0xf0: {  	v12 =	vperm.xlane @!p0 v11, v12;
	_ =	sdelay $0x1  }
0xf1: {  	v11 =	vperm.xlane @!p0 v11, v13;
	v12 =	vadd.s32 @!p0 v14, v12;
	_ =	sdelay $0x1  }
0xf2: {  	v11 =	vadd.s32 @!p0 v14, v11;
	_ =	sdelay $0x1  }
0xf3: {  	s22 =	simm.s32 @!p0 $0xA780  }
0xf4: {  	[hbm4b:s6+s28] =	stream.indirect_vreg.scatter @!p0 [tilespmem:s22], [sflag:$0x3], $0x80, v12, vm1, $0xb8;
	[tilespmem:$0x17780] =	vst v63  }
0xf5: {  	s22 =	simm.s32 @!p0 $0xAF80  }
0xf6: {  	[hbm4b:s6+s28] =	stream.indirect_vreg.scatter @!p0 [tilespmem:s22], [sflag:$0x3], $0x80, v11, vm1, $0xb8;
	[tilespmem:$0x17780] =	vst v63  }
0xf7: {  	s22 =	sand.u32 $0x3F, s26  }
0xf8: {  	s28 =	sshra.s32 s26, $0x1F;
	p0 =	slt.s32 s26, $0x1;
	p6 =	sne.s32 s22, $0x0  }
0xf9: {  	s28 =	sshrl.u32 s28, $0x1A;
	p1 =	por !p0, !p6  }
0xfa: {  	s29 =	simm.s32 $0x1;
	s28 =	sadd.s32 s28, s26;
	p1 =	por !p1, !p1  }
0xfb: {  	s28 =	sshra.s32 s28, $0x6;
	s29 =	simm.s32 @!p1 $0x0  }
0xfc: {  	s29 =	ssub.s32 s28, s29  }
0xfd: {  	p1 =	slt.s32 s29, $0x3  }
0xfe: {  	s29 =	simm.s32 @!p1 $0x3  }
0xff: {  	p1 =	sge.s32 s21, s29  }
.Ltmp7:
0x100: {  	_ = 	snop;
	(pc) =	sbr.rel @p1 .LBB2_10-.Ltmp7, $1  }
0x101: {  	_ =	sdelay $0x3  }
0x102: {  	s30 =	sshll.u32 s21, $0x9  }
0x103: {  	s30 =	sshra.s32 s30, $0x2  }
0x104: {  	v11 =	vld [tilespmem:s30+$0x3B80];
	_ =	sdelay $0x1  }
0x105: {  	s31 =	smulhi.u32 $0x55555556, s21;
	s1 =	sshra.s32 s21, $0x1F  }
0x106: {  	s1 =	smul.u32 $0x55555556, s1;
	_ =	sdelay $0x1  }
0x107: {  	s1 =	sadd.s32 s1, s31;
	v12 =	vshll.u32 v11, $0x1  }
0x108: {  	s31 =	sshrl.u32 s1, $0x1F;
	v11 =	vand.u32 $0x7, v11;
	v12 =	vand.u32 $0xFFFFFFF0, v12  }
0x109: {  	s1 =	sadd.s32 s31, s1;
	v11 =	vor.u32 v11, v12  }
0x10a: {  	s1 =	smul.u32 $0x3, s1;
	v12 =	vperm.xlane v11, v5;
	_ =	sdelay $0x1  }
0x10b: {  	s1 =	ssub.s32 s21, s1;
	v11 =	vperm.xlane v11, v7;
	v12 =	vadd.s32 v6, v12  }
0x10c: {  	s31 =	sshll.u32 s1, $0xE  }
0x10d: {  	p1 =	slt.s32 s1, $0x0;
	s1 =	sadd.s32 $0xC000, s31;
	v11 =	vadd.s32 v6, v11  }
0x10e: {  	s31 =	smov.u32 @p1 s1  }
0x10f: {  	s1 =	sadd.s32 $0xB780, s31  }
0x110: {  	[tilespmem:s1], [sflag:$0x1] =	stream.indirect_vreg.gather [hbm4b:s7+s2], $0x80, v12, vm0, $0xb8;
	[tilespmem:$0x17780] =	vst v63  }
0x111: {  	s1 =	sadd.s32 $0xBF80, s31  }
0x112: {  	[tilespmem:s1], [sflag:$0x1] =	stream.indirect_vreg.gather [hbm4b:s7+s2], $0x80, v11, vm0, $0xb8;
	[tilespmem:$0x17780] =	vst v63  }
0x113: {  	v11 =	vld [tilespmem:s30+$0x3B90];
	_ =	sdelay $0x4  }
0x114: {  	v61 =	vshll.u32 v11, $0x1  }
0x115: {  	v11 =	vand.u32 $0x7, v11;
	v12 =	vand.u32 $0xFFFFFFF0, v61  }
0x116: {  	v11 =	vor.u32 v11, v12  }
0x117: {  	v12 =	vperm.xlane v11, v5;
	_ =	sdelay $0x1  }
0x118: {  	v11 =	vperm.xlane v11, v7;
	v12 =	vadd.s32 v6, v12;
	_ =	sdelay $0x1  }
0x119: {  	v11 =	vadd.s32 v6, v11;
	_ =	sdelay $0x1  }
0x11a: {  	s1 =	sadd.s32 $0xC780, s31  }
0x11b: {  	[tilespmem:s1], [sflag:$0x1] =	stream.indirect_vreg.gather [hbm4b:s7+s2], $0x80, v12, vm0, $0xb8;
	[tilespmem:$0x17780] =	vst v63  }
0x11c: {  	s1 =	sadd.s32 $0xCF80, s31  }
0x11d: {  	[tilespmem:s1], [sflag:$0x1] =	stream.indirect_vreg.gather [hbm4b:s7+s2], $0x80, v11, vm0, $0xb8;
	[tilespmem:$0x17780] =	vst v63  }
0x11e: {  	v11 =	vld [tilespmem:s30+$0x3BA0];
	_ =	sdelay $0x4  }
0x11f: {  	v62 =	vshll.u32 v11, $0x1  }
0x120: {  	v11 =	vand.u32 $0x7, v11;
	v12 =	vand.u32 $0xFFFFFFF0, v62  }
0x121: {  	v11 =	vor.u32 v11, v12  }
0x122: {  	v12 =	vperm.xlane v11, v5;
	_ =	sdelay $0x1  }
0x123: {  	v11 =	vperm.xlane v11, v7;
	v12 =	vadd.s32 v6, v12;
	_ =	sdelay $0x1  }
0x124: {  	v11 =	vadd.s32 v6, v11;
	_ =	sdelay $0x1  }
0x125: {  	s1 =	sadd.s32 $0xD780, s31  }
0x126: {  	[tilespmem:s1], [sflag:$0x1] =	stream.indirect_vreg.gather [hbm4b:s7+s2], $0x80, v12, vm0, $0xb8;
	[tilespmem:$0x17780] =	vst v63  }
0x127: {  	s1 =	sadd.s32 $0xDF80, s31  }
0x128: {  	[tilespmem:s1], [sflag:$0x1] =	stream.indirect_vreg.gather [hbm4b:s7+s2], $0x80, v11, vm0, $0xb8;
	[tilespmem:$0x17780] =	vst v63  }
0x129: {  	v11 =	vld [tilespmem:s30+$0x3BB0];
	_ =	sdelay $0x4  }
0x12a: {  	v63 =	vshll.u32 v11, $0x1  }
0x12b: {  	v11 =	vand.u32 $0x7, v11;
	v12 =	vand.u32 $0xFFFFFFF0, v63  }
0x12c: {  	v11 =	vor.u32 v11, v12  }
0x12d: {  	v12 =	vperm.xlane v11, v5;
	_ =	sdelay $0x1  }
0x12e: {  	v11 =	vperm.xlane v11, v7;
	v12 =	vadd.s32 v6, v12;
	_ =	sdelay $0x1  }
0x12f: {  	v11 =	vadd.s32 v6, v11  }
.Ltmp8:
0x130: {  	_ = 	snop;
	(pc) =	sbr.rel .LBB2_10-.Ltmp8, $4  }
0x131: {  	s30 =	sadd.s32 $0xE780, s31  }
0x132: {  	[tilespmem:s30], [sflag:$0x1] =	stream.indirect_vreg.gather [hbm4b:s7+s2], $0x80, v12, vm0, $0xb8;
	[tilespmem:$0x17780] =	vst v63  }
0x133: {  	s31 =	sadd.s32 $0xEF80, s31  }
0x134: {  	[tilespmem:s31], [sflag:$0x1] =	stream.indirect_vreg.gather [hbm4b:s7+s2], $0x80, v11, vm0, $0xb8;
	[tilespmem:$0x17780] =	vst v63  }
.LBB2_11:
0x135: {  	s23 =	ssub.s32 $0xA00, s26  }
0x136: {  	s1 =	sshra.s32 s23, $0x1F  }
0x137: {  	p1 =	sne.s32 s26, $0xA00;
	s29 =	simm.s32 $0x1;
	s24 =	sshrl.u32 s1, $0x1A  }
0x138: {  	s29 =	simm.s32 @!p1 $0x0;
	s24 =	sadd.s32 s24, s23  }
0x139: {  	s1 =	sor.u32 s29, s1;
	s29 =	sand.u32 $0xFFFFFFC0, s24  }
0x13a: {  	p6 =	sne.s32 s1, $0x1;
	p2 =	sne.s32 s23, s29  }
0x13b: {  	p1 =	por !p2, !p6  }
0x13c: {  	s1 =	simm.s32 $0x1;
	p1 =	por !p1, !p1  }
0x13d: {  	s24 =	sshra.s32 s24, $0x6;
	s1 =	simm.s32 @!p1 $0x0  }
0x13e: {  	s30 =	simm.s32 $0x63A0;
	s29 =	simm.s32 $0x0;
	s24 =	ssub.s32 s24, s1  }
.LBB2_12:
0x13f: {  	p1 =	slt.s32 s29, s25  }
0x140: {  	p2 =	sge.s32 @!p1 s29, s24  }
0x141: {  	p1 =	por p2, p1  }
0x142: {  	v10 =	vld @!p1 [tilespmem:s30+$0xFFFFFFE0];
	_ =	sdelay $0x4  }
0x143: {  	v11 =	vshll.u32 @!p1 v10, $0x1  }
0x144: {  	v12 =	vlaneseq.u32 @!p1;
	v10 =	vand.u32 @!p1 $0x7, v10;
	v11 =	vand.u32 @!p1 $0xFFFFFFF0, v11  }
0x145: {  	v13 =	vshrl.u32 @!p1 v12, $0x3;
	v10 =	vor.u32 @!p1 v10, v11;
	v11 =	vand.u32 @!p1 $0x7, v12  }
0x146: {  	v13 =	vmul.u32 @!p1 $0x8, v13;
	v14 =	vperm.xlane @!p1 v10, v11  }
0x147: {  	v12 =	vor.u32 @!p1 $0x8, v12  }
0x148: {  	v10 =	vperm.xlane @!p1 v10, v12;
	v14 =	vadd.s32 @!p1 v13, v14;
	_ =	sdelay $0x1  }
0x149: {  	v10 =	vadd.s32 @!p1 v13, v10;
	_ =	sdelay $0x1  }
0x14a: {  	vm1 =	vmmov @!p1 $0xffff;
	s1 =	simm.s32 @!p1 $0x0;
	s31 =	simm.s32 @!p1 $0x7780  }
0x14b: {  	[hbm4b:s6+s1] =	stream.indirect_vreg.scatter @!p1 [tilespmem:s31], [sflag:$0x3], $0x80, v14, vm1, $0xb8;
	[tilespmem:$0x17780] =	vst v63  }
0x14c: {  	s31 =	simm.s32 @!p1 $0x7F80  }
0x14d: {  	[hbm4b:s6+s1] =	stream.indirect_vreg.scatter @!p1 [tilespmem:s31], [sflag:$0x3], $0x80, v10, vm1, $0xb8;
	[tilespmem:$0x17780] =	vst v63  }
0x14e: {  	v10 =	vld @!p1 [tilespmem:s30+$0xFFFFFFF0];
	_ =	sdelay $0x4  }
0x14f: {  	v14 =	vshll.u32 @!p1 v10, $0x1  }
0x150: {  	v10 =	vand.u32 @!p1 $0x7, v10;
	v14 =	vand.u32 @!p1 $0xFFFFFFF0, v14  }
0x151: {  	v10 =	vor.u32 @!p1 v10, v14  }
0x152: {  	v14 =	vperm.xlane @!p1 v10, v11;
	_ =	sdelay $0x1  }
0x153: {  	v10 =	vperm.xlane @!p1 v10, v12;
	v14 =	vadd.s32 @!p1 v13, v14;
	_ =	sdelay $0x1  }
0x154: {  	v10 =	vadd.s32 @!p1 v13, v10;
	_ =	sdelay $0x1  }
0x155: {  	s31 =	simm.s32 @!p1 $0x8780  }
0x156: {  	[hbm4b:s6+s1] =	stream.indirect_vreg.scatter @!p1 [tilespmem:s31], [sflag:$0x3], $0x80, v14, vm1, $0xb8;
	[tilespmem:$0x17780] =	vst v63  }
0x157: {  	s31 =	simm.s32 @!p1 $0x8F80  }
0x158: {  	[hbm4b:s6+s1] =	stream.indirect_vreg.scatter @!p1 [tilespmem:s31], [sflag:$0x3], $0x80, v10, vm1, $0xb8;
	[tilespmem:$0x17780] =	vst v63  }
0x159: {  	v10 =	vld @!p1 [tilespmem:s30+$0x0];
	_ =	sdelay $0x4  }
0x15a: {  	v14 =	vshll.u32 @!p1 v10, $0x1  }
0x15b: {  	v10 =	vand.u32 @!p1 $0x7, v10;
	v14 =	vand.u32 @!p1 $0xFFFFFFF0, v14  }
0x15c: {  	v10 =	vor.u32 @!p1 v10, v14  }
0x15d: {  	v14 =	vperm.xlane @!p1 v10, v11;
	_ =	sdelay $0x1  }
0x15e: {  	v10 =	vperm.xlane @!p1 v10, v12;
	v14 =	vadd.s32 @!p1 v13, v14;
	_ =	sdelay $0x1  }
0x15f: {  	v10 =	vadd.s32 @!p1 v13, v10;
	_ =	sdelay $0x1  }
0x160: {  	s31 =	simm.s32 @!p1 $0x9780  }
0x161: {  	[hbm4b:s6+s1] =	stream.indirect_vreg.scatter @!p1 [tilespmem:s31], [sflag:$0x3], $0x80, v14, vm1, $0xb8;
	[tilespmem:$0x17780] =	vst v63  }
0x162: {  	s31 =	simm.s32 @!p1 $0x9F80  }
0x163: {  	[hbm4b:s6+s1] =	stream.indirect_vreg.scatter @!p1 [tilespmem:s31], [sflag:$0x3], $0x80, v10, vm1, $0xb8;
	[tilespmem:$0x17780] =	vst v63  }
0x164: {  	v10 =	vld @!p1 [tilespmem:s30+$0x10];
	_ =	sdelay $0x4  }
0x165: {  	v14 =	vshll.u32 @!p1 v10, $0x1  }
0x166: {  	v10 =	vand.u32 @!p1 $0x7, v10;
	v14 =	vand.u32 @!p1 $0xFFFFFFF0, v14  }
0x167: {  	v10 =	vor.u32 @!p1 v10, v14  }
0x168: {  	v11 =	vperm.xlane @!p1 v10, v11;
	_ =	sdelay $0x1  }
0x169: {  	v10 =	vperm.xlane @!p1 v10, v12;
	v11 =	vadd.s32 @!p1 v13, v11;
	_ =	sdelay $0x1  }
0x16a: {  	v10 =	vadd.s32 @!p1 v13, v10;
	_ =	sdelay $0x1  }
0x16b: {  	s31 =	simm.s32 @!p1 $0xA780  }
0x16c: {  	[hbm4b:s6+s1] =	stream.indirect_vreg.scatter @!p1 [tilespmem:s31], [sflag:$0x3], $0x80, v11, vm1, $0xb8;
	[tilespmem:$0x17780] =	vst v63  }
0x16d: {  	s29 =	sadd.s32 $0x1, s29;
	s31 =	simm.s32 @!p1 $0xAF80  }
0x16e: {  	[hbm4b:s6+s1] =	stream.indirect_vreg.scatter @!p1 [tilespmem:s31], [sflag:$0x3], $0x80, v10, vm1, $0xb8;
	[tilespmem:$0x17780] =	vst v63  }
0x16f: {  	p1 =	sne.s32 s29, $0x28  }
.Ltmp9:
0x170: {  	_ = 	snop;
	(pc) =	sbr.rel @p1 .LBB2_12-.Ltmp9, $2  }
0x171: {  	_ =	sdelay $0x2  }
0x172: {  	s30 =	sadd.s32 $0x80, s30  }
0x173: {  	s1 =	sshll.u32 s28, $0x6  }
0x174: {  	p1 =	sne.s32 s26, s1  }
0x175: {  	p0 =	por !p0, !p1  }
0x176: {  	s1 =	simm.s32 $0x1;
	p0 =	por !p0, !p0  }
0x177: {  	s1 =	simm.s32 @!p0 $0x0  }
0x178: {  	p0 =	sgt.s32 s21, $0x0;
	s25 =	ssub.s32 s28, s1  }
0x179: {  	p1 =	slt.s32 @!p0 s25, $0x1  }
0x17a: {  	p0 =	por p1, p0  }
0x17b: {  	v10 =	vld @!p0 [tilespmem:$0x3B80];
	_ =	sdelay $0x4  }
0x17c: {  	v11 =	vshll.u32 @!p0 v10, $0x1  }
0x17d: {  	v12 =	vlaneseq.u32 @!p0;
	v10 =	vand.u32 @!p0 $0x7, v10;
	v11 =	vand.u32 @!p0 $0xFFFFFFF0, v11  }
0x17e: {  	v13 =	vshrl.u32 @!p0 v12, $0x3;
	v10 =	vor.u32 @!p0 v10, v11;
	v11 =	vand.u32 @!p0 $0x7, v12  }
0x17f: {  	v13 =	vmul.u32 @!p0 $0x8, v13;
	v14 =	vperm.xlane @!p0 v10, v11  }
0x180: {  	v12 =	vor.u32 @!p0 $0x8, v12  }
0x181: {  	v10 =	vperm.xlane @!p0 v10, v12;
	v14 =	vadd.s32 @!p0 v13, v14;
	_ =	sdelay $0x1  }
0x182: {  	v10 =	vadd.s32 @!p0 v13, v10;
	_ =	sdelay $0x1  }
0x183: {  	vm1 =	vmmov @!p0 $0xffff;
	s1 =	simm.s32 @!p0 $0x0;
	s26 =	simm.s32 @!p0 $0xB780  }
0x184: {  	[tilespmem:s26], [sflag:$0x1] =	stream.indirect_vreg.gather @!p0 [hbm4b:s7+s1], $0x80, v14, vm1, $0xb8;
	[tilespmem:$0x17780] =	vst v63  }
0x185: {  	s26 =	simm.s32 @!p0 $0xBF80  }
0x186: {  	[tilespmem:s26], [sflag:$0x1] =	stream.indirect_vreg.gather @!p0 [hbm4b:s7+s1], $0x80, v10, vm1, $0xb8;
	[tilespmem:$0x17780] =	vst v63  }
0x187: {  	v10 =	vld @!p0 [tilespmem:$0x3B90];
	_ =	sdelay $0x4  }
0x188: {  	v14 =	vshll.u32 @!p0 v10, $0x1  }
0x189: {  	v10 =	vand.u32 @!p0 $0x7, v10;
	v14 =	vand.u32 @!p0 $0xFFFFFFF0, v14  }
0x18a: {  	v10 =	vor.u32 @!p0 v10, v14  }
0x18b: {  	v14 =	vperm.xlane @!p0 v10, v11;
	_ =	sdelay $0x1  }
0x18c: {  	v10 =	vperm.xlane @!p0 v10, v12;
	v14 =	vadd.s32 @!p0 v13, v14;
	_ =	sdelay $0x1  }
0x18d: {  	v10 =	vadd.s32 @!p0 v13, v10;
	_ =	sdelay $0x1  }
0x18e: {  	s26 =	simm.s32 @!p0 $0xC780  }
0x18f: {  	[tilespmem:s26], [sflag:$0x1] =	stream.indirect_vreg.gather @!p0 [hbm4b:s7+s1], $0x80, v14, vm1, $0xb8;
	[tilespmem:$0x17780] =	vst v63  }
0x190: {  	s26 =	simm.s32 @!p0 $0xCF80  }
0x191: {  	[tilespmem:s26], [sflag:$0x1] =	stream.indirect_vreg.gather @!p0 [hbm4b:s7+s1], $0x80, v10, vm1, $0xb8;
	[tilespmem:$0x17780] =	vst v63  }
0x192: {  	v10 =	vld @!p0 [tilespmem:$0x3BA0];
	_ =	sdelay $0x4  }
0x193: {  	v14 =	vshll.u32 @!p0 v10, $0x1  }
0x194: {  	v10 =	vand.u32 @!p0 $0x7, v10;
	v14 =	vand.u32 @!p0 $0xFFFFFFF0, v14  }
0x195: {  	v10 =	vor.u32 @!p0 v10, v14  }
0x196: {  	v14 =	vperm.xlane @!p0 v10, v11;
	_ =	sdelay $0x1  }
0x197: {  	v10 =	vperm.xlane @!p0 v10, v12;
	v14 =	vadd.s32 @!p0 v13, v14;
	_ =	sdelay $0x1  }
0x198: {  	v10 =	vadd.s32 @!p0 v13, v10;
	_ =	sdelay $0x1  }
0x199: {  	s26 =	simm.s32 @!p0 $0xD780  }
0x19a: {  	[tilespmem:s26], [sflag:$0x1] =	stream.indirect_vreg.gather @!p0 [hbm4b:s7+s1], $0x80, v14, vm1, $0xb8;
	[tilespmem:$0x17780] =	vst v63  }
0x19b: {  	s26 =	simm.s32 @!p0 $0xDF80  }
0x19c: {  	[tilespmem:s26], [sflag:$0x1] =	stream.indirect_vreg.gather @!p0 [hbm4b:s7+s1], $0x80, v10, vm1, $0xb8;
	[tilespmem:$0x17780] =	vst v63  }
0x19d: {  	v10 =	vld @!p0 [tilespmem:$0x3BB0];
	_ =	sdelay $0x4  }
0x19e: {  	v14 =	vshll.u32 @!p0 v10, $0x1  }
0x19f: {  	v10 =	vand.u32 @!p0 $0x7, v10;
	v14 =	vand.u32 @!p0 $0xFFFFFFF0, v14  }
0x1a0: {  	v10 =	vor.u32 @!p0 v10, v14  }
0x1a1: {  	v11 =	vperm.xlane @!p0 v10, v11;
	_ =	sdelay $0x1  }
0x1a2: {  	v10 =	vperm.xlane @!p0 v10, v12;
	v11 =	vadd.s32 @!p0 v13, v11;
	_ =	sdelay $0x1  }
0x1a3: {  	v10 =	vadd.s32 @!p0 v13, v10;
	_ =	sdelay $0x1  }
0x1a4: {  	s26 =	simm.s32 @!p0 $0xE780  }
0x1a5: {  	[tilespmem:s26], [sflag:$0x1] =	stream.indirect_vreg.gather @!p0 [hbm4b:s7+s1], $0x80, v11, vm1, $0xb8;
	[tilespmem:$0x17780] =	vst v63  }
0x1a6: {  	s26 =	simm.s32 @!p0 $0xEF80  }
0x1a7: {  	[tilespmem:s26], [sflag:$0x1] =	stream.indirect_vreg.gather @!p0 [hbm4b:s7+s1], $0x80, v10, vm1, $0xb8;
	[tilespmem:$0x17780] =	vst v63  }
0x1a8: {  	p0 =	sgt.s32 s21, $0x1  }
0x1a9: {  	p1 =	slt.s32 @!p0 s25, $0x2  }
0x1aa: {  	p0 =	por p1, p0  }
0x1ab: {  	v10 =	vld @!p0 [tilespmem:$0x3C00];
	_ =	sdelay $0x4  }
0x1ac: {  	v11 =	vshll.u32 @!p0 v10, $0x1  }
0x1ad: {  	v12 =	vlaneseq.u32 @!p0;
	v10 =	vand.u32 @!p0 $0x7, v10;
	v11 =	vand.u32 @!p0 $0xFFFFFFF0, v11  }
0x1ae: {  	v13 =	vshrl.u32 @!p0 v12, $0x3;
	v10 =	vor.u32 @!p0 v10, v11;
	v11 =	vand.u32 @!p0 $0x7, v12  }
0x1af: {  	v13 =	vmul.u32 @!p0 $0x8, v13;
	v14 =	vperm.xlane @!p0 v10, v11  }
0x1b0: {  	v12 =	vor.u32 @!p0 $0x8, v12  }
0x1b1: {  	v10 =	vperm.xlane @!p0 v10, v12;
	v14 =	vadd.s32 @!p0 v13, v14;
	_ =	sdelay $0x1  }
0x1b2: {  	v10 =	vadd.s32 @!p0 v13, v10;
	_ =	sdelay $0x1  }
0x1b3: {  	vm1 =	vmmov @!p0 $0xffff;
	s1 =	simm.s32 @!p0 $0x0;
	s26 =	simm.s32 @!p0 $0xF780  }
0x1b4: {  	[tilespmem:s26], [sflag:$0x1] =	stream.indirect_vreg.gather @!p0 [hbm4b:s7+s1], $0x80, v14, vm1, $0xb8;
	[tilespmem:$0x17780] =	vst v63  }
0x1b5: {  	s26 =	simm.s32 @!p0 $0xFF80  }
0x1b6: {  	[tilespmem:s26], [sflag:$0x1] =	stream.indirect_vreg.gather @!p0 [hbm4b:s7+s1], $0x80, v10, vm1, $0xb8;
	[tilespmem:$0x17780] =	vst v63  }
0x1b7: {  	v10 =	vld @!p0 [tilespmem:$0x3C10];
	_ =	sdelay $0x4  }
0x1b8: {  	v14 =	vshll.u32 @!p0 v10, $0x1  }
0x1b9: {  	v10 =	vand.u32 @!p0 $0x7, v10;
	v14 =	vand.u32 @!p0 $0xFFFFFFF0, v14  }
0x1ba: {  	v10 =	vor.u32 @!p0 v10, v14  }
0x1bb: {  	v14 =	vperm.xlane @!p0 v10, v11;
	_ =	sdelay $0x1  }
0x1bc: {  	v10 =	vperm.xlane @!p0 v10, v12;
	v14 =	vadd.s32 @!p0 v13, v14;
	_ =	sdelay $0x1  }
0x1bd: {  	v10 =	vadd.s32 @!p0 v13, v10;
	_ =	sdelay $0x1  }
0x1be: {  	s26 =	simm.s32 @!p0 $0x10780  }
0x1bf: {  	[tilespmem:s26], [sflag:$0x1] =	stream.indirect_vreg.gather @!p0 [hbm4b:s7+s1], $0x80, v14, vm1, $0xb8;
	[tilespmem:$0x17780] =	vst v63  }
0x1c0: {  	s26 =	simm.s32 @!p0 $0x10F80  }
0x1c1: {  	[tilespmem:s26], [sflag:$0x1] =	stream.indirect_vreg.gather @!p0 [hbm4b:s7+s1], $0x80, v10, vm1, $0xb8;
	[tilespmem:$0x17780] =	vst v63  }
0x1c2: {  	v10 =	vld @!p0 [tilespmem:$0x3C20];
	_ =	sdelay $0x4  }
0x1c3: {  	v14 =	vshll.u32 @!p0 v10, $0x1  }
0x1c4: {  	v10 =	vand.u32 @!p0 $0x7, v10;
	v14 =	vand.u32 @!p0 $0xFFFFFFF0, v14  }
0x1c5: {  	v10 =	vor.u32 @!p0 v10, v14  }
0x1c6: {  	v14 =	vperm.xlane @!p0 v10, v11;
	_ =	sdelay $0x1  }
0x1c7: {  	v10 =	vperm.xlane @!p0 v10, v12;
	v14 =	vadd.s32 @!p0 v13, v14;
	_ =	sdelay $0x1  }
0x1c8: {  	v10 =	vadd.s32 @!p0 v13, v10;
	_ =	sdelay $0x1  }
0x1c9: {  	s26 =	simm.s32 @!p0 $0x11780  }
0x1ca: {  	[tilespmem:s26], [sflag:$0x1] =	stream.indirect_vreg.gather @!p0 [hbm4b:s7+s1], $0x80, v14, vm1, $0xb8;
	[tilespmem:$0x17780] =	vst v63  }
0x1cb: {  	s26 =	simm.s32 @!p0 $0x11F80  }
0x1cc: {  	[tilespmem:s26], [sflag:$0x1] =	stream.indirect_vreg.gather @!p0 [hbm4b:s7+s1], $0x80, v10, vm1, $0xb8;
	[tilespmem:$0x17780] =	vst v63  }
0x1cd: {  	v10 =	vld @!p0 [tilespmem:$0x3C30];
	_ =	sdelay $0x4  }
0x1ce: {  	v14 =	vshll.u32 @!p0 v10, $0x1  }
0x1cf: {  	v10 =	vand.u32 @!p0 $0x7, v10;
	v14 =	vand.u32 @!p0 $0xFFFFFFF0, v14  }
0x1d0: {  	v10 =	vor.u32 @!p0 v10, v14  }
0x1d1: {  	v11 =	vperm.xlane @!p0 v10, v11;
	_ =	sdelay $0x1  }
0x1d2: {  	v10 =	vperm.xlane @!p0 v10, v12;
	v11 =	vadd.s32 @!p0 v13, v11;
	_ =	sdelay $0x1  }
0x1d3: {  	v10 =	vadd.s32 @!p0 v13, v10;
	_ =	sdelay $0x1  }
.Ltmp10:
0x1d4: {  	s26 =	simm.s32 @!p0 $0x12780;
	(pc) =	sbr.rel .LBB2_14-.Ltmp10, $4  }
0x1d5: {  	[tilespmem:s26], [sflag:$0x1] =	stream.indirect_vreg.gather @!p0 [hbm4b:s7+s1], $0x80, v11, vm1, $0xb8;
	[tilespmem:$0x17780] =	vst v63  }
0x1d6: {  	s26 =	simm.s32 @!p0 $0x12F80  }
0x1d7: {  	[tilespmem:s26], [sflag:$0x1] =	stream.indirect_vreg.gather @!p0 [hbm4b:s7+s1], $0x80, v10, vm1, $0xb8;
	[tilespmem:$0x17780] =	vst v63  }
0x1d8: {  	s29 =	simm.s32 $0x3CB0;
	s28 =	simm.s32 $0x4FA0;
	s26 =	simm.s32 $0x0  }
.LBB2_16:
0x1d9: {  	s26 =	sadd.s32 $0x1, s26  }
0x1da: {  	p0 =	sne.s32 s26, $0x28  }
.Ltmp11:
0x1db: {  	_ = 	snop;
	(pc) =	sbr.rel @!p0 .LBB2_17-.Ltmp11, $2  }
0x1dc: {  	_ =	sdelay $0x2  }
0x1dd: {  	s28 =	sadd.s32 $0x80, s28;
	s29 =	sadd.s32 $0x80, s29  }
.LBB2_14:
0x1de: {  	p0 =	sge.s32 s26, s25  }
0x1df: {  	s1 =	simm.s32 @!p0 $0x1  }
0x1e0: {  	_ =	swait.ge @!p0 [sflag:s1], $0x4000  }
0x1e1: {  	[sflag:s1] =	ssyncset.done @!p0 $0x0  }
0x1e2: {  	[sflag:s1] =	ssyncadd.s32 @!p0 $0xFFFFC000  }
0x1e3: {  	v10 =	vld @!p0 [tilespmem:s28+$0xFFFFFFE0];
	_ =	sdelay $0x4  }
0x1e4: {  	s1 =	smul.u32 @!p0 $0xAB, s26;
	v11 =	vshll.u32 @!p0 v10, $0x1  }
0x1e5: {  	v12 =	vlaneseq.u32 @!p0;
	v10 =	vand.u32 @!p0 $0x7, v10;
	v11 =	vand.u32 @!p0 $0xFFFFFFF0, v11  }
0x1e6: {  	v13 =	vshrl.u32 @!p0 v12, $0x3;
	s1 =	sshrl.u32 @!p0 s1, $0x9;
	v10 =	vor.u32 @!p0 v10, v11;
	v11 =	vand.u32 @!p0 $0x7, v12  }
0x1e7: {  	v13 =	vmul.u32 @!p0 $0x8, v13;
	s1 =	sand.u32 @!p0 $0x7F, s1;
	v14 =	vperm.xlane @!p0 v10, v11  }
0x1e8: {  	s1 =	smul.u32 @!p0 $0x3, s1;
	v12 =	vor.u32 @!p0 $0x8, v12  }
0x1e9: {  	v10 =	vperm.xlane @!p0 v10, v12;
	v14 =	vadd.s32 @!p0 v13, v14  }
0x1ea: {  	s1 =	ssub.s32 @!p0 s26, s1  }
0x1eb: {  	s1 =	sand.u32 @!p0 $0xFF, s1;
	v10 =	vadd.s32 @!p0 v13, v10  }
0x1ec: {  	s1 =	sshll.u32 @!p0 s1, $0xE  }
0x1ed: {  	vm1 =	vmmov @!p0 $0xffff;
	s31 =	simm.s32 @!p0 $0x0;
	s30 =	sadd.s32 @!p0 $0xB780, s1  }
0x1ee: {  	[hbm4b:s6+s31] =	stream.indirect_vreg.scatter @!p0 [tilespmem:s30], [sflag:$0x2], $0x80, v14, vm1, $0xb8;
	[tilespmem:$0x17780] =	vst v63  }
0x1ef: {  	s30 =	sadd.s32 @!p0 $0xBF80, s1  }
0x1f0: {  	[hbm4b:s6+s31] =	stream.indirect_vreg.scatter @!p0 [tilespmem:s30], [sflag:$0x2], $0x80, v10, vm1, $0xb8;
	[tilespmem:$0x17780] =	vst v63  }
0x1f1: {  	v10 =	vld @!p0 [tilespmem:s28+$0xFFFFFFF0];
	_ =	sdelay $0x4  }
0x1f2: {  	v14 =	vshll.u32 @!p0 v10, $0x1  }
0x1f3: {  	v10 =	vand.u32 @!p0 $0x7, v10;
	v14 =	vand.u32 @!p0 $0xFFFFFFF0, v14  }
0x1f4: {  	v10 =	vor.u32 @!p0 v10, v14  }
0x1f5: {  	v14 =	vperm.xlane @!p0 v10, v11;
	_ =	sdelay $0x1  }
0x1f6: {  	v10 =	vperm.xlane @!p0 v10, v12;
	v14 =	vadd.s32 @!p0 v13, v14;
	_ =	sdelay $0x1  }
0x1f7: {  	v10 =	vadd.s32 @!p0 v13, v10;
	_ =	sdelay $0x1  }
0x1f8: {  	s30 =	sadd.s32 @!p0 $0xC780, s1  }
0x1f9: {  	[hbm4b:s6+s31] =	stream.indirect_vreg.scatter @!p0 [tilespmem:s30], [sflag:$0x2], $0x80, v14, vm1, $0xb8;
	[tilespmem:$0x17780] =	vst v63  }
0x1fa: {  	s30 =	sadd.s32 @!p0 $0xCF80, s1  }
0x1fb: {  	[hbm4b:s6+s31] =	stream.indirect_vreg.scatter @!p0 [tilespmem:s30], [sflag:$0x2], $0x80, v10, vm1, $0xb8;
	[tilespmem:$0x17780] =	vst v63  }
0x1fc: {  	v10 =	vld @!p0 [tilespmem:s28+$0x0];
	_ =	sdelay $0x4  }
0x1fd: {  	v14 =	vshll.u32 @!p0 v10, $0x1  }
0x1fe: {  	v10 =	vand.u32 @!p0 $0x7, v10;
	v14 =	vand.u32 @!p0 $0xFFFFFFF0, v14  }
0x1ff: {  	v10 =	vor.u32 @!p0 v10, v14  }
0x200: {  	v14 =	vperm.xlane @!p0 v10, v11;
	_ =	sdelay $0x1  }
0x201: {  	v10 =	vperm.xlane @!p0 v10, v12;
	v14 =	vadd.s32 @!p0 v13, v14;
	_ =	sdelay $0x1  }
0x202: {  	v10 =	vadd.s32 @!p0 v13, v10;
	_ =	sdelay $0x1  }
0x203: {  	s30 =	sadd.s32 @!p0 $0xD780, s1  }
0x204: {  	[hbm4b:s6+s31] =	stream.indirect_vreg.scatter @!p0 [tilespmem:s30], [sflag:$0x2], $0x80, v14, vm1, $0xb8;
	[tilespmem:$0x17780] =	vst v63  }
0x205: {  	s30 =	sadd.s32 @!p0 $0xDF80, s1  }
0x206: {  	[hbm4b:s6+s31] =	stream.indirect_vreg.scatter @!p0 [tilespmem:s30], [sflag:$0x2], $0x80, v10, vm1, $0xb8;
	[tilespmem:$0x17780] =	vst v63  }
0x207: {  	v10 =	vld @!p0 [tilespmem:s28+$0x10];
	_ =	sdelay $0x4  }
0x208: {  	v14 =	vshll.u32 @!p0 v10, $0x1  }
0x209: {  	v10 =	vand.u32 @!p0 $0x7, v10;
	v14 =	vand.u32 @!p0 $0xFFFFFFF0, v14  }
0x20a: {  	v10 =	vor.u32 @!p0 v10, v14  }
0x20b: {  	v11 =	vperm.xlane @!p0 v10, v11;
	_ =	sdelay $0x1  }
0x20c: {  	v11 =	vadd.s32 @!p0 v13, v11  }
0x20d: {  	v10 =	vperm.xlane @!p0 v10, v12;
	_ =	sdelay $0x1  }
0x20e: {  	v10 =	vadd.s32 @!p0 v13, v10  }
0x20f: {  	s30 =	sadd.s32 @!p0 $0xE780, s1  }
0x210: {  	[hbm4b:s6+s31] =	stream.indirect_vreg.scatter @!p0 [tilespmem:s30], [sflag:$0x2], $0x80, v11, vm1, $0xb8;
	[tilespmem:$0x17780] =	vst v63  }
0x211: {  	s30 =	sadd.s32 @!p0 $0x2, s26  }
0x212: {  	s1 =	sadd.s32 @!p0 $0xEF80, s1;
	p1 =	sge.u32 @!p0 s30, s25  }
0x213: {  	[hbm4b:s6+s31] =	stream.indirect_vreg.scatter @!p0 [tilespmem:s1], [sflag:$0x2], $0x80, v10, vm1, $0xb8;
	[tilespmem:$0x17780] =	vst v63  }
0x214: {  	p0 =	por p0, p1  }
0x215: {  	p1 =	slt.s32 @!p0 s30, s21  }
0x216: {  	p0 =	por p0, p1  }
.Ltmp12:
0x217: {  	_ = 	snop;
	(pc) =	sbr.rel @p0 .LBB2_16-.Ltmp12, $1  }
0x218: {  	_ =	sdelay $0x3  }
0x219: {  	p0 =	seq.s32 s26, $0x0  }
0x21a: {  	s1 =	simm.s32 @!p0 $0x2  }
0x21b: {  	_ =	swait.ge @!p0 [sflag:s1], $0x4000  }
0x21c: {  	[sflag:s1] =	ssyncset.done @!p0 $0x0  }
0x21d: {  	[sflag:s1] =	ssyncadd.s32 @!p0 $0xFFFFC000  }
0x21e: {  	v10 =	vld [tilespmem:s29+$0xFFFFFFD0];
	_ =	sdelay $0x4  }
0x21f: {  	s31 =	smul.u32 $0xAB, s30;
	v11 =	vshll.u32 v10, $0x1  }
0x220: {  	v10 =	vand.u32 $0x7, v10;
	v11 =	vand.u32 $0xFFFFFFF0, v11  }
0x221: {  	s1 =	sshrl.u32 s31, $0x9;
	v10 =	vor.u32 v10, v11  }
0x222: {  	s1 =	sand.u32 $0x7F, s1;
	v11 =	vperm.xlane v10, v5  }
0x223: {  	s1 =	smul.u32 $0x3, s1  }
0x224: {  	v10 =	vperm.xlane v10, v7;
	v11 =	vadd.s32 v6, v11  }
0x225: {  	s1 =	ssub.s32 s30, s1  }
0x226: {  	s1 =	sand.u32 $0xFF, s1;
	v10 =	vadd.s32 v6, v10  }
0x227: {  	s1 =	sshll.u32 s1, $0xE  }
0x228: {  	s31 =	sadd.s32 $0xB780, s1  }
0x229: {  	[tilespmem:s31], [sflag:$0x1] =	stream.indirect_vreg.gather [hbm4b:s7+s2], $0x80, v11, vm0, $0xb8;
	[tilespmem:$0x17780] =	vst v63  }
0x22a: {  	s31 =	sadd.s32 $0xBF80, s1  }
0x22b: {  	[tilespmem:s31], [sflag:$0x1] =	stream.indirect_vreg.gather [hbm4b:s7+s2], $0x80, v10, vm0, $0xb8;
	[tilespmem:$0x17780] =	vst v63  }
0x22c: {  	v10 =	vld [tilespmem:s29+$0xFFFFFFE0];
	_ =	sdelay $0x4  }
0x22d: {  	v11 =	vshll.u32 v10, $0x1  }
0x22e: {  	v10 =	vand.u32 $0x7, v10;
	v11 =	vand.u32 $0xFFFFFFF0, v11  }
0x22f: {  	v10 =	vor.u32 v10, v11  }
0x230: {  	v11 =	vperm.xlane v10, v5;
	_ =	sdelay $0x1  }
0x231: {  	v10 =	vperm.xlane v10, v7;
	v11 =	vadd.s32 v6, v11;
	_ =	sdelay $0x1  }
0x232: {  	v10 =	vadd.s32 v6, v10;
	_ =	sdelay $0x1  }
0x233: {  	s31 =	sadd.s32 $0xC780, s1  }
0x234: {  	[tilespmem:s31], [sflag:$0x1] =	stream.indirect_vreg.gather [hbm4b:s7+s2], $0x80, v11, vm0, $0xb8;
	[tilespmem:$0x17780] =	vst v63  }
0x235: {  	s31 =	sadd.s32 $0xCF80, s1  }
0x236: {  	[tilespmem:s31], [sflag:$0x1] =	stream.indirect_vreg.gather [hbm4b:s7+s2], $0x80, v10, vm0, $0xb8;
	[tilespmem:$0x17780] =	vst v63  }
0x237: {  	v10 =	vld [tilespmem:s29+$0xFFFFFFF0];
	_ =	sdelay $0x4  }
0x238: {  	v11 =	vshll.u32 v10, $0x1  }
0x239: {  	v10 =	vand.u32 $0x7, v10;
	v11 =	vand.u32 $0xFFFFFFF0, v11  }
0x23a: {  	v10 =	vor.u32 v10, v11  }
0x23b: {  	v11 =	vperm.xlane v10, v5;
	_ =	sdelay $0x1  }
0x23c: {  	v10 =	vperm.xlane v10, v7;
	v11 =	vadd.s32 v6, v11;
	_ =	sdelay $0x1  }
0x23d: {  	v10 =	vadd.s32 v6, v10;
	_ =	sdelay $0x1  }
0x23e: {  	s31 =	sadd.s32 $0xD780, s1  }
0x23f: {  	[tilespmem:s31], [sflag:$0x1] =	stream.indirect_vreg.gather [hbm4b:s7+s2], $0x80, v11, vm0, $0xb8;
	[tilespmem:$0x17780] =	vst v63  }
0x240: {  	s31 =	sadd.s32 $0xDF80, s1  }
0x241: {  	[tilespmem:s31], [sflag:$0x1] =	stream.indirect_vreg.gather [hbm4b:s7+s2], $0x80, v10, vm0, $0xb8;
	[tilespmem:$0x17780] =	vst v63  }
0x242: {  	v10 =	vld [tilespmem:s29+$0x0];
	_ =	sdelay $0x4  }
0x243: {  	v11 =	vshll.u32 v10, $0x1  }
0x244: {  	v10 =	vand.u32 $0x7, v10;
	v11 =	vand.u32 $0xFFFFFFF0, v11  }
0x245: {  	v10 =	vor.u32 v10, v11  }
0x246: {  	v11 =	vperm.xlane v10, v5;
	_ =	sdelay $0x1  }
0x247: {  	v10 =	vperm.xlane v10, v7;
	v11 =	vadd.s32 v6, v11;
	_ =	sdelay $0x1  }
0x248: {  	v10 =	vadd.s32 v6, v10  }
.Ltmp13:
0x249: {  	_ = 	snop;
	(pc) =	sbr.rel .LBB2_16-.Ltmp13, $4  }
0x24a: {  	s31 =	sadd.s32 $0xE780, s1  }
0x24b: {  	[tilespmem:s31], [sflag:$0x1] =	stream.indirect_vreg.gather [hbm4b:s7+s2], $0x80, v11, vm0, $0xb8;
	[tilespmem:$0x17780] =	vst v63  }
0x24c: {  	s1 =	sadd.s32 $0xEF80, s1  }
0x24d: {  	[tilespmem:s1], [sflag:$0x1] =	stream.indirect_vreg.gather [hbm4b:s7+s2], $0x80, v10, vm0, $0xb8;
	[tilespmem:$0x17780] =	vst v63  }
.LBB2_17:
0x24e: {  	p0 =	slt.s32 s25, $0x1  }
0x24f: {  	s1 =	simm.s32 @!p0 $0x2  }
0x250: {  	p1 =	slt.s32 @!p0 s25, $0x2;
	_ =	swait.ge @!p0 [sflag:s1], $0x4000  }
0x251: {  	p2 =	por p1, p0;
	[sflag:s1] =	ssyncset.done @!p0 $0x0  }
0x252: {  	p3 =	seq.s32 @!p2 s25, $0x2;
	[sflag:s1] =	ssyncadd.s32 @!p0 $0xFFFFC000;
	s1 =	simm.s32 @!p2 $0x2  }
0x253: {  	p1 =	por @!p0 p3, p1;
	_ =	swait.ge @!p2 [sflag:s1], $0x4000  }
0x254: {  	p1 =	por p1, p0;
	[sflag:s1] =	ssyncset.done @!p2 $0x0  }
0x255: {  	[sflag:s1] =	ssyncadd.s32 @!p2 $0xFFFFC000;
	s1 =	simm.s32 @!p1 $0x2  }
0x256: {  	_ =	swait.ge @!p1 [sflag:s1], $0x4000  }
0x257: {  	p0 =	sle.s32 s24, $0x0;
	[sflag:s1] =	ssyncset.done @!p1 $0x0  }
0x258: {  	s26 =	simm.s32 @!p0 $0x3;
	[sflag:s1] =	ssyncadd.s32 @!p1 $0xFFFFC000  }
0x259: {  	_ =	swait.ge @!p0 [sflag:s26], $0x4000  }
0x25a: {  	s21 =	simm.s32 $0x1;
	[sflag:s26] =	ssyncset.done @!p0 $0x0  }
.LBB2_18:
0x25b: {  	s1 =	smov.u32 s21;
	s21 =	sadd.s32 $0x1, s21  }
0x25c: {  	[sflag:s26] =	ssyncadd.s32 @!p0 $0xFFFFC000;
	p1 =	sne.s32 s21, $0x28  }
.Ltmp14:
0x25d: {  	(pc) =	sbr.rel @p1 .LBB2_18-.Ltmp14, $4  }
0x25e: {  	p0 =	sge.s32 s1, s24  }
0x25f: {  	s26 =	simm.s32 @!p0 $0x3  }
0x260: {  	_ =	swait.ge @!p0 [sflag:s26], $0x4000  }
0x261: {  	[sflag:s26] =	ssyncset.done @!p0 $0x0  }
0x262: {  	p1 =	seq.s32 s22, $0x0  }
0x263: {  	[sflag:s26] =	ssyncadd.s32 @!p0 $0xFFFFC000;
	s21 =	sshll.u32 @!p1 s25, $0x7  }
0x264: {  	v11 =	vld @!p1 [tilespmem:s21+$0x3B80];
	_ =	sdelay $0x4  }
0x265: {  	v10 =	vmov @!p1 s22;
	v12 =	vlaneseq.u32 @!p1;
	v13 =	vbroadcast @!p1 v11, $0x0  }
0x266: {  	vm1 =	vgt.u32 @!p1 v10, v12  }
0x267: {  	v14 =	vld @!p1 [tilespmem:s21+$0x4F80];
	v11 =	vsel @!p1 vm1, v11, v13  }
0x268: {  	v13 =	vshll.u32 @!p1 v11, $0x1  }
0x269: {  	v11 =	vand.u32 @!p1 $0x7, v11;
	v13 =	vand.u32 @!p1 $0xFFFFFFF0, v13  }
0x26a: {  	v15 =	vshrl.u32 @!p1 v12, $0x3;
	v11 =	vor.u32 @!p1 v11, v13;
	v13 =	vand.u32 @!p1 $0x7, v12  }
0x26b: {  	v15 =	vmul.u32 @!p1 $0x8, v15;
	v16 =	vperm.xlane @!p1 v11, v13  }
0x26c: {  	v17 =	vbroadcast @!p1 v14, $0x0;
	v12 =	vor.u32 @!p1 $0x8, v12  }
0x26d: {  	v11 =	vperm.xlane @!p1 v11, v12;
	v16 =	vadd.s32 @!p1 v15, v16  }
0x26e: {  	v14 =	vsel @!p1 vm1, v14, v17  }
0x26f: {  	v17 =	vshll.u32 @!p1 v14, $0x1;
	v11 =	vadd.s32 @!p1 v15, v11  }
0x270: {  	v14 =	vand.u32 @!p1 $0x7, v14;
	v17 =	vand.u32 @!p1 $0xFFFFFFF0, v17  }
0x271: {  	s1 =	simm.s32 @!p1 $0x0;
	s25 =	simm.s32 @!p1 $0xB780;
	vm1 =	vmmov @!p1 $0xffff;
	v14 =	vor.u32 @!p1 v14, v17  }
0x272: {  	v13 =	vperm.xlane @!p1 v14, v13;
	[tilespmem:s25], [sflag:$0x1] =	stream.indirect_vreg.gather @!p1 [hbm4b:s7+s1], $0x80, v16, vm1, $0xb8;
	[tilespmem:$0x17780] =	vst v63  }
0x273: {  	s26 =	simm.s32 @!p1 $0xBF80  }
0x274: {  	v12 =	vperm.xlane @!p1 v14, v12;
	[tilespmem:s26], [sflag:$0x1] =	stream.indirect_vreg.gather @!p1 [hbm4b:s7+s1], $0x80, v11, vm1, $0xb8;
	v11 =	vadd.s32 @!p1 v15, v13;
	[tilespmem:$0x17780] =	vst v63  }
0x275: {  	s28 =	simm.s32 @!p1 $0x1  }
0x276: {  	v12 =	vadd.s32 @!p1 v15, v12;
	_ =	swait.ge @!p1 [sflag:s28], $0x1000  }
0x277: {  	[sflag:s28] =	ssyncset.done @!p1 $0x0  }
0x278: {  	[sflag:s28] =	ssyncadd.s32 @!p1 $0xFFFFF000  }
0x279: {  	[hbm4b:s6+s1] =	stream.indirect_vreg.scatter @!p1 [tilespmem:s25], [sflag:$0x2], $0x80, v11, vm1, $0xb8;
	[tilespmem:$0x17780] =	vst v63  }
0x27a: {  	p0 =	slt.u32 @!p1 s22, $0x11  }
0x27b: {  	[hbm4b:s6+s1] =	stream.indirect_vreg.scatter @!p1 [tilespmem:s26], [sflag:$0x2], $0x80, v12, vm1, $0xb8;
	[tilespmem:$0x17780] =	vst v63  }
0x27c: {  	p0 =	por p1, p0;
	s1 =	simm.s32 @!p1 $0x2  }
0x27d: {  	s25 =	smin.u32 @!p0 s22, $0x20;
	_ =	swait.ge @!p1 [sflag:s1], $0x1000  }
0x27e: {  	s25 =	sadd.s32 @!p0 $0xFFFFFFF0, s25;
	[sflag:s1] =	ssyncset.done @!p1 $0x0  }
0x27f: {  	[sflag:s1] =	ssyncadd.s32 @!p1 $0xFFFFF000;
	s1 =	sadd.s32 @!p0 s25, s21  }
0x280: {  	v11 =	vld @!p0 [tilespmem:s1+$0x3B80];
	_ =	sdelay $0x3  }
0x281: {  	v12 =	vlaneseq.u32 @!p0  }
0x282: {  	v13 =	vadd.s32 @!p0 s25, v12;
	v14 =	vbroadcast @!p0 v11, $0x0  }
0x283: {  	vm1 =	vlt.s32 @!p0 v13, v10  }
0x284: {  	v13 =	vld @!p0 [tilespmem:s1+$0x4F80];
	v11 =	vsel @!p0 vm1, v11, v14  }
0x285: {  	v14 =	vshll.u32 @!p0 v11, $0x1  }
0x286: {  	v11 =	vand.u32 @!p0 $0x7, v11;
	v14 =	vand.u32 @!p0 $0xFFFFFFF0, v14  }
0x287: {  	v15 =	vshrl.u32 @!p0 v12, $0x3;
	v11 =	vor.u32 @!p0 v11, v14;
	v14 =	vand.u32 @!p0 $0x7, v12  }
0x288: {  	v15 =	vmul.u32 @!p0 $0x8, v15;
	v16 =	vperm.xlane @!p0 v11, v14  }
0x289: {  	v17 =	vbroadcast @!p0 v13, $0x0;
	v12 =	vor.u32 @!p0 $0x8, v12  }
0x28a: {  	v11 =	vperm.xlane @!p0 v11, v12;
	v16 =	vadd.s32 @!p0 v15, v16  }
0x28b: {  	v13 =	vsel @!p0 vm1, v13, v17  }
0x28c: {  	v17 =	vshll.u32 @!p0 v13, $0x1;
	v11 =	vadd.s32 @!p0 v15, v11  }
0x28d: {  	v13 =	vand.u32 @!p0 $0x7, v13;
	v17 =	vand.u32 @!p0 $0xFFFFFFF0, v17  }
0x28e: {  	s25 =	simm.s32 @!p0 $0xB780;
	s1 =	simm.s32 @!p0 $0x0;
	vm1 =	vmmov @!p0 $0xffff;
	v13 =	vor.u32 @!p0 v13, v17  }
0x28f: {  	v14 =	vperm.xlane @!p0 v13, v14;
	[tilespmem:s25], [sflag:$0x1] =	stream.indirect_vreg.gather @!p0 [hbm4b:s7+s1], $0x80, v16, vm1, $0xb8;
	[tilespmem:$0x17780] =	vst v63  }
0x290: {  	s26 =	simm.s32 @!p0 $0xBF80  }
0x291: {  	v12 =	vperm.xlane @!p0 v13, v12;
	[tilespmem:s26], [sflag:$0x1] =	stream.indirect_vreg.gather @!p0 [hbm4b:s7+s1], $0x80, v11, vm1, $0xb8;
	v11 =	vadd.s32 @!p0 v15, v14;
	[tilespmem:$0x17780] =	vst v63  }
0x292: {  	s28 =	simm.s32 @!p0 $0x1  }
0x293: {  	v12 =	vadd.s32 @!p0 v15, v12;
	_ =	swait.ge @!p0 [sflag:s28], $0x1000  }
0x294: {  	[sflag:s28] =	ssyncset.done @!p0 $0x0  }
0x295: {  	p1 =	slt.u32 @!p0 s22, $0x21;
	[sflag:s28] =	ssyncadd.s32 @!p0 $0xFFFFF000  }
0x296: {  	[hbm4b:s6+s1] =	stream.indirect_vreg.scatter @!p0 [tilespmem:s25], [sflag:$0x2], $0x80, v11, vm1, $0xb8;
	[tilespmem:$0x17780] =	vst v63  }
0x297: {  	p1 =	por p0, p1  }
0x298: {  	[hbm4b:s6+s1] =	stream.indirect_vreg.scatter @!p0 [tilespmem:s26], [sflag:$0x2], $0x80, v12, vm1, $0xb8;
	[tilespmem:$0x17780] =	vst v63  }
.Ltmp15:
0x299: {  	_ = 	snop;
	(pc) =	sbr.rel @p1 .LBB2_21-.Ltmp15, $4  }
0x29a: {  	s1 =	simm.s32 @!p0 $0x2  }
0x29b: {  	_ =	swait.ge @!p0 [sflag:s1], $0x1000  }
0x29c: {  	[sflag:s1] =	ssyncset.done @!p0 $0x0  }
0x29d: {  	[sflag:s1] =	ssyncadd.s32 @!p0 $0xFFFFF000  }
0x29e: {  	s1 =	smin.u32 s22, $0x30  }
0x29f: {  	s1 =	sadd.s32 $0xFFFFFFF0, s1  }
0x2a0: {  	s25 =	sadd.s32 s1, s21  }
0x2a1: {  	v11 =	vld [tilespmem:s25+$0x3B80];
	_ =	sdelay $0x4  }
0x2a2: {  	v12 =	vadd.s32 s1, v2;
	v13 =	vbroadcast v11, $0x0  }
0x2a3: {  	vm1 =	vlt.s32 v12, v10;
	v59 =	vld [tilespmem:s25+$0x4F80]  }
0x2a4: {  	v11 =	vsel vm1, v11, v13  }
0x2a5: {  	v13 =	vshll.u32 v11, $0x1  }
0x2a6: {  	v11 =	vand.u32 $0x7, v11;
	v13 =	vand.u32 $0xFFFFFFF0, v13  }
0x2a7: {  	v11 =	vor.u32 v11, v13  }
0x2a8: {  	v60 =	vbroadcast v59, $0x0;
	v14 =	vperm.xlane v11, v5;
	_ =	sdelay $0x1  }
0x2a9: {  	v12 =	vsel vm1, v59, v60;
	v11 =	vperm.xlane v11, v7;
	v61 =	vadd.s32 v6, v14  }
0x2aa: {  	v62 =	vshll.u32 v12, $0x1  }
0x2ab: {  	v12 =	vand.u32 $0x7, v12;
	v11 =	vadd.s32 v6, v11;
	v14 =	vand.u32 $0xFFFFFFF0, v62  }
0x2ac: {  	v12 =	vor.u32 v12, v14  }
0x2ad: {  	v14 =	vperm.xlane v12, v5  }
0x2ae: {  	[tilespmem:s15], [sflag:$0x1] =	stream.indirect_vreg.gather [hbm4b:s7+s2], $0x80, v61, vm0, $0xb8;
	[tilespmem:$0x17780] =	vst v63  }
0x2af: {  	v12 =	vperm.xlane v12, v7;
	v63 =	vadd.s32 v6, v14  }
0x2b0: {  	[tilespmem:s16], [sflag:$0x1] =	stream.indirect_vreg.gather [hbm4b:s7+s2], $0x80, v11, vm0, $0xb8;
	[tilespmem:$0x17780] =	vst v63  }
0x2b1: {  	v11 =	vadd.s32 v6, v12;
	_ =	swait.ge [sflag:s4], $0x1000  }
0x2b2: {  	[sflag:s4] =	ssyncset.done $0x0  }
0x2b3: {  	[sflag:s4] =	ssyncadd.s32 $0xFFFFF000  }
0x2b4: {  	[hbm4b:s6+s2] =	stream.indirect_vreg.scatter [tilespmem:s15], [sflag:$0x2], $0x80, v63, vm0, $0xb8;
	[tilespmem:$0x17780] =	vst v63  }
0x2b5: {  	_ = 	snop  }
0x2b6: {  	[hbm4b:s6+s2] =	stream.indirect_vreg.scatter [tilespmem:s16], [sflag:$0x2], $0x80, v11, vm0, $0xb8;
	[tilespmem:$0x17780] =	vst v63  }
0x2b7: {  	p0 =	slt.u32 s22, $0x31;
	_ =	swait.ge [sflag:s17], $0x1000  }
0x2b8: {  	s1 =	sadd.s32 @!p0 $0xFFFFFFF0, s22;
	[sflag:s17] =	ssyncset.done $0x0  }
0x2b9: {  	s21 =	sadd.s32 @!p0 s1, s21;
	[sflag:s17] =	ssyncadd.s32 $0xFFFFF000  }
0x2ba: {  	v11 =	vld @!p0 [tilespmem:s21+$0x3B80];
	_ =	sdelay $0x3  }
0x2bb: {  	v12 =	vlaneseq.u32 @!p0  }
0x2bc: {  	v13 =	vadd.s32 @!p0 s1, v12;
	v14 =	vbroadcast @!p0 v11, $0x0  }
0x2bd: {  	vm1 =	vlt.s32 @!p0 v13, v10  }
0x2be: {  	v10 =	vld @!p0 [tilespmem:s21+$0x4F80];
	v11 =	vsel @!p0 vm1, v11, v14  }
0x2bf: {  	v13 =	vshll.u32 @!p0 v11, $0x1  }
0x2c0: {  	v11 =	vand.u32 @!p0 $0x7, v11;
	v13 =	vand.u32 @!p0 $0xFFFFFFF0, v13  }
0x2c1: {  	v14 =	vshrl.u32 @!p0 v12, $0x3;
	v11 =	vor.u32 @!p0 v11, v13;
	v13 =	vand.u32 @!p0 $0x7, v12  }
0x2c2: {  	v14 =	vmul.u32 @!p0 $0x8, v14;
	v15 =	vperm.xlane @!p0 v11, v13  }
0x2c3: {  	v16 =	vbroadcast @!p0 v10, $0x0;
	v12 =	vor.u32 @!p0 $0x8, v12  }
0x2c4: {  	v11 =	vperm.xlane @!p0 v11, v12;
	v15 =	vadd.s32 @!p0 v14, v15  }
0x2c5: {  	v10 =	vsel @!p0 vm1, v10, v16  }
0x2c6: {  	v16 =	vshll.u32 @!p0 v10, $0x1;
	v11 =	vadd.s32 @!p0 v14, v11  }
0x2c7: {  	v10 =	vand.u32 @!p0 $0x7, v10;
	v16 =	vand.u32 @!p0 $0xFFFFFFF0, v16  }
0x2c8: {  	s1 =	simm.s32 @!p0 $0x0;
	s21 =	simm.s32 @!p0 $0xB780;
	vm1 =	vmmov @!p0 $0xffff;
	v10 =	vor.u32 @!p0 v10, v16  }
0x2c9: {  	v13 =	vperm.xlane @!p0 v10, v13;
	[tilespmem:s21], [sflag:$0x1] =	stream.indirect_vreg.gather @!p0 [hbm4b:s7+s1], $0x80, v15, vm1, $0xb8;
	[tilespmem:$0x17780] =	vst v63  }
0x2ca: {  	s22 =	simm.s32 @!p0 $0xBF80  }
0x2cb: {  	v10 =	vperm.xlane @!p0 v10, v12;
	[tilespmem:s22], [sflag:$0x1] =	stream.indirect_vreg.gather @!p0 [hbm4b:s7+s1], $0x80, v11, vm1, $0xb8;
	v11 =	vadd.s32 @!p0 v14, v13;
	[tilespmem:$0x17780] =	vst v63  }
0x2cc: {  	s25 =	simm.s32 @!p0 $0x1  }
0x2cd: {  	v10 =	vadd.s32 @!p0 v14, v10;
	_ =	swait.ge @!p0 [sflag:s25], $0x1000  }
0x2ce: {  	[sflag:s25] =	ssyncset.done @!p0 $0x0  }
0x2cf: {  	[sflag:s25] =	ssyncadd.s32 @!p0 $0xFFFFF000  }
0x2d0: {  	[hbm4b:s6+s1] =	stream.indirect_vreg.scatter @!p0 [tilespmem:s21], [sflag:$0x2], $0x80, v11, vm1, $0xb8;
	[tilespmem:$0x17780] =	vst v63  }
0x2d1: {  	_ = 	snop  }
0x2d2: {  	[hbm4b:s6+s1] =	stream.indirect_vreg.scatter @!p0 [tilespmem:s22], [sflag:$0x2], $0x80, v10, vm1, $0xb8;
	[tilespmem:$0x17780] =	vst v63  }
0x2d3: {  	s1 =	simm.s32 @!p0 $0x2  }
0x2d4: {  	_ =	swait.ge @!p0 [sflag:s1], $0x1000  }
0x2d5: {  	[sflag:s1] =	ssyncset.done @!p0 $0x0  }
0x2d6: {  	[sflag:s1] =	ssyncadd.s32 @!p0 $0xFFFFF000  }
.LBB2_21:
0x2d7: {  	s21 =	sand.u32 $0x3F, s23  }
0x2d8: {  	p0 =	seq.s32 s21, $0x0  }
0x2d9: {  	s1 =	sshll.u32 @!p0 s24, $0x9  }
0x2da: {  	s22 =	sshra.s32 @!p0 s1, $0x2  }
0x2db: {  	v11 =	vld @!p0 [tilespmem:s22+$0x6380];
	_ =	sdelay $0x4  }
0x2dc: {  	v10 =	vmov @!p0 s21;
	v12 =	vlaneseq.u32 @!p0;
	v13 =	vbroadcast @!p0 v11, $0x0  }
0x2dd: {  	vm1 =	vgt.u32 @!p0 v10, v12  }
0x2de: {  	v11 =	vsel @!p0 vm1, v11, v13  }
0x2df: {  	v13 =	vshll.u32 @!p0 v11, $0x1  }
0x2e0: {  	v11 =	vand.u32 @!p0 $0x7, v11;
	v13 =	vand.u32 @!p0 $0xFFFFFFF0, v13  }
0x2e1: {  	v14 =	vshrl.u32 @!p0 v12, $0x3;
	v11 =	vor.u32 @!p0 v11, v13;
	v13 =	vand.u32 @!p0 $0x7, v12  }
0x2e2: {  	v14 =	vmul.u32 @!p0 $0x8, v14;
	v13 =	vperm.xlane @!p0 v11, v13  }
0x2e3: {  	v12 =	vor.u32 @!p0 $0x8, v12  }
0x2e4: {  	v11 =	vperm.xlane @!p0 v11, v12;
	v13 =	vadd.s32 @!p0 v14, v13;
	_ =	sdelay $0x1  }
0x2e5: {  	v11 =	vadd.s32 @!p0 v14, v11;
	_ =	sdelay $0x1  }
0x2e6: {  	s23 =	simm.s32 @!p0 $0x7780;
	p1 =	slt.u32 @!p0 s21, $0x11;
	s1 =	simm.s32 @!p0 $0x0;
	vm1 =	vmmov @!p0 $0xffff  }
0x2e7: {  	[hbm4b:s6+s1] =	stream.indirect_vreg.scatter @!p0 [tilespmem:s23], [sflag:$0x2], $0x80, v13, vm1, $0xb8;
	[tilespmem:$0x17780] =	vst v63  }
0x2e8: {  	p1 =	por p0, p1;
	s23 =	simm.s32 @!p0 $0x7F80  }
0x2e9: {  	[hbm4b:s6+s1] =	stream.indirect_vreg.scatter @!p0 [tilespmem:s23], [sflag:$0x2], $0x80, v11, vm1, $0xb8;
	[tilespmem:$0x17780] =	vst v63  }
.Ltmp16:
0x2ea: {  	_ = 	snop;
	(pc) =	sbr.rel @p1 .LBB2_23-.Ltmp16, $4  }
0x2eb: {  	s1 =	simm.s32 @!p0 $0x2  }
0x2ec: {  	_ =	swait.ge @!p0 [sflag:s1], $0x1000  }
0x2ed: {  	[sflag:s1] =	ssyncset.done @!p0 $0x0  }
0x2ee: {  	[sflag:s1] =	ssyncadd.s32 @!p0 $0xFFFFF000  }
0x2ef: {  	s1 =	smin.u32 s21, $0x20  }
0x2f0: {  	s22 =	sadd.s32 @!p0 $0x6380, s22;
	s1 =	sadd.s32 $0xFFFFFFF0, s1  }
0x2f1: {  	s23 =	sadd.s32 s1, s22  }
0x2f2: {  	v11 =	vld [tilespmem:s23+$0x0];
	_ =	sdelay $0x4  }
0x2f3: {  	v12 =	vadd.s32 s1, v2;
	v13 =	vbroadcast v11, $0x0  }
0x2f4: {  	vm1 =	vlt.s32 v12, v10  }
0x2f5: {  	v11 =	vsel vm1, v11, v13  }
0x2f6: {  	v63 =	vshll.u32 v11, $0x1  }
0x2f7: {  	v11 =	vand.u32 $0x7, v11;
	v12 =	vand.u32 $0xFFFFFFF0, v63  }
0x2f8: {  	v11 =	vor.u32 v11, v12  }
0x2f9: {  	v12 =	vperm.xlane v11, v5;
	_ =	sdelay $0x1  }
0x2fa: {  	v11 =	vperm.xlane v11, v7;
	v12 =	vadd.s32 v6, v12;
	_ =	sdelay $0x1  }
0x2fb: {  	v11 =	vadd.s32 v6, v11;
	_ =	sdelay $0x2  }
0x2fc: {  	[hbm4b:s6+s2] =	stream.indirect_vreg.scatter [tilespmem:s18], [sflag:$0x2], $0x80, v12, vm0, $0xb8;
	[tilespmem:$0x17780] =	vst v63  }
0x2fd: {  	p0 =	slt.u32 s21, $0x21  }
0x2fe: {  	[hbm4b:s6+s2] =	stream.indirect_vreg.scatter [tilespmem:s19], [sflag:$0x2], $0x80, v11, vm0, $0xb8;
	[tilespmem:$0x17780] =	vst v63  }
0x2ff: {  	s1 =	smin.u32 @!p0 s21, $0x30;
	_ =	swait.ge [sflag:s17], $0x1000  }
0x300: {  	s1 =	sadd.s32 @!p0 $0xFFFFFFF0, s1;
	[sflag:s17] =	ssyncset.done $0x0  }
0x301: {  	s23 =	sadd.s32 @!p0 s1, s22;
	[sflag:s17] =	ssyncadd.s32 $0xFFFFF000  }
0x302: {  	v11 =	vld @!p0 [tilespmem:s23+$0x0];
	_ =	sdelay $0x3  }
0x303: {  	v12 =	vlaneseq.u32 @!p0  }
0x304: {  	v13 =	vadd.s32 @!p0 s1, v12;
	v14 =	vbroadcast @!p0 v11, $0x0  }
0x305: {  	vm1 =	vlt.s32 @!p0 v13, v10  }
0x306: {  	v11 =	vsel @!p0 vm1, v11, v14  }
0x307: {  	v13 =	vshll.u32 @!p0 v11, $0x1  }
0x308: {  	v11 =	vand.u32 @!p0 $0x7, v11;
	v13 =	vand.u32 @!p0 $0xFFFFFFF0, v13  }
0x309: {  	v14 =	vshrl.u32 @!p0 v12, $0x3;
	v11 =	vor.u32 @!p0 v11, v13;
	v13 =	vand.u32 @!p0 $0x7, v12  }
0x30a: {  	v14 =	vmul.u32 @!p0 $0x8, v14;
	v13 =	vperm.xlane @!p0 v11, v13  }
0x30b: {  	v12 =	vor.u32 @!p0 $0x8, v12  }
0x30c: {  	v11 =	vperm.xlane @!p0 v11, v12;
	v13 =	vadd.s32 @!p0 v14, v13;
	_ =	sdelay $0x1  }
0x30d: {  	v11 =	vadd.s32 @!p0 v14, v11;
	_ =	sdelay $0x1  }
0x30e: {  	s1 =	simm.s32 @!p0 $0x0;
	s23 =	simm.s32 @!p0 $0x7780;
	vm1 =	vmmov @!p0 $0xffff  }
0x30f: {  	[hbm4b:s6+s1] =	stream.indirect_vreg.scatter @!p0 [tilespmem:s23], [sflag:$0x2], $0x80, v13, vm1, $0xb8;
	[tilespmem:$0x17780] =	vst v63  }
0x310: {  	s23 =	simm.s32 @!p0 $0x7F80  }
0x311: {  	[hbm4b:s6+s1] =	stream.indirect_vreg.scatter @!p0 [tilespmem:s23], [sflag:$0x2], $0x80, v11, vm1, $0xb8;
	[tilespmem:$0x17780] =	vst v63  }
0x312: {  	p1 =	slt.u32 @!p0 s21, $0x31;
	s1 =	simm.s32 @!p0 $0x2  }
0x313: {  	p1 =	por p1, p0;
	_ =	swait.ge @!p0 [sflag:s1], $0x1000  }
0x314: {  	s21 =	sadd.s32 @!p1 $0xFFFFFFF0, s21;
	[sflag:s1] =	ssyncset.done @!p0 $0x0  }
0x315: {  	[sflag:s1] =	ssyncadd.s32 @!p0 $0xFFFFF000;
	s1 =	sadd.s32 @!p1 s21, s22  }
0x316: {  	v11 =	vld @!p1 [tilespmem:s1+$0x0];
	_ =	sdelay $0x3  }
0x317: {  	v12 =	vlaneseq.u32 @!p1  }
0x318: {  	v13 =	vadd.s32 @!p1 s21, v12;
	v14 =	vbroadcast @!p1 v11, $0x0  }
0x319: {  	vm1 =	vlt.s32 @!p1 v13, v10  }
0x31a: {  	v10 =	vsel @!p1 vm1, v11, v14  }
0x31b: {  	v11 =	vshll.u32 @!p1 v10, $0x1  }
0x31c: {  	v10 =	vand.u32 @!p1 $0x7, v10;
	v11 =	vand.u32 @!p1 $0xFFFFFFF0, v11  }
0x31d: {  	v13 =	vshrl.u32 @!p1 v12, $0x3;
	v10 =	vor.u32 @!p1 v10, v11;
	v11 =	vand.u32 @!p1 $0x7, v12  }
0x31e: {  	v13 =	vmul.u32 @!p1 $0x8, v13;
	v11 =	vperm.xlane @!p1 v10, v11  }
0x31f: {  	v12 =	vor.u32 @!p1 $0x8, v12  }
0x320: {  	v10 =	vperm.xlane @!p1 v10, v12;
	v11 =	vadd.s32 @!p1 v13, v11;
	_ =	sdelay $0x1  }
0x321: {  	v10 =	vadd.s32 @!p1 v13, v10;
	_ =	sdelay $0x1  }
0x322: {  	s21 =	simm.s32 @!p1 $0x7780;
	s1 =	simm.s32 @!p1 $0x0;
	vm1 =	vmmov @!p1 $0xffff  }
0x323: {  	[hbm4b:s6+s1] =	stream.indirect_vreg.scatter @!p1 [tilespmem:s21], [sflag:$0x2], $0x80, v11, vm1, $0xb8;
	[tilespmem:$0x17780] =	vst v63  }
0x324: {  	s21 =	simm.s32 @!p1 $0x7F80  }
0x325: {  	[hbm4b:s6+s1] =	stream.indirect_vreg.scatter @!p1 [tilespmem:s21], [sflag:$0x2], $0x80, v10, vm1, $0xb8;
	[tilespmem:$0x17780] =	vst v63  }
.Ltmp17:
0x326: {  	_ = 	snop;
	(pc) =	sbr.rel .LBB2_23-.Ltmp17, $4  }
0x327: {  	s1 =	simm.s32 @!p1 $0x2  }
0x328: {  	_ =	swait.ge @!p1 [sflag:s1], $0x1000  }
0x329: {  	[sflag:s1] =	ssyncset.done @!p1 $0x0  }
0x32a: {  	[sflag:s1] =	ssyncadd.s32 @!p1 $0xFFFFF000  }
.LBB2_24:
0x32b: {  	_ =	sfence.sel $0x180000  }
0x32c: {  	[bflag:$0x0] =	sbarrier.arrive $0xFFFF  }
0x32d: {  	_ =	strace $0x90000047  }
0x32e: {  	[bflag:$0x2] =	sbarrier.arrive $0xFFFF  }
0x32f: {  	p0 =	sne.s32 s0, $0x0;
	s0 =	rddreg [dreg:$0x3]  }
0x330: {  	s0 =	sadd.s32 @!p0 $0x100000, s0  }
0x331: {  	[sflag:s0] =	ssyncadd.tile.s32 @!p0 $0x1;
	_ =	shalt  }
.Lfunc_end2:
_tile_overlayer_lowered:
.L_overlay_start_2:
0x332: {  	(tag) =	ssettag $0x2  }
0x333: {  	s0 =	rddreg [dreg:$0x0];
	s2 =	stileid.u32  }
0x334: {  	s1 =	rddreg [dreg:$0x1];
	p0 =	sne.s32 s2, $0x0  }
0x335: {  	s3 =	rddreg [dreg:$0x2];
	[bflag:$0x3] =	sbarrier.arrive $0xFFFF;
	s2 =	simm.s32 @!p0 $0x1C04  }
0x336: {  	[timem:s3], [sflag:s2] =	dma.local @!p0 [hbm:s0], s1  }
0x337: {  	s0 =	simm.s32 @!p0 $0x4  }
0x338: {  	_ =	swait.ge @!p0 [sflag:s0], s1  }
0x339: {  	s1 =	ssub.s32 @!p0 $0x0, s1;
	[sflag:s0] =	ssyncset.done @!p0 $0x0  }
0x33a: {  	[sflag:s0] =	ssyncadd.s32 @!p0 s1  }
0x33b: {  	[bflag:$0x3] =	sbarrier.arrive $0xFFFF  }
0x33c: {  	_ =	shalt  }

</sc_bundles>
